<compile_context>
chip_gen: v7x
topology: tpu7x:2x2x1
jax: 0.10.2.dev20260603
libtpu: 0.0.44.dev20260713+nightly
codegen_flags: <defaults>
</compile_context>

<pallas_src>
import functools
import math

import jax
import jax.numpy as jnp
from jax import lax
from jax.experimental import pallas as pl
from jax.experimental.pallas import tpu as pltpu
from jax.experimental.pallas import tpu_sc as plsc

D_MODEL = 768
SCALE = math.sqrt(float(D_MODEL))
LANES = 16
TILE_W = 128


@functools.cache
def _make_kernel(SEQ, BATCH, V, D):
    B = SEQ * BATCH
    info = plsc.get_sparse_core_info()
    NC, NS = info.num_cores, info.num_subcores
    NW = NC * NS
    b_per_w = B // NW
    s_per_w = b_per_w // BATCH
    CH = 32
    n_ch = b_per_w // CH
    CH_S = CH // BATCH
    NT = D // TILE_W
    NJ = TILE_W // LANES

    mesh = plsc.VectorSubcoreMesh(core_axis_name="c", subcore_axis_name="s")

    @functools.partial(
        pl.kernel,
        mesh=mesh,
        out_type=jax.ShapeDtypeStruct((SEQ, NT, BATCH, TILE_W), jnp.float32),
        scratch_types=[
            pltpu.VMEM((BATCH, s_per_w), jnp.int32),
            pltpu.VMEM((CH, D), jnp.float32),
            pltpu.VMEM((CH, D), jnp.float32),
            pltpu.VMEM((CH_S, NT, BATCH, TILE_W), jnp.float32),
            pltpu.VMEM((CH_S, NT, BATCH, TILE_W), jnp.float32),
            pltpu.VMEM((CH_S * D,), jnp.float32),
            pltpu.VMEM((CH_S * D,), jnp.float32),
            pltpu.SemaphoreType.DMA,
            pltpu.SemaphoreType.DMA,
            pltpu.SemaphoreType.DMA,
            pltpu.SemaphoreType.DMA,
            pltpu.SemaphoreType.DMA,
            pltpu.SemaphoreType.DMA,
        ],
    )
    def k(xt_hbm, table_hbm, pe_hbm, out_hbm,
          idx_bm, rows0, rows1, ov0, ov1, pe0, pe1,
          sg0, sg1, sp0, sp1, so0, so1):
        rows = [rows0, rows1]
        outv = [ov0, ov1]
        pev = [pe0, pe1]
        sg = [sg0, sg1]
        sp = [sp0, sp1]
        so = [so0, so1]
        wid = lax.axis_index("s") * NC + lax.axis_index("c")
        base = wid * b_per_w

        pltpu.sync_copy(xt_hbm.at[wid], idx_bm)

        def start(c, p):
            cbase = pl.multiple_of(base + c * CH, CH)
            pltpu.make_async_copy(
                pe_hbm.at[pl.ds(pl.multiple_of((cbase // BATCH) * D, CH_S * D),
                                CH_S * D)],
                pev[p], sp[p],
            ).start()
            for b in range(BATCH):
                pltpu.make_async_copy(
                    table_hbm.at[
                        idx_bm.at[b, pl.ds(pl.multiple_of(c * CH_S, CH_S), CH_S)]
                    ],
                    rows[p].at[pl.ds(b * CH_S, CH_S)],
                    sg[p],
                ).start()

        def wait_in(p):
            for b in range(BATCH):
                pltpu.make_async_copy(
                    table_hbm.at[idx_bm.at[b, pl.ds(0, CH_S)]],
                    rows[p].at[pl.ds(b * CH_S, CH_S)],
                    sg[p],
                ).wait()
            pltpu.make_async_copy(
                pe_hbm.at[pl.ds(0, CH_S * D)], pev[p], sp[p]
            ).wait()

        def wait_out(p):
            pltpu.make_async_copy(
                outv[p], out_hbm.at[pl.ds(0, CH_S)], so[p]
            ).wait()

        def writeback(c, p):
            sbase = pl.multiple_of((base + c * CH) // BATCH, CH_S)
            pltpu.make_async_copy(
                outv[p], out_hbm.at[pl.ds(sbase, CH_S)], so[p]
            ).start()

        def compute(rows_v, pe_v, out_v):
            def s_body(si, carry2):
                @plsc.parallel_loop(0, NT * NJ, unroll=8)
                def d_body(di):
                    doff = di * LANES
                    ti = di >> 3
                    jcol = (di & 7) * LANES
                    pvec = pe_v[pl.ds(si * D + doff, LANES)]
                    for b in range(BATCH):
                        out_v[si, ti, b, pl.ds(jcol, LANES)] = (
                            rows_v[b * CH_S + si, pl.ds(doff, LANES)] * SCALE
                            + pvec
                        )

                return carry2

            lax.fori_loop(0, CH_S, s_body, 0)

        start(0, 0)
        for c in (0, 1):
            p = c & 1
            start(c + 1, 1 - p)
            wait_in(p)
            compute(rows[p], pev[p], outv[p])
            writeback(c, p)

        def pair_body(i, carry):
            c0 = i * 2
            for p in (0, 1):
                c = c0 + p

                @pl.when(c + 1 < n_ch)
                def _():
                    start(c + 1, 1 - p)

                wait_in(p)
                wait_out(p)
                compute(rows[p], pev[p], outv[p])
                writeback(c, p)
            return carry

        lax.fori_loop(1, n_ch // 2, pair_body, 0)
        wait_out(0)
        wait_out(1)

    return k


def kernel(x, table, pe):
    seq, batch = x.shape
    D = table.shape[1]
    x3 = x.reshape(seq // TILE_W, TILE_W, batch).transpose(0, 2, 1)
    pef = pe.reshape(pe.shape[0] * pe.shape[2])
    out4 = _make_kernel(seq, batch, table.shape[0], D)(x3, table, pef)
    return out4.transpose(0, 2, 1, 3).reshape(seq, batch, D)

# --- scband reference (transcript-rebuilt; emitter-appended) ---
"""Pipeline reference for scband-embeddings-with-positional-encoding-13709535609573 (READ-ONLY COPY).

The authoritative reference and input builder live on the scoring server;
editing this copy changes nothing except your own understanding.
"""

import math
import jax, jax.numpy as jnp
import numpy as np

D_MODEL = 768
N_VOCAB = 100000
MAX_LEN = 8192
SEQ_LEN = 4096
BATCH = 4


def get_positional_encoding(d_model, max_len):
    position = np.arange(0, max_len, dtype=np.float32)[:, None]
    two_i = np.arange(0, d_model, 2, dtype=np.float32)
    div_term = np.exp(two_i * -(math.log(10000.0) / d_model))
    enc = np.zeros((max_len, d_model), dtype=np.float32)
    enc[:, 0::2] = np.sin(position * div_term)
    enc[:, 1::2] = np.cos(position * div_term)
    # shape [max_len, 1, d_model] to broadcast over batch dim
    return jnp.asarray(enc[:, None, :])


def setup_inputs(seed: int = 0) -> dict:
    key = jax.random.key(seed)
    k1, k2 = jax.random.split(key)
    x = jax.random.randint(k1, (SEQ_LEN, BATCH), 0, N_VOCAB, dtype=jnp.int32)
    # learned embedding table (nn.Embedding weight)
    table = jax.random.normal(k2, (N_VOCAB, D_MODEL), dtype=jnp.float32)
    pe = get_positional_encoding(D_MODEL, MAX_LEN)
    return {"x": x, "table": table, "pe": pe}


def reference(x, table, pe):
    # embedding lookup (gather) scaled by sqrt(d_model), plus fixed positional encoding
    emb = jnp.take(table, x, axis=0)  # [seq, batch, d_model]
    out = emb * math.sqrt(D_MODEL) + pe[: x.shape[0]]
    return out

if __name__ == "__main__":
    import jax
    _d = setup_inputs()
    print(jax.jit(kernel)(*tuple(_d.values())))

</pallas_src>

<mosaic_0001>
#map = affine_map<(d0, d1) -> (0, 0, 0)>
#map1 = affine_map<(d0, d1) -> (0, 0)>
#map2 = affine_map<(d0, d1) -> (0)>
#map3 = affine_map<(d0, d1) -> (0, 0, 0, 0)>
module attributes {stable_mosaic.version = 14 : i64} {
  func.func @k(%arg0: i32, %arg1: i32, %arg2: memref<32x4x128xi32, #tpu.memory_space<hbm>>, %arg3: memref<100000x768xf32, #tpu.memory_space<hbm>>, %arg4: memref<6291456xf32, #tpu.memory_space<hbm>>, %arg5: memref<4096x6x4x128xf32, #tpu.memory_space<hbm>>, %arg6: memref<4x128xi32, #tpu.memory_space<vmem>>, %arg7: memref<32x768xf32, #tpu.memory_space<vmem>>, %arg8: memref<32x768xf32, #tpu.memory_space<vmem>>, %arg9: memref<8x6x4x128xf32, #tpu.memory_space<vmem>>, %arg10: memref<8x6x4x128xf32, #tpu.memory_space<vmem>>, %arg11: memref<6144xf32, #tpu.memory_space<vmem>>, %arg12: memref<6144xf32, #tpu.memory_space<vmem>>, %arg13: memref<!tpu.dma_semaphore, #tpu.memory_space<semaphore_mem>>, %arg14: memref<!tpu.dma_semaphore, #tpu.memory_space<semaphore_mem>>, %arg15: memref<!tpu.dma_semaphore, #tpu.memory_space<semaphore_mem>>, %arg16: memref<!tpu.dma_semaphore, #tpu.memory_space<semaphore_mem>>, %arg17: memref<!tpu.dma_semaphore, #tpu.memory_space<semaphore_mem>>, %arg18: memref<!tpu.dma_semaphore, #tpu.memory_space<semaphore_mem>>) attributes {dimension_semantics = [#tpu.dimension_semantics<core_parallel>, #tpu.dimension_semantics<subcore_parallel>], iteration_bounds = array<i64: 2, 16>, scalar_prefetch = 0 : i64, scratch_operands = 13 : i64, tpu.core_type = #tpu.core_type<sc_vector_subcore>, window_params = [{transform_indices = #map}, {transform_indices = #map1}, {transform_indices = #map2}, {transform_indices = #map3}]} {
    %mul3A = arith.constant 2 : i32
    %mul3A_0 = arith.muli %arg1, %mul3A : i32
    %add3A = arith.addi %mul3A_0, %arg0 : i32
    %mul3A_1 = arith.constant 512 : i32
    %mul3A_2 = arith.muli %add3A, %mul3A_1 : i32
    "tpu.region"() ({
      %run_scoped3A = tpu.sem_alloc : memref<!tpu.dma_semaphore, #tpu.memory_space<semaphore_mem>>
      %dma_start3A_415 = arith.constant 0 : i32
      %dma_start3A_416 = arith.constant 0 : i32
      %dma_start3A_417 = tpu.memref_slice %arg2[%add3A, %dma_start3A_415, %dma_start3A_416] : memref<32x4x128xi32, #tpu.memory_space<hbm>> -> memref<1x4x128xi32, #tpu.memory_space<hbm>>
      %dma_start3A_418 = tpu.memref_squeeze %dma_start3A_417 : memref<1x4x128xi32, #tpu.memory_space<hbm>> -> memref<4x128xi32, #tpu.memory_space<hbm>>
      %dma_start3A_419 = arith.constant 0 : i32
      %dma_start3A_420 = arith.constant 0 : i32
      %dma_start3A_421 = tpu.memref_slice %arg2[%add3A, %dma_start3A_419, %dma_start3A_420] : memref<32x4x128xi32, #tpu.memory_space<hbm>> -> memref<1x4x128xi32, #tpu.memory_space<hbm>>
      %dma_start3A_422 = tpu.memref_squeeze %dma_start3A_421 : memref<1x4x128xi32, #tpu.memory_space<hbm>> -> memref<4x128xi32, #tpu.memory_space<hbm>>
      tpu.enqueue_dma source(%dma_start3A_422 : memref<4x128xi32, #tpu.memory_space<hbm>>) target(%arg6 : memref<4x128xi32, #tpu.memory_space<vmem>>) target_semaphore(%run_scoped3A : memref<!tpu.dma_semaphore, #tpu.memory_space<semaphore_mem>>)
      %dma_wait3A_423 = arith.constant 0 : i32
      %dma_wait3A_424 = arith.constant 0 : i32
      %dma_wait3A_425 = tpu.memref_slice %arg2[%add3A, %dma_wait3A_423, %dma_wait3A_424] : memref<32x4x128xi32, #tpu.memory_space<hbm>> -> memref<1x4x128xi32, #tpu.memory_space<hbm>>
      %dma_wait3A_426 = tpu.memref_squeeze %dma_wait3A_425 : memref<1x4x128xi32, #tpu.memory_space<hbm>> -> memref<4x128xi32, #tpu.memory_space<hbm>>
      %dma_wait3A_427 = arith.constant 0 : i32
      %dma_wait3A_428 = arith.constant 0 : i32
      %dma_wait3A_429 = tpu.memref_slice %arg2[%add3A, %dma_wait3A_427, %dma_wait3A_428] : memref<32x4x128xi32, #tpu.memory_space<hbm>> -> memref<1x4x128xi32, #tpu.memory_space<hbm>>
      %dma_wait3A_430 = tpu.memref_squeeze %dma_wait3A_429 : memref<1x4x128xi32, #tpu.memory_space<hbm>> -> memref<4x128xi32, #tpu.memory_space<hbm>>
      tpu.wait_dma2 semaphore(%run_scoped3A : memref<!tpu.dma_semaphore, #tpu.memory_space<semaphore_mem>>) src(%dma_wait3A_430 : memref<4x128xi32, #tpu.memory_space<hbm>>) dst(%arg6 : memref<4x128xi32, #tpu.memory_space<vmem>>)
      tpu.yield
    }) : () -> ()
    %add3A_3 = arith.constant 0 : i32
    %add3A_4 = arith.addi %mul3A_2, %add3A_3 : i32
    %multiple_of3A = tpu.assume_multiple %add3A_4, 32 : i32
    %jit3A = arith.constant 4 : i32
    %div3A = arith.divsi %multiple_of3A, %jit3A : i32
    %sign3A = arith.constant 0 : i32
    %sign3A_5 = arith.cmpi sgt, %multiple_of3A, %sign3A : i32
    %sign3A_6 = arith.extui %sign3A_5 : i1 to i32
    %sign3A_7 = arith.constant 0 : i32
    %sign3A_8 = arith.cmpi slt, %multiple_of3A, %sign3A_7 : i32
    %sign3A_9 = arith.extui %sign3A_8 : i1 to i32
    %sign3A_10 = arith.subi %sign3A_6, %sign3A_9 : i32
    %sign3A_11 = arith.constant 0 : i32
    %sign3A_12 = arith.cmpi sgt, %jit3A, %sign3A_11 : i32
    %sign3A_13 = arith.extui %sign3A_12 : i1 to i32
    %sign3A_14 = arith.constant 0 : i32
    %sign3A_15 = arith.cmpi slt, %jit3A, %sign3A_14 : i32
    %sign3A_16 = arith.extui %sign3A_15 : i1 to i32
    %sign3A_17 = arith.subi %sign3A_13, %sign3A_16 : i32
    %ne3A = arith.cmpi ne, %sign3A_10, %sign3A_17 : i32
    %rem3A = arith.remsi %multiple_of3A, %jit3A : i32
    %ne3A_18 = arith.constant 0 : i32
    %ne3A_19 = arith.cmpi ne, %rem3A, %ne3A_18 : i32
    %and3A = arith.andi %ne3A, %ne3A_19 : i1
    %sub3A = arith.constant 1 : i32
    %sub3A_20 = arith.subi %div3A, %sub3A : i32
    %select_n3A = arith.select %and3A, %sub3A_20, %div3A : i32
    %mul3A_21 = arith.constant 768 : i32
    %mul3A_22 = arith.muli %select_n3A, %mul3A_21 : i32
    %multiple_of3A_23 = tpu.assume_multiple %mul3A_22, 6144 : i32
    %dma_start3A = tpu.memref_slice %arg4[%multiple_of3A_23] : memref<6291456xf32, #tpu.memory_space<hbm>> -> memref<6144xf32, #tpu.memory_space<hbm>>
    %dma_start3A_24 = tpu.memref_slice %arg4[%multiple_of3A_23] : memref<6291456xf32, #tpu.memory_space<hbm>> -> memref<6144xf32, #tpu.memory_space<hbm>>
    tpu.enqueue_dma source(%dma_start3A_24 : memref<6144xf32, #tpu.memory_space<hbm>>) target(%arg11 : memref<6144xf32, #tpu.memory_space<vmem>>) target_semaphore(%arg15 : memref<!tpu.dma_semaphore, #tpu.memory_space<semaphore_mem>>)
    %multiple_of3A_25 = arith.constant 0 : i32
    %multiple_of3A_26 = tpu.assume_multiple %multiple_of3A_25, 8 : i32
    %dma_start3A_27 = arith.constant 0 : i32
    %dma_start3A_28 = arith.constant 0 : i32
    %dma_start3A_29 = arith.constant 0 : i32
    %dma_start3A_30 = tpu.memref_slice %arg7[%dma_start3A_28, %dma_start3A_29] : memref<32x768xf32, #tpu.memory_space<vmem>> -> memref<8x768xf32, #tpu.memory_space<vmem>>
    %dma_start3A_31 = tpu.memref_slice %arg6[%dma_start3A_27, %multiple_of3A_26] : memref<4x128xi32, #tpu.memory_space<vmem>> -> memref<1x8xi32, #tpu.memory_space<vmem>>
    %dma_start3A_32 = tpu.memref_squeeze %dma_start3A_31 : memref<1x8xi32, #tpu.memory_space<vmem>> -> memref<8xi32, #tpu.memory_space<vmem>>
    %dma_start3A_33 = arith.constant 0 : i32
    %dma_start3A_34 = arith.constant 0 : i32
    %dma_start3A_35 = tpu.memref_slice %arg3[%dma_start3A_33, %dma_start3A_34] : memref<100000x768xf32, #tpu.memory_space<hbm>> -> memref<100000x768xf32, #tpu.memory_space<hbm>>
    tpu.enqueue_indirect_dma source(%dma_start3A_35 : memref<100000x768xf32, #tpu.memory_space<hbm>>) target(%dma_start3A_30 : memref<8x768xf32, #tpu.memory_space<vmem>>) offsets(%dma_start3A_32 : memref<8xi32, #tpu.memory_space<vmem>>) semaphore(%arg13 : memref<!tpu.dma_semaphore, #tpu.memory_space<semaphore_mem>>)
    %multiple_of3A_36 = arith.constant 0 : i32
    %multiple_of3A_37 = tpu.assume_multiple %multiple_of3A_36, 8 : i32
    %dma_start3A_38 = arith.constant 1 : i32
    %dma_start3A_39 = arith.constant 8 : i32
    %dma_start3A_40 = arith.constant 0 : i32
    %dma_start3A_41 = tpu.memref_slice %arg7[%dma_start3A_39, %dma_start3A_40] : memref<32x768xf32, #tpu.memory_space<vmem>> -> memref<8x768xf32, #tpu.memory_space<vmem>>
    %dma_start3A_42 = tpu.memref_slice %arg6[%dma_start3A_38, %multiple_of3A_37] : memref<4x128xi32, #tpu.memory_space<vmem>> -> memref<1x8xi32, #tpu.memory_space<vmem>>
    %dma_start3A_43 = tpu.memref_squeeze %dma_start3A_42 : memref<1x8xi32, #tpu.memory_space<vmem>> -> memref<8xi32, #tpu.memory_space<vmem>>
    %dma_start3A_44 = arith.constant 0 : i32
    %dma_start3A_45 = arith.constant 0 : i32
    %dma_start3A_46 = tpu.memref_slice %arg3[%dma_start3A_44, %dma_start3A_45] : memref<100000x768xf32, #tpu.memory_space<hbm>> -> memref<100000x768xf32, #tpu.memory_space<hbm>>
    tpu.enqueue_indirect_dma source(%dma_start3A_46 : memref<100000x768xf32, #tpu.memory_space<hbm>>) target(%dma_start3A_41 : memref<8x768xf32, #tpu.memory_space<vmem>>) offsets(%dma_start3A_43 : memref<8xi32, #tpu.memory_space<vmem>>) semaphore(%arg13 : memref<!tpu.dma_semaphore, #tpu.memory_space<semaphore_mem>>)
    %multiple_of3A_47 = arith.constant 0 : i32
    %multiple_of3A_48 = tpu.assume_multiple %multiple_of3A_47, 8 : i32
    %dma_start3A_49 = arith.constant 2 : i32
    %dma_start3A_50 = arith.constant 16 : i32
    %dma_start3A_51 = arith.constant 0 : i32
    %dma_start3A_52 = tpu.memref_slice %arg7[%dma_start3A_50, %dma_start3A_51] : memref<32x768xf32, #tpu.memory_space<vmem>> -> memref<8x768xf32, #tpu.memory_space<vmem>>
    %dma_start3A_53 = tpu.memref_slice %arg6[%dma_start3A_49, %multiple_of3A_48] : memref<4x128xi32, #tpu.memory_space<vmem>> -> memref<1x8xi32, #tpu.memory_space<vmem>>
    %dma_start3A_54 = tpu.memref_squeeze %dma_start3A_53 : memref<1x8xi32, #tpu.memory_space<vmem>> -> memref<8xi32, #tpu.memory_space<vmem>>
    %dma_start3A_55 = arith.constant 0 : i32
    %dma_start3A_56 = arith.constant 0 : i32
    %dma_start3A_57 = tpu.memref_slice %arg3[%dma_start3A_55, %dma_start3A_56] : memref<100000x768xf32, #tpu.memory_space<hbm>> -> memref<100000x768xf32, #tpu.memory_space<hbm>>
    tpu.enqueue_indirect_dma source(%dma_start3A_57 : memref<100000x768xf32, #tpu.memory_space<hbm>>) target(%dma_start3A_52 : memref<8x768xf32, #tpu.memory_space<vmem>>) offsets(%dma_start3A_54 : memref<8xi32, #tpu.memory_space<vmem>>) semaphore(%arg13 : memref<!tpu.dma_semaphore, #tpu.memory_space<semaphore_mem>>)
    %multiple_of3A_58 = arith.constant 0 : i32
    %multiple_of3A_59 = tpu.assume_multiple %multiple_of3A_58, 8 : i32
    %dma_start3A_60 = arith.constant 3 : i32
    %dma_start3A_61 = arith.constant 24 : i32
    %dma_start3A_62 = arith.constant 0 : i32
    %dma_start3A_63 = tpu.memref_slice %arg7[%dma_start3A_61, %dma_start3A_62] : memref<32x768xf32, #tpu.memory_space<vmem>> -> memref<8x768xf32, #tpu.memory_space<vmem>>
    %dma_start3A_64 = tpu.memref_slice %arg6[%dma_start3A_60, %multiple_of3A_59] : memref<4x128xi32, #tpu.memory_space<vmem>> -> memref<1x8xi32, #tpu.memory_space<vmem>>
    %dma_start3A_65 = tpu.memref_squeeze %dma_start3A_64 : memref<1x8xi32, #tpu.memory_space<vmem>> -> memref<8xi32, #tpu.memory_space<vmem>>
    %dma_start3A_66 = arith.constant 0 : i32
    %dma_start3A_67 = arith.constant 0 : i32
    %dma_start3A_68 = tpu.memref_slice %arg3[%dma_start3A_66, %dma_start3A_67] : memref<100000x768xf32, #tpu.memory_space<hbm>> -> memref<100000x768xf32, #tpu.memory_space<hbm>>
    tpu.enqueue_indirect_dma source(%dma_start3A_68 : memref<100000x768xf32, #tpu.memory_space<hbm>>) target(%dma_start3A_63 : memref<8x768xf32, #tpu.memory_space<vmem>>) offsets(%dma_start3A_65 : memref<8xi32, #tpu.memory_space<vmem>>) semaphore(%arg13 : memref<!tpu.dma_semaphore, #tpu.memory_space<semaphore_mem>>)
    %add3A_69 = arith.constant 32 : i32
    %add3A_70 = arith.addi %mul3A_2, %add3A_69 : i32
    %multiple_of3A_71 = tpu.assume_multiple %add3A_70, 32 : i32
    %jit3A_72 = arith.constant 4 : i32
    %div3A_73 = arith.divsi %multiple_of3A_71, %jit3A_72 : i32
    %sign3A_74 = arith.constant 0 : i32
    %sign3A_75 = arith.cmpi sgt, %multiple_of3A_71, %sign3A_74 : i32
    %sign3A_76 = arith.extui %sign3A_75 : i1 to i32
    %sign3A_77 = arith.constant 0 : i32
    %sign3A_78 = arith.cmpi slt, %multiple_of3A_71, %sign3A_77 : i32
    %sign3A_79 = arith.extui %sign3A_78 : i1 to i32
    %sign3A_80 = arith.subi %sign3A_76, %sign3A_79 : i32
    %sign3A_81 = arith.constant 0 : i32
    %sign3A_82 = arith.cmpi sgt, %jit3A_72, %sign3A_81 : i32
    %sign3A_83 = arith.extui %sign3A_82 : i1 to i32
    %sign3A_84 = arith.constant 0 : i32
    %sign3A_85 = arith.cmpi slt, %jit3A_72, %sign3A_84 : i32
    %sign3A_86 = arith.extui %sign3A_85 : i1 to i32
    %sign3A_87 = arith.subi %sign3A_83, %sign3A_86 : i32
    %ne3A_88 = arith.cmpi ne, %sign3A_80, %sign3A_87 : i32
    %rem3A_89 = arith.remsi %multiple_of3A_71, %jit3A_72 : i32
    %ne3A_90 = arith.constant 0 : i32
    %ne3A_91 = arith.cmpi ne, %rem3A_89, %ne3A_90 : i32
    %and3A_92 = arith.andi %ne3A_88, %ne3A_91 : i1
    %sub3A_93 = arith.constant 1 : i32
    %sub3A_94 = arith.subi %div3A_73, %sub3A_93 : i32
    %select_n3A_95 = arith.select %and3A_92, %sub3A_94, %div3A_73 : i32
    %mul3A_96 = arith.constant 768 : i32
    %mul3A_97 = arith.muli %select_n3A_95, %mul3A_96 : i32
    %multiple_of3A_98 = tpu.assume_multiple %mul3A_97, 6144 : i32
    %dma_start3A_99 = tpu.memref_slice %arg4[%multiple_of3A_98] : memref<6291456xf32, #tpu.memory_space<hbm>> -> memref<6144xf32, #tpu.memory_space<hbm>>
    %dma_start3A_100 = tpu.memref_slice %arg4[%multiple_of3A_98] : memref<6291456xf32, #tpu.memory_space<hbm>> -> memref<6144xf32, #tpu.memory_space<hbm>>
    tpu.enqueue_dma source(%dma_start3A_100 : memref<6144xf32, #tpu.memory_space<hbm>>) target(%arg12 : memref<6144xf32, #tpu.memory_space<vmem>>) target_semaphore(%arg16 : memref<!tpu.dma_semaphore, #tpu.memory_space<semaphore_mem>>)
    %multiple_of3A_101 = arith.constant 8 : i32
    %multiple_of3A_102 = tpu.assume_multiple %multiple_of3A_101, 8 : i32
    %dma_start3A_103 = arith.constant 0 : i32
    %dma_start3A_104 = arith.constant 0 : i32
    %dma_start3A_105 = arith.constant 0 : i32
    %dma_start3A_106 = tpu.memref_slice %arg8[%dma_start3A_104, %dma_start3A_105] : memref<32x768xf32, #tpu.memory_space<vmem>> -> memref<8x768xf32, #tpu.memory_space<vmem>>
    %dma_start3A_107 = tpu.memref_slice %arg6[%dma_start3A_103, %multiple_of3A_102] : memref<4x128xi32, #tpu.memory_space<vmem>> -> memref<1x8xi32, #tpu.memory_space<vmem>>
    %dma_start3A_108 = tpu.memref_squeeze %dma_start3A_107 : memref<1x8xi32, #tpu.memory_space<vmem>> -> memref<8xi32, #tpu.memory_space<vmem>>
    %dma_start3A_109 = arith.constant 0 : i32
    %dma_start3A_110 = arith.constant 0 : i32
    %dma_start3A_111 = tpu.memref_slice %arg3[%dma_start3A_109, %dma_start3A_110] : memref<100000x768xf32, #tpu.memory_space<hbm>> -> memref<100000x768xf32, #tpu.memory_space<hbm>>
    tpu.enqueue_indirect_dma source(%dma_start3A_111 : memref<100000x768xf32, #tpu.memory_space<hbm>>) target(%dma_start3A_106 : memref<8x768xf32, #tpu.memory_space<vmem>>) offsets(%dma_start3A_108 : memref<8xi32, #tpu.memory_space<vmem>>) semaphore(%arg14 : memref<!tpu.dma_semaphore, #tpu.memory_space<semaphore_mem>>)
    %multiple_of3A_112 = arith.constant 8 : i32
    %multiple_of3A_113 = tpu.assume_multiple %multiple_of3A_112, 8 : i32
    %dma_start3A_114 = arith.constant 1 : i32
    %dma_start3A_115 = arith.constant 8 : i32
    %dma_start3A_116 = arith.constant 0 : i32
    %dma_start3A_117 = tpu.memref_slice %arg8[%dma_start3A_115, %dma_start3A_116] : memref<32x768xf32, #tpu.memory_space<vmem>> -> memref<8x768xf32, #tpu.memory_space<vmem>>
    %dma_start3A_118 = tpu.memref_slice %arg6[%dma_start3A_114, %multiple_of3A_113] : memref<4x128xi32, #tpu.memory_space<vmem>> -> memref<1x8xi32, #tpu.memory_space<vmem>>
    %dma_start3A_119 = tpu.memref_squeeze %dma_start3A_118 : memref<1x8xi32, #tpu.memory_space<vmem>> -> memref<8xi32, #tpu.memory_space<vmem>>
    %dma_start3A_120 = arith.constant 0 : i32
    %dma_start3A_121 = arith.constant 0 : i32
    %dma_start3A_122 = tpu.memref_slice %arg3[%dma_start3A_120, %dma_start3A_121] : memref<100000x768xf32, #tpu.memory_space<hbm>> -> memref<100000x768xf32, #tpu.memory_space<hbm>>
    tpu.enqueue_indirect_dma source(%dma_start3A_122 : memref<100000x768xf32, #tpu.memory_space<hbm>>) target(%dma_start3A_117 : memref<8x768xf32, #tpu.memory_space<vmem>>) offsets(%dma_start3A_119 : memref<8xi32, #tpu.memory_space<vmem>>) semaphore(%arg14 : memref<!tpu.dma_semaphore, #tpu.memory_space<semaphore_mem>>)
    %multiple_of3A_123 = arith.constant 8 : i32
    %multiple_of3A_124 = tpu.assume_multiple %multiple_of3A_123, 8 : i32
    %dma_start3A_125 = arith.constant 2 : i32
    %dma_start3A_126 = arith.constant 16 : i32
    %dma_start3A_127 = arith.constant 0 : i32
    %dma_start3A_128 = tpu.memref_slice %arg8[%dma_start3A_126, %dma_start3A_127] : memref<32x768xf32, #tpu.memory_space<vmem>> -> memref<8x768xf32, #tpu.memory_space<vmem>>
    %dma_start3A_129 = tpu.memref_slice %arg6[%dma_start3A_125, %multiple_of3A_124] : memref<4x128xi32, #tpu.memory_space<vmem>> -> memref<1x8xi32, #tpu.memory_space<vmem>>
    %dma_start3A_130 = tpu.memref_squeeze %dma_start3A_129 : memref<1x8xi32, #tpu.memory_space<vmem>> -> memref<8xi32, #tpu.memory_space<vmem>>
    %dma_start3A_131 = arith.constant 0 : i32
    %dma_start3A_132 = arith.constant 0 : i32
    %dma_start3A_133 = tpu.memref_slice %arg3[%dma_start3A_131, %dma_start3A_132] : memref<100000x768xf32, #tpu.memory_space<hbm>> -> memref<100000x768xf32, #tpu.memory_space<hbm>>
    tpu.enqueue_indirect_dma source(%dma_start3A_133 : memref<100000x768xf32, #tpu.memory_space<hbm>>) target(%dma_start3A_128 : memref<8x768xf32, #tpu.memory_space<vmem>>) offsets(%dma_start3A_130 : memref<8xi32, #tpu.memory_space<vmem>>) semaphore(%arg14 : memref<!tpu.dma_semaphore, #tpu.memory_space<semaphore_mem>>)
    %multiple_of3A_134 = arith.constant 8 : i32
    %multiple_of3A_135 = tpu.assume_multiple %multiple_of3A_134, 8 : i32
    %dma_start3A_136 = arith.constant 3 : i32
    %dma_start3A_137 = arith.constant 24 : i32
    %dma_start3A_138 = arith.constant 0 : i32
    %dma_start3A_139 = tpu.memref_slice %arg8[%dma_start3A_137, %dma_start3A_138] : memref<32x768xf32, #tpu.memory_space<vmem>> -> memref<8x768xf32, #tpu.memory_space<vmem>>
    %dma_start3A_140 = tpu.memref_slice %arg6[%dma_start3A_136, %multiple_of3A_135] : memref<4x128xi32, #tpu.memory_space<vmem>> -> memref<1x8xi32, #tpu.memory_space<vmem>>
    %dma_start3A_141 = tpu.memref_squeeze %dma_start3A_140 : memref<1x8xi32, #tpu.memory_space<vmem>> -> memref<8xi32, #tpu.memory_space<vmem>>
    %dma_start3A_142 = arith.constant 0 : i32
    %dma_start3A_143 = arith.constant 0 : i32
    %dma_start3A_144 = tpu.memref_slice %arg3[%dma_start3A_142, %dma_start3A_143] : memref<100000x768xf32, #tpu.memory_space<hbm>> -> memref<100000x768xf32, #tpu.memory_space<hbm>>
    tpu.enqueue_indirect_dma source(%dma_start3A_144 : memref<100000x768xf32, #tpu.memory_space<hbm>>) target(%dma_start3A_139 : memref<8x768xf32, #tpu.memory_space<vmem>>) offsets(%dma_start3A_141 : memref<8xi32, #tpu.memory_space<vmem>>) semaphore(%arg14 : memref<!tpu.dma_semaphore, #tpu.memory_space<semaphore_mem>>)
    %dma_wait3A = arith.constant 0 : i32
    %dma_wait3A_145 = arith.constant 0 : i32
    %dma_wait3A_146 = arith.constant 0 : i32
    %dma_wait3A_147 = tpu.memref_slice %arg7[%dma_wait3A_145, %dma_wait3A_146] : memref<32x768xf32, #tpu.memory_space<vmem>> -> memref<8x768xf32, #tpu.memory_space<vmem>>
    %dma_wait3A_148 = arith.constant 0 : i32
    %dma_wait3A_149 = tpu.memref_slice %arg6[%dma_wait3A, %dma_wait3A_148] : memref<4x128xi32, #tpu.memory_space<vmem>> -> memref<1x8xi32, #tpu.memory_space<vmem>>
    %dma_wait3A_150 = tpu.memref_squeeze %dma_wait3A_149 : memref<1x8xi32, #tpu.memory_space<vmem>> -> memref<8xi32, #tpu.memory_space<vmem>>
    %dma_wait3A_151 = arith.constant 0 : i32
    %dma_wait3A_152 = arith.constant 0 : i32
    %dma_wait3A_153 = tpu.memref_slice %arg3[%dma_wait3A_151, %dma_wait3A_152] : memref<100000x768xf32, #tpu.memory_space<hbm>> -> memref<100000x768xf32, #tpu.memory_space<hbm>>
    tpu.wait_indirect_dma semaphore(%arg13 : memref<!tpu.dma_semaphore, #tpu.memory_space<semaphore_mem>>) src(%dma_wait3A_153 : memref<100000x768xf32, #tpu.memory_space<hbm>>) dst(%dma_wait3A_147 : memref<8x768xf32, #tpu.memory_space<vmem>>)
    %dma_wait3A_154 = arith.constant 1 : i32
    %dma_wait3A_155 = arith.constant 8 : i32
    %dma_wait3A_156 = arith.constant 0 : i32
    %dma_wait3A_157 = tpu.memref_slice %arg7[%dma_wait3A_155, %dma_wait3A_156] : memref<32x768xf32, #tpu.memory_space<vmem>> -> memref<8x768xf32, #tpu.memory_space<vmem>>
    %dma_wait3A_158 = arith.constant 0 : i32
    %dma_wait3A_159 = tpu.memref_slice %arg6[%dma_wait3A_154, %dma_wait3A_158] : memref<4x128xi32, #tpu.memory_space<vmem>> -> memref<1x8xi32, #tpu.memory_space<vmem>>
    %dma_wait3A_160 = tpu.memref_squeeze %dma_wait3A_159 : memref<1x8xi32, #tpu.memory_space<vmem>> -> memref<8xi32, #tpu.memory_space<vmem>>
    %dma_wait3A_161 = arith.constant 0 : i32
    %dma_wait3A_162 = arith.constant 0 : i32
    %dma_wait3A_163 = tpu.memref_slice %arg3[%dma_wait3A_161, %dma_wait3A_162] : memref<100000x768xf32, #tpu.memory_space<hbm>> -> memref<100000x768xf32, #tpu.memory_space<hbm>>
    tpu.wait_indirect_dma semaphore(%arg13 : memref<!tpu.dma_semaphore, #tpu.memory_space<semaphore_mem>>) src(%dma_wait3A_163 : memref<100000x768xf32, #tpu.memory_space<hbm>>) dst(%dma_wait3A_157 : memref<8x768xf32, #tpu.memory_space<vmem>>)
    %dma_wait3A_164 = arith.constant 2 : i32
    %dma_wait3A_165 = arith.constant 16 : i32
    %dma_wait3A_166 = arith.constant 0 : i32
    %dma_wait3A_167 = tpu.memref_slice %arg7[%dma_wait3A_165, %dma_wait3A_166] : memref<32x768xf32, #tpu.memory_space<vmem>> -> memref<8x768xf32, #tpu.memory_space<vmem>>
    %dma_wait3A_168 = arith.constant 0 : i32
    %dma_wait3A_169 = tpu.memref_slice %arg6[%dma_wait3A_164, %dma_wait3A_168] : memref<4x128xi32, #tpu.memory_space<vmem>> -> memref<1x8xi32, #tpu.memory_space<vmem>>
    %dma_wait3A_170 = tpu.memref_squeeze %dma_wait3A_169 : memref<1x8xi32, #tpu.memory_space<vmem>> -> memref<8xi32, #tpu.memory_space<vmem>>
    %dma_wait3A_171 = arith.constant 0 : i32
    %dma_wait3A_172 = arith.constant 0 : i32
    %dma_wait3A_173 = tpu.memref_slice %arg3[%dma_wait3A_171, %dma_wait3A_172] : memref<100000x768xf32, #tpu.memory_space<hbm>> -> memref<100000x768xf32, #tpu.memory_space<hbm>>
    tpu.wait_indirect_dma semaphore(%arg13 : memref<!tpu.dma_semaphore, #tpu.memory_space<semaphore_mem>>) src(%dma_wait3A_173 : memref<100000x768xf32, #tpu.memory_space<hbm>>) dst(%dma_wait3A_167 : memref<8x768xf32, #tpu.memory_space<vmem>>)
    %dma_wait3A_174 = arith.constant 3 : i32
    %dma_wait3A_175 = arith.constant 24 : i32
    %dma_wait3A_176 = arith.constant 0 : i32
    %dma_wait3A_177 = tpu.memref_slice %arg7[%dma_wait3A_175, %dma_wait3A_176] : memref<32x768xf32, #tpu.memory_space<vmem>> -> memref<8x768xf32, #tpu.memory_space<vmem>>
    %dma_wait3A_178 = arith.constant 0 : i32
    %dma_wait3A_179 = tpu.memref_slice %arg6[%dma_wait3A_174, %dma_wait3A_178] : memref<4x128xi32, #tpu.memory_space<vmem>> -> memref<1x8xi32, #tpu.memory_space<vmem>>
    %dma_wait3A_180 = tpu.memref_squeeze %dma_wait3A_179 : memref<1x8xi32, #tpu.memory_space<vmem>> -> memref<8xi32, #tpu.memory_space<vmem>>
    %dma_wait3A_181 = arith.constant 0 : i32
    %dma_wait3A_182 = arith.constant 0 : i32
    %dma_wait3A_183 = tpu.memref_slice %arg3[%dma_wait3A_181, %dma_wait3A_182] : memref<100000x768xf32, #tpu.memory_space<hbm>> -> memref<100000x768xf32, #tpu.memory_space<hbm>>
    tpu.wait_indirect_dma semaphore(%arg13 : memref<!tpu.dma_semaphore, #tpu.memory_space<semaphore_mem>>) src(%dma_wait3A_183 : memref<100000x768xf32, #tpu.memory_space<hbm>>) dst(%dma_wait3A_177 : memref<8x768xf32, #tpu.memory_space<vmem>>)
    %dma_wait3A_184 = arith.constant 0 : i32
    %dma_wait3A_185 = tpu.memref_slice %arg4[%dma_wait3A_184] : memref<6291456xf32, #tpu.memory_space<hbm>> -> memref<6144xf32, #tpu.memory_space<hbm>>
    %dma_wait3A_186 = arith.constant 0 : i32
    %dma_wait3A_187 = tpu.memref_slice %arg4[%dma_wait3A_186] : memref<6291456xf32, #tpu.memory_space<hbm>> -> memref<6144xf32, #tpu.memory_space<hbm>>
    tpu.wait_dma2 semaphore(%arg15 : memref<!tpu.dma_semaphore, #tpu.memory_space<semaphore_mem>>) src(%dma_wait3A_187 : memref<6144xf32, #tpu.memory_space<hbm>>) dst(%arg11 : memref<6144xf32, #tpu.memory_space<vmem>>)
    %scan3A = arith.constant 0 : i32
    %scan3A_188 = arith.constant 0 : i32
    %scan3A_189 = arith.constant 8 : i32
    %scan3A_190 = arith.addi %scan3A_188, %scan3A_189 : i32
    %scan3A_191 = arith.constant 1 : i32
    scf.for %scan3A_415 = %scan3A_188 to %scan3A_190 step %scan3A_191  : i32 {
      %parallel_loop3A = arith.constant 0 : i32
      %parallel_loop3A_416 = arith.constant 48 : i32
      %parallel_loop3A_417 = arith.constant 1 : i32
      scf.for %parallel_loop3A_418 = %parallel_loop3A to %parallel_loop3A_416 step %parallel_loop3A_417  : i32 {
        %parallel_loop3A_419 = arith.constant 16 : i32
        %parallel_loop3A_420 = arith.muli %parallel_loop3A_418, %parallel_loop3A_419 : i32
        %parallel_loop3A_421 = arith.constant 3 : i32
        %parallel_loop3A_422 = arith.shrsi %parallel_loop3A_418, %parallel_loop3A_421 : i32
        %parallel_loop3A_423 = arith.constant 7 : i32
        %parallel_loop3A_424 = arith.andi %parallel_loop3A_418, %parallel_loop3A_423 : i32
        %parallel_loop3A_425 = arith.constant 16 : i32
        %parallel_loop3A_426 = arith.muli %parallel_loop3A_424, %parallel_loop3A_425 : i32
        %parallel_loop3A_427 = arith.constant 768 : i32
        %parallel_loop3A_428 = arith.muli %scan3A_415, %parallel_loop3A_427 : i32
        %parallel_loop3A_429 = arith.addi %parallel_loop3A_428, %parallel_loop3A_420 : i32
        %parallel_loop3A_430 = arith.index_cast %parallel_loop3A_429 : i32 to index
        %parallel_loop3A_431 = tpu.vector_load %arg11[%parallel_loop3A_430] {strides = array<i32>} : memref<6144xf32, #tpu.memory_space<vmem>>, vector<16xf32>,
        %parallel_loop3A_432 = vector.shape_cast %parallel_loop3A_431 : vector<16xf32> to vector<16xf32>
        %parallel_loop3A_433 = arith.constant 0 : i32
        %parallel_loop3A_434 = arith.addi %parallel_loop3A_433, %scan3A_415 : i32
        %parallel_loop3A_435 = arith.index_cast %parallel_loop3A_434 : i32 to index
        %parallel_loop3A_436 = arith.index_cast %parallel_loop3A_420 : i32 to index
        %parallel_loop3A_437 = tpu.vector_load %arg7[%parallel_loop3A_435, %parallel_loop3A_436] {strides = array<i32>} : memref<32x768xf32, #tpu.memory_space<vmem>>, vector<1x16xf32>,
        %parallel_loop3A_438 = vector.shape_cast %parallel_loop3A_437 : vector<1x16xf32> to vector<16xf32>
        %parallel_loop3A_439 = arith.constant 27.7128124 : f32
        %parallel_loop3A_440 = vector.broadcast %parallel_loop3A_439 : f32 to vector<16xf32>
        %parallel_loop3A_441 = arith.mulf %parallel_loop3A_438, %parallel_loop3A_440 : vector<16xf32>
        %parallel_loop3A_442 = arith.addf %parallel_loop3A_441, %parallel_loop3A_432 : vector<16xf32>
        %parallel_loop3A_443 = arith.constant 0 : i32
        %parallel_loop3A_444 = arith.index_cast %scan3A_415 : i32 to index
        %parallel_loop3A_445 = arith.index_cast %parallel_loop3A_422 : i32 to index
        %parallel_loop3A_446 = arith.index_cast %parallel_loop3A_443 : i32 to index
        %parallel_loop3A_447 = arith.index_cast %parallel_loop3A_426 : i32 to index
        %parallel_loop3A_448 = tpu.vector_load %arg9[%parallel_loop3A_444, %parallel_loop3A_445, %parallel_loop3A_446, %parallel_loop3A_447] {strides = array<i32>} : memref<8x6x4x128xf32, #tpu.memory_space<vmem>>, vector<1x1x1x16xf32>,
        %parallel_loop3A_449 = vector.shape_cast %parallel_loop3A_448 : vector<1x1x1x16xf32> to vector<16xf32>
        %parallel_loop3A_450 = vector.shape_cast %parallel_loop3A_442 : vector<16xf32> to vector<1x1x1x16xf32>
        tpu.vector_store %arg9[%parallel_loop3A_444, %parallel_loop3A_445, %parallel_loop3A_446, %parallel_loop3A_447], %parallel_loop3A_450 {strides = array<i32>} : memref<8x6x4x128xf32, #tpu.memory_space<vmem>>, vector<1x1x1x16xf32>,
        %parallel_loop3A_451 = arith.constant 8 : i32
        %parallel_loop3A_452 = arith.addi %parallel_loop3A_451, %scan3A_415 : i32
        %parallel_loop3A_453 = arith.index_cast %parallel_loop3A_452 : i32 to index
        %parallel_loop3A_454 = arith.index_cast %parallel_loop3A_420 : i32 to index
        %parallel_loop3A_455 = tpu.vector_load %arg7[%parallel_loop3A_453, %parallel_loop3A_454] {strides = array<i32>} : memref<32x768xf32, #tpu.memory_space<vmem>>, vector<1x16xf32>,
        %parallel_loop3A_456 = vector.shape_cast %parallel_loop3A_455 : vector<1x16xf32> to vector<16xf32>
        %parallel_loop3A_457 = arith.constant 27.7128124 : f32
        %parallel_loop3A_458 = vector.broadcast %parallel_loop3A_457 : f32 to vector<16xf32>
        %parallel_loop3A_459 = arith.mulf %parallel_loop3A_456, %parallel_loop3A_458 : vector<16xf32>
        %parallel_loop3A_460 = arith.addf %parallel_loop3A_459, %parallel_loop3A_432 : vector<16xf32>
        %parallel_loop3A_461 = arith.constant 1 : i32
        %parallel_loop3A_462 = arith.index_cast %scan3A_415 : i32 to index
        %parallel_loop3A_463 = arith.index_cast %parallel_loop3A_422 : i32 to index
        %parallel_loop3A_464 = arith.index_cast %parallel_loop3A_461 : i32 to index
        %parallel_loop3A_465 = arith.index_cast %parallel_loop3A_426 : i32 to index
        %parallel_loop3A_466 = tpu.vector_load %arg9[%parallel_loop3A_462, %parallel_loop3A_463, %parallel_loop3A_464, %parallel_loop3A_465] {strides = array<i32>} : memref<8x6x4x128xf32, #tpu.memory_space<vmem>>, vector<1x1x1x16xf32>,
        %parallel_loop3A_467 = vector.shape_cast %parallel_loop3A_466 : vector<1x1x1x16xf32> to vector<16xf32>
        %parallel_loop3A_468 = vector.shape_cast %parallel_loop3A_460 : vector<16xf32> to vector<1x1x1x16xf32>
        tpu.vector_store %arg9[%parallel_loop3A_462, %parallel_loop3A_463, %parallel_loop3A_464, %parallel_loop3A_465], %parallel_loop3A_468 {strides = array<i32>} : memref<8x6x4x128xf32, #tpu.memory_space<vmem>>, vector<1x1x1x16xf32>,
        %parallel_loop3A_469 = arith.constant 16 : i32
        %parallel_loop3A_470 = arith.addi %parallel_loop3A_469, %scan3A_415 : i32
        %parallel_loop3A_471 = arith.index_cast %parallel_loop3A_470 : i32 to index
        %parallel_loop3A_472 = arith.index_cast %parallel_loop3A_420 : i32 to index
        %parallel_loop3A_473 = tpu.vector_load %arg7[%parallel_loop3A_471, %parallel_loop3A_472] {strides = array<i32>} : memref<32x768xf32, #tpu.memory_space<vmem>>, vector<1x16xf32>,
        %parallel_loop3A_474 = vector.shape_cast %parallel_loop3A_473 : vector<1x16xf32> to vector<16xf32>
        %parallel_loop3A_475 = arith.constant 27.7128124 : f32
        %parallel_loop3A_476 = vector.broadcast %parallel_loop3A_475 : f32 to vector<16xf32>
        %parallel_loop3A_477 = arith.mulf %parallel_loop3A_474, %parallel_loop3A_476 : vector<16xf32>
        %parallel_loop3A_478 = arith.addf %parallel_loop3A_477, %parallel_loop3A_432 : vector<16xf32>
        %parallel_loop3A_479 = arith.constant 2 : i32
        %parallel_loop3A_480 = arith.index_cast %scan3A_415 : i32 to index
        %parallel_loop3A_481 = arith.index_cast %parallel_loop3A_422 : i32 to index
        %parallel_loop3A_482 = arith.index_cast %parallel_loop3A_479 : i32 to index
        %parallel_loop3A_483 = arith.index_cast %parallel_loop3A_426 : i32 to index
        %parallel_loop3A_484 = tpu.vector_load %arg9[%parallel_loop3A_480, %parallel_loop3A_481, %parallel_loop3A_482, %parallel_loop3A_483] {strides = array<i32>} : memref<8x6x4x128xf32, #tpu.memory_space<vmem>>, vector<1x1x1x16xf32>,
        %parallel_loop3A_485 = vector.shape_cast %parallel_loop3A_484 : vector<1x1x1x16xf32> to vector<16xf32>
        %parallel_loop3A_486 = vector.shape_cast %parallel_loop3A_478 : vector<16xf32> to vector<1x1x1x16xf32>
        tpu.vector_store %arg9[%parallel_loop3A_480, %parallel_loop3A_481, %parallel_loop3A_482, %parallel_loop3A_483], %parallel_loop3A_486 {strides = array<i32>} : memref<8x6x4x128xf32, #tpu.memory_space<vmem>>, vector<1x1x1x16xf32>,
        %parallel_loop3A_487 = arith.constant 24 : i32
        %parallel_loop3A_488 = arith.addi %parallel_loop3A_487, %scan3A_415 : i32
        %parallel_loop3A_489 = arith.index_cast %parallel_loop3A_488 : i32 to index
        %parallel_loop3A_490 = arith.index_cast %parallel_loop3A_420 : i32 to index
        %parallel_loop3A_491 = tpu.vector_load %arg7[%parallel_loop3A_489, %parallel_loop3A_490] {strides = array<i32>} : memref<32x768xf32, #tpu.memory_space<vmem>>, vector<1x16xf32>,
        %parallel_loop3A_492 = vector.shape_cast %parallel_loop3A_491 : vector<1x16xf32> to vector<16xf32>
        %parallel_loop3A_493 = arith.constant 27.7128124 : f32
        %parallel_loop3A_494 = vector.broadcast %parallel_loop3A_493 : f32 to vector<16xf32>
        %parallel_loop3A_495 = arith.mulf %parallel_loop3A_492, %parallel_loop3A_494 : vector<16xf32>
        %parallel_loop3A_496 = arith.addf %parallel_loop3A_495, %parallel_loop3A_432 : vector<16xf32>
        %parallel_loop3A_497 = arith.constant 3 : i32
        %parallel_loop3A_498 = arith.index_cast %scan3A_415 : i32 to index
        %parallel_loop3A_499 = arith.index_cast %parallel_loop3A_422 : i32 to index
        %parallel_loop3A_500 = arith.index_cast %parallel_loop3A_497 : i32 to index
        %parallel_loop3A_501 = arith.index_cast %parallel_loop3A_426 : i32 to index
        %parallel_loop3A_502 = tpu.vector_load %arg9[%parallel_loop3A_498, %parallel_loop3A_499, %parallel_loop3A_500, %parallel_loop3A_501] {strides = array<i32>} : memref<8x6x4x128xf32, #tpu.memory_space<vmem>>, vector<1x1x1x16xf32>,
        %parallel_loop3A_503 = vector.shape_cast %parallel_loop3A_502 : vector<1x1x1x16xf32> to vector<16xf32>
        %parallel_loop3A_504 = vector.shape_cast %parallel_loop3A_496 : vector<16xf32> to vector<1x1x1x16xf32>
        tpu.vector_store %arg9[%parallel_loop3A_498, %parallel_loop3A_499, %parallel_loop3A_500, %parallel_loop3A_501], %parallel_loop3A_504 {strides = array<i32>} : memref<8x6x4x128xf32, #tpu.memory_space<vmem>>, vector<1x1x1x16xf32>,
      } {sc.loop_unroll_factor = 8 : i64, sc.parallel_access}
    }
    %scan3A_192 = arith.constant 8 : i32
    %add3A_193 = arith.constant 0 : i32
    %add3A_194 = arith.addi %mul3A_2, %add3A_193 : i32
    %jit3A_195 = arith.constant 4 : i32
    %div3A_196 = arith.divsi %add3A_194, %jit3A_195 : i32
    %sign3A_197 = arith.constant 0 : i32
    %sign3A_198 = arith.cmpi sgt, %add3A_194, %sign3A_197 : i32
    %sign3A_199 = arith.extui %sign3A_198 : i1 to i32
    %sign3A_200 = arith.constant 0 : i32
    %sign3A_201 = arith.cmpi slt, %add3A_194, %sign3A_200 : i32
    %sign3A_202 = arith.extui %sign3A_201 : i1 to i32
    %sign3A_203 = arith.subi %sign3A_199, %sign3A_202 : i32
    %sign3A_204 = arith.constant 0 : i32
    %sign3A_205 = arith.cmpi sgt, %jit3A_195, %sign3A_204 : i32
    %sign3A_206 = arith.extui %sign3A_205 : i1 to i32
    %sign3A_207 = arith.constant 0 : i32
    %sign3A_208 = arith.cmpi slt, %jit3A_195, %sign3A_207 : i32
    %sign3A_209 = arith.extui %sign3A_208 : i1 to i32
    %sign3A_210 = arith.subi %sign3A_206, %sign3A_209 : i32
    %ne3A_211 = arith.cmpi ne, %sign3A_203, %sign3A_210 : i32
    %rem3A_212 = arith.remsi %add3A_194, %jit3A_195 : i32
    %ne3A_213 = arith.constant 0 : i32
    %ne3A_214 = arith.cmpi ne, %rem3A_212, %ne3A_213 : i32
    %and3A_215 = arith.andi %ne3A_211, %ne3A_214 : i1
    %sub3A_216 = arith.constant 1 : i32
    %sub3A_217 = arith.subi %div3A_196, %sub3A_216 : i32
    %select_n3A_218 = arith.select %and3A_215, %sub3A_217, %div3A_196 : i32
    %multiple_of3A_219 = tpu.assume_multiple %select_n3A_218, 8 : i32
    %dma_start3A_220 = arith.constant 0 : i32
    %dma_start3A_221 = arith.constant 0 : i32
    %dma_start3A_222 = arith.constant 0 : i32
    %dma_start3A_223 = tpu.memref_slice %arg5[%multiple_of3A_219, %dma_start3A_220, %dma_start3A_221, %dma_start3A_222] : memref<4096x6x4x128xf32, #tpu.memory_space<hbm>> -> memref<8x6x4x128xf32, #tpu.memory_space<hbm>>
    %dma_start3A_224 = arith.constant 0 : i32
    %dma_start3A_225 = arith.constant 0 : i32
    %dma_start3A_226 = arith.constant 0 : i32
    %dma_start3A_227 = tpu.memref_slice %arg5[%multiple_of3A_219, %dma_start3A_224, %dma_start3A_225, %dma_start3A_226] : memref<4096x6x4x128xf32, #tpu.memory_space<hbm>> -> memref<8x6x4x128xf32, #tpu.memory_space<hbm>>
    tpu.enqueue_dma source(%arg9 : memref<8x6x4x128xf32, #tpu.memory_space<vmem>>) target(%dma_start3A_227 : memref<8x6x4x128xf32, #tpu.memory_space<hbm>>) target_semaphore(%arg17 : memref<!tpu.dma_semaphore, #tpu.memory_space<semaphore_mem>>)
    %add3A_228 = arith.constant 64 : i32
    %add3A_229 = arith.addi %mul3A_2, %add3A_228 : i32
    %multiple_of3A_230 = tpu.assume_multiple %add3A_229, 32 : i32
    %jit3A_231 = arith.constant 4 : i32
    %div3A_232 = arith.divsi %multiple_of3A_230, %jit3A_231 : i32
    %sign3A_233 = arith.constant 0 : i32
    %sign3A_234 = arith.cmpi sgt, %multiple_of3A_230, %sign3A_233 : i32
    %sign3A_235 = arith.extui %sign3A_234 : i1 to i32
    %sign3A_236 = arith.constant 0 : i32
    %sign3A_237 = arith.cmpi slt, %multiple_of3A_230, %sign3A_236 : i32
    %sign3A_238 = arith.extui %sign3A_237 : i1 to i32
    %sign3A_239 = arith.subi %sign3A_235, %sign3A_238 : i32
    %sign3A_240 = arith.constant 0 : i32
    %sign3A_241 = arith.cmpi sgt, %jit3A_231, %sign3A_240 : i32
    %sign3A_242 = arith.extui %sign3A_241 : i1 to i32
    %sign3A_243 = arith.constant 0 : i32
    %sign3A_244 = arith.cmpi slt, %jit3A_231, %sign3A_243 : i32
    %sign3A_245 = arith.extui %sign3A_244 : i1 to i32
    %sign3A_246 = arith.subi %sign3A_242, %sign3A_245 : i32
    %ne3A_247 = arith.cmpi ne, %sign3A_239, %sign3A_246 : i32
    %rem3A_248 = arith.remsi %multiple_of3A_230, %jit3A_231 : i32
    %ne3A_249 = arith.constant 0 : i32
    %ne3A_250 = arith.cmpi ne, %rem3A_248, %ne3A_249 : i32
    %and3A_251 = arith.andi %ne3A_247, %ne3A_250 : i1
    %sub3A_252 = arith.constant 1 : i32
    %sub3A_253 = arith.subi %div3A_232, %sub3A_252 : i32
    %select_n3A_254 = arith.select %and3A_251, %sub3A_253, %div3A_232 : i32
    %mul3A_255 = arith.constant 768 : i32
    %mul3A_256 = arith.muli %select_n3A_254, %mul3A_255 : i32
    %multiple_of3A_257 = tpu.assume_multiple %mul3A_256, 6144 : i32
    %dma_start3A_258 = tpu.memref_slice %arg4[%multiple_of3A_257] : memref<6291456xf32, #tpu.memory_space<hbm>> -> memref<6144xf32, #tpu.memory_space<hbm>>
    %dma_start3A_259 = tpu.memref_slice %arg4[%multiple_of3A_257] : memref<6291456xf32, #tpu.memory_space<hbm>> -> memref<6144xf32, #tpu.memory_space<hbm>>
    tpu.enqueue_dma source(%dma_start3A_259 : memref<6144xf32, #tpu.memory_space<hbm>>) target(%arg11 : memref<6144xf32, #tpu.memory_space<vmem>>) target_semaphore(%arg15 : memref<!tpu.dma_semaphore, #tpu.memory_space<semaphore_mem>>)
    %multiple_of3A_260 = arith.constant 16 : i32
    %multiple_of3A_261 = tpu.assume_multiple %multiple_of3A_260, 8 : i32
    %dma_start3A_262 = arith.constant 0 : i32
    %dma_start3A_263 = arith.constant 0 : i32
    %dma_start3A_264 = arith.constant 0 : i32
    %dma_start3A_265 = tpu.memref_slice %arg7[%dma_start3A_263, %dma_start3A_264] : memref<32x768xf32, #tpu.memory_space<vmem>> -> memref<8x768xf32, #tpu.memory_space<vmem>>
    %dma_start3A_266 = tpu.memref_slice %arg6[%dma_start3A_262, %multiple_of3A_261] : memref<4x128xi32, #tpu.memory_space<vmem>> -> memref<1x8xi32, #tpu.memory_space<vmem>>
    %dma_start3A_267 = tpu.memref_squeeze %dma_start3A_266 : memref<1x8xi32, #tpu.memory_space<vmem>> -> memref<8xi32, #tpu.memory_space<vmem>>
    %dma_start3A_268 = arith.constant 0 : i32
    %dma_start3A_269 = arith.constant 0 : i32
    %dma_start3A_270 = tpu.memref_slice %arg3[%dma_start3A_268, %dma_start3A_269] : memref<100000x768xf32, #tpu.memory_space<hbm>> -> memref<100000x768xf32, #tpu.memory_space<hbm>>
    tpu.enqueue_indirect_dma source(%dma_start3A_270 : memref<100000x768xf32, #tpu.memory_space<hbm>>) target(%dma_start3A_265 : memref<8x768xf32, #tpu.memory_space<vmem>>) offsets(%dma_start3A_267 : memref<8xi32, #tpu.memory_space<vmem>>) semaphore(%arg13 : memref<!tpu.dma_semaphore, #tpu.memory_space<semaphore_mem>>)
    %multiple_of3A_271 = arith.constant 16 : i32
    %multiple_of3A_272 = tpu.assume_multiple %multiple_of3A_271, 8 : i32
    %dma_start3A_273 = arith.constant 1 : i32
    %dma_start3A_274 = arith.constant 8 : i32
    %dma_start3A_275 = arith.constant 0 : i32
    %dma_start3A_276 = tpu.memref_slice %arg7[%dma_start3A_274, %dma_start3A_275] : memref<32x768xf32, #tpu.memory_space<vmem>> -> memref<8x768xf32, #tpu.memory_space<vmem>>
    %dma_start3A_277 = tpu.memref_slice %arg6[%dma_start3A_273, %multiple_of3A_272] : memref<4x128xi32, #tpu.memory_space<vmem>> -> memref<1x8xi32, #tpu.memory_space<vmem>>
    %dma_start3A_278 = tpu.memref_squeeze %dma_start3A_277 : memref<1x8xi32, #tpu.memory_space<vmem>> -> memref<8xi32, #tpu.memory_space<vmem>>
    %dma_start3A_279 = arith.constant 0 : i32
    %dma_start3A_280 = arith.constant 0 : i32
    %dma_start3A_281 = tpu.memref_slice %arg3[%dma_start3A_279, %dma_start3A_280] : memref<100000x768xf32, #tpu.memory_space<hbm>> -> memref<100000x768xf32, #tpu.memory_space<hbm>>
    tpu.enqueue_indirect_dma source(%dma_start3A_281 : memref<100000x768xf32, #tpu.memory_space<hbm>>) target(%dma_start3A_276 : memref<8x768xf32, #tpu.memory_space<vmem>>) offsets(%dma_start3A_278 : memref<8xi32, #tpu.memory_space<vmem>>) semaphore(%arg13 : memref<!tpu.dma_semaphore, #tpu.memory_space<semaphore_mem>>)
    %multiple_of3A_282 = arith.constant 16 : i32
    %multiple_of3A_283 = tpu.assume_multiple %multiple_of3A_282, 8 : i32
    %dma_start3A_284 = arith.constant 2 : i32
    %dma_start3A_285 = arith.constant 16 : i32
    %dma_start3A_286 = arith.constant 0 : i32
    %dma_start3A_287 = tpu.memref_slice %arg7[%dma_start3A_285, %dma_start3A_286] : memref<32x768xf32, #tpu.memory_space<vmem>> -> memref<8x768xf32, #tpu.memory_space<vmem>>
    %dma_start3A_288 = tpu.memref_slice %arg6[%dma_start3A_284, %multiple_of3A_283] : memref<4x128xi32, #tpu.memory_space<vmem>> -> memref<1x8xi32, #tpu.memory_space<vmem>>
    %dma_start3A_289 = tpu.memref_squeeze %dma_start3A_288 : memref<1x8xi32, #tpu.memory_space<vmem>> -> memref<8xi32, #tpu.memory_space<vmem>>
    %dma_start3A_290 = arith.constant 0 : i32
    %dma_start3A_291 = arith.constant 0 : i32
    %dma_start3A_292 = tpu.memref_slice %arg3[%dma_start3A_290, %dma_start3A_291] : memref<100000x768xf32, #tpu.memory_space<hbm>> -> memref<100000x768xf32, #tpu.memory_space<hbm>>
    tpu.enqueue_indirect_dma source(%dma_start3A_292 : memref<100000x768xf32, #tpu.memory_space<hbm>>) target(%dma_start3A_287 : memref<8x768xf32, #tpu.memory_space<vmem>>) offsets(%dma_start3A_289 : memref<8xi32, #tpu.memory_space<vmem>>) semaphore(%arg13 : memref<!tpu.dma_semaphore, #tpu.memory_space<semaphore_mem>>)
    %multiple_of3A_293 = arith.constant 16 : i32
    %multiple_of3A_294 = tpu.assume_multiple %multiple_of3A_293, 8 : i32
    %dma_start3A_295 = arith.constant 3 : i32
    %dma_start3A_296 = arith.constant 24 : i32
    %dma_start3A_297 = arith.constant 0 : i32
    %dma_start3A_298 = tpu.memref_slice %arg7[%dma_start3A_296, %dma_start3A_297] : memref<32x768xf32, #tpu.memory_space<vmem>> -> memref<8x768xf32, #tpu.memory_space<vmem>>
    %dma_start3A_299 = tpu.memref_slice %arg6[%dma_start3A_295, %multiple_of3A_294] : memref<4x128xi32, #tpu.memory_space<vmem>> -> memref<1x8xi32, #tpu.memory_space<vmem>>
    %dma_start3A_300 = tpu.memref_squeeze %dma_start3A_299 : memref<1x8xi32, #tpu.memory_space<vmem>> -> memref<8xi32, #tpu.memory_space<vmem>>
    %dma_start3A_301 = arith.constant 0 : i32
    %dma_start3A_302 = arith.constant 0 : i32
    %dma_start3A_303 = tpu.memref_slice %arg3[%dma_start3A_301, %dma_start3A_302] : memref<100000x768xf32, #tpu.memory_space<hbm>> -> memref<100000x768xf32, #tpu.memory_space<hbm>>
    tpu.enqueue_indirect_dma source(%dma_start3A_303 : memref<100000x768xf32, #tpu.memory_space<hbm>>) target(%dma_start3A_298 : memref<8x768xf32, #tpu.memory_space<vmem>>) offsets(%dma_start3A_300 : memref<8xi32, #tpu.memory_space<vmem>>) semaphore(%arg13 : memref<!tpu.dma_semaphore, #tpu.memory_space<semaphore_mem>>)
    %dma_wait3A_304 = arith.constant 0 : i32
    %dma_wait3A_305 = arith.constant 0 : i32
    %dma_wait3A_306 = arith.constant 0 : i32
    %dma_wait3A_307 = tpu.memref_slice %arg8[%dma_wait3A_305, %dma_wait3A_306] : memref<32x768xf32, #tpu.memory_space<vmem>> -> memref<8x768xf32, #tpu.memory_space<vmem>>
    %dma_wait3A_308 = arith.constant 0 : i32
    %dma_wait3A_309 = tpu.memref_slice %arg6[%dma_wait3A_304, %dma_wait3A_308] : memref<4x128xi32, #tpu.memory_space<vmem>> -> memref<1x8xi32, #tpu.memory_space<vmem>>
    %dma_wait3A_310 = tpu.memref_squeeze %dma_wait3A_309 : memref<1x8xi32, #tpu.memory_space<vmem>> -> memref<8xi32, #tpu.memory_space<vmem>>
    %dma_wait3A_311 = arith.constant 0 : i32
    %dma_wait3A_312 = arith.constant 0 : i32
    %dma_wait3A_313 = tpu.memref_slice %arg3[%dma_wait3A_311, %dma_wait3A_312] : memref<100000x768xf32, #tpu.memory_space<hbm>> -> memref<100000x768xf32, #tpu.memory_space<hbm>>
    tpu.wait_indirect_dma semaphore(%arg14 : memref<!tpu.dma_semaphore, #tpu.memory_space<semaphore_mem>>) src(%dma_wait3A_313 : memref<100000x768xf32, #tpu.memory_space<hbm>>) dst(%dma_wait3A_307 : memref<8x768xf32, #tpu.memory_space<vmem>>)
    %dma_wait3A_314 = arith.constant 1 : i32
    %dma_wait3A_315 = arith.constant 8 : i32
    %dma_wait3A_316 = arith.constant 0 : i32
    %dma_wait3A_317 = tpu.memref_slice %arg8[%dma_wait3A_315, %dma_wait3A_316] : memref<32x768xf32, #tpu.memory_space<vmem>> -> memref<8x768xf32, #tpu.memory_space<vmem>>
    %dma_wait3A_318 = arith.constant 0 : i32
    %dma_wait3A_319 = tpu.memref_slice %arg6[%dma_wait3A_314, %dma_wait3A_318] : memref<4x128xi32, #tpu.memory_space<vmem>> -> memref<1x8xi32, #tpu.memory_space<vmem>>
    %dma_wait3A_320 = tpu.memref_squeeze %dma_wait3A_319 : memref<1x8xi32, #tpu.memory_space<vmem>> -> memref<8xi32, #tpu.memory_space<vmem>>
    %dma_wait3A_321 = arith.constant 0 : i32
    %dma_wait3A_322 = arith.constant 0 : i32
    %dma_wait3A_323 = tpu.memref_slice %arg3[%dma_wait3A_321, %dma_wait3A_322] : memref<100000x768xf32, #tpu.memory_space<hbm>> -> memref<100000x768xf32, #tpu.memory_space<hbm>>
    tpu.wait_indirect_dma semaphore(%arg14 : memref<!tpu.dma_semaphore, #tpu.memory_space<semaphore_mem>>) src(%dma_wait3A_323 : memref<100000x768xf32, #tpu.memory_space<hbm>>) dst(%dma_wait3A_317 : memref<8x768xf32, #tpu.memory_space<vmem>>)
    %dma_wait3A_324 = arith.constant 2 : i32
    %dma_wait3A_325 = arith.constant 16 : i32
    %dma_wait3A_326 = arith.constant 0 : i32
    %dma_wait3A_327 = tpu.memref_slice %arg8[%dma_wait3A_325, %dma_wait3A_326] : memref<32x768xf32, #tpu.memory_space<vmem>> -> memref<8x768xf32, #tpu.memory_space<vmem>>
    %dma_wait3A_328 = arith.constant 0 : i32
    %dma_wait3A_329 = tpu.memref_slice %arg6[%dma_wait3A_324, %dma_wait3A_328] : memref<4x128xi32, #tpu.memory_space<vmem>> -> memref<1x8xi32, #tpu.memory_space<vmem>>
    %dma_wait3A_330 = tpu.memref_squeeze %dma_wait3A_329 : memref<1x8xi32, #tpu.memory_space<vmem>> -> memref<8xi32, #tpu.memory_space<vmem>>
    %dma_wait3A_331 = arith.constant 0 : i32
    %dma_wait3A_332 = arith.constant 0 : i32
    %dma_wait3A_333 = tpu.memref_slice %arg3[%dma_wait3A_331, %dma_wait3A_332] : memref<100000x768xf32, #tpu.memory_space<hbm>> -> memref<100000x768xf32, #tpu.memory_space<hbm>>
    tpu.wait_indirect_dma semaphore(%arg14 : memref<!tpu.dma_semaphore, #tpu.memory_space<semaphore_mem>>) src(%dma_wait3A_333 : memref<100000x768xf32, #tpu.memory_space<hbm>>) dst(%dma_wait3A_327 : memref<8x768xf32, #tpu.memory_space<vmem>>)
    %dma_wait3A_334 = arith.constant 3 : i32
    %dma_wait3A_335 = arith.constant 24 : i32
    %dma_wait3A_336 = arith.constant 0 : i32
    %dma_wait3A_337 = tpu.memref_slice %arg8[%dma_wait3A_335, %dma_wait3A_336] : memref<32x768xf32, #tpu.memory_space<vmem>> -> memref<8x768xf32, #tpu.memory_space<vmem>>
    %dma_wait3A_338 = arith.constant 0 : i32
    %dma_wait3A_339 = tpu.memref_slice %arg6[%dma_wait3A_334, %dma_wait3A_338] : memref<4x128xi32, #tpu.memory_space<vmem>> -> memref<1x8xi32, #tpu.memory_space<vmem>>
    %dma_wait3A_340 = tpu.memref_squeeze %dma_wait3A_339 : memref<1x8xi32, #tpu.memory_space<vmem>> -> memref<8xi32, #tpu.memory_space<vmem>>
    %dma_wait3A_341 = arith.constant 0 : i32
    %dma_wait3A_342 = arith.constant 0 : i32
    %dma_wait3A_343 = tpu.memref_slice %arg3[%dma_wait3A_341, %dma_wait3A_342] : memref<100000x768xf32, #tpu.memory_space<hbm>> -> memref<100000x768xf32, #tpu.memory_space<hbm>>
    tpu.wait_indirect_dma semaphore(%arg14 : memref<!tpu.dma_semaphore, #tpu.memory_space<semaphore_mem>>) src(%dma_wait3A_343 : memref<100000x768xf32, #tpu.memory_space<hbm>>) dst(%dma_wait3A_337 : memref<8x768xf32, #tpu.memory_space<vmem>>)
    %dma_wait3A_344 = arith.constant 0 : i32
    %dma_wait3A_345 = tpu.memref_slice %arg4[%dma_wait3A_344] : memref<6291456xf32, #tpu.memory_space<hbm>> -> memref<6144xf32, #tpu.memory_space<hbm>>
    %dma_wait3A_346 = arith.constant 0 : i32
    %dma_wait3A_347 = tpu.memref_slice %arg4[%dma_wait3A_346] : memref<6291456xf32, #tpu.memory_space<hbm>> -> memref<6144xf32, #tpu.memory_space<hbm>>
    tpu.wait_dma2 semaphore(%arg16 : memref<!tpu.dma_semaphore, #tpu.memory_space<semaphore_mem>>) src(%dma_wait3A_347 : memref<6144xf32, #tpu.memory_space<hbm>>) dst(%arg12 : memref<6144xf32, #tpu.memory_space<vmem>>)
    %scan3A_348 = arith.constant 0 : i32
    %scan3A_349 = arith.constant 0 : i32
    %scan3A_350 = arith.constant 8 : i32
    %scan3A_351 = arith.addi %scan3A_349, %scan3A_350 : i32
    %scan3A_352 = arith.constant 1 : i32
    scf.for %scan3A_415 = %scan3A_349 to %scan3A_351 step %scan3A_352  : i32 {
      %parallel_loop3A = arith.constant 0 : i32
      %parallel_loop3A_416 = arith.constant 48 : i32
      %parallel_loop3A_417 = arith.constant 1 : i32
      scf.for %parallel_loop3A_418 = %parallel_loop3A to %parallel_loop3A_416 step %parallel_loop3A_417  : i32 {
        %parallel_loop3A_419 = arith.constant 16 : i32
        %parallel_loop3A_420 = arith.muli %parallel_loop3A_418, %parallel_loop3A_419 : i32
        %parallel_loop3A_421 = arith.constant 3 : i32
        %parallel_loop3A_422 = arith.shrsi %parallel_loop3A_418, %parallel_loop3A_421 : i32
        %parallel_loop3A_423 = arith.constant 7 : i32
        %parallel_loop3A_424 = arith.andi %parallel_loop3A_418, %parallel_loop3A_423 : i32
        %parallel_loop3A_425 = arith.constant 16 : i32
        %parallel_loop3A_426 = arith.muli %parallel_loop3A_424, %parallel_loop3A_425 : i32
        %parallel_loop3A_427 = arith.constant 768 : i32
        %parallel_loop3A_428 = arith.muli %scan3A_415, %parallel_loop3A_427 : i32
        %parallel_loop3A_429 = arith.addi %parallel_loop3A_428, %parallel_loop3A_420 : i32
        %parallel_loop3A_430 = arith.index_cast %parallel_loop3A_429 : i32 to index
        %parallel_loop3A_431 = tpu.vector_load %arg12[%parallel_loop3A_430] {strides = array<i32>} : memref<6144xf32, #tpu.memory_space<vmem>>, vector<16xf32>,
        %parallel_loop3A_432 = vector.shape_cast %parallel_loop3A_431 : vector<16xf32> to vector<16xf32>
        %parallel_loop3A_433 = arith.constant 0 : i32
        %parallel_loop3A_434 = arith.addi %parallel_loop3A_433, %scan3A_415 : i32
        %parallel_loop3A_435 = arith.index_cast %parallel_loop3A_434 : i32 to index
        %parallel_loop3A_436 = arith.index_cast %parallel_loop3A_420 : i32 to index
        %parallel_loop3A_437 = tpu.vector_load %arg8[%parallel_loop3A_435, %parallel_loop3A_436] {strides = array<i32>} : memref<32x768xf32, #tpu.memory_space<vmem>>, vector<1x16xf32>,
        %parallel_loop3A_438 = vector.shape_cast %parallel_loop3A_437 : vector<1x16xf32> to vector<16xf32>
        %parallel_loop3A_439 = arith.constant 27.7128124 : f32
        %parallel_loop3A_440 = vector.broadcast %parallel_loop3A_439 : f32 to vector<16xf32>
        %parallel_loop3A_441 = arith.mulf %parallel_loop3A_438, %parallel_loop3A_440 : vector<16xf32>
        %parallel_loop3A_442 = arith.addf %parallel_loop3A_441, %parallel_loop3A_432 : vector<16xf32>
        %parallel_loop3A_443 = arith.constant 0 : i32
        %parallel_loop3A_444 = arith.index_cast %scan3A_415 : i32 to index
        %parallel_loop3A_445 = arith.index_cast %parallel_loop3A_422 : i32 to index
        %parallel_loop3A_446 = arith.index_cast %parallel_loop3A_443 : i32 to index
        %parallel_loop3A_447 = arith.index_cast %parallel_loop3A_426 : i32 to index
        %parallel_loop3A_448 = tpu.vector_load %arg10[%parallel_loop3A_444, %parallel_loop3A_445, %parallel_loop3A_446, %parallel_loop3A_447] {strides = array<i32>} : memref<8x6x4x128xf32, #tpu.memory_space<vmem>>, vector<1x1x1x16xf32>,
        %parallel_loop3A_449 = vector.shape_cast %parallel_loop3A_448 : vector<1x1x1x16xf32> to vector<16xf32>
        %parallel_loop3A_450 = vector.shape_cast %parallel_loop3A_442 : vector<16xf32> to vector<1x1x1x16xf32>
        tpu.vector_store %arg10[%parallel_loop3A_444, %parallel_loop3A_445, %parallel_loop3A_446, %parallel_loop3A_447], %parallel_loop3A_450 {strides = array<i32>} : memref<8x6x4x128xf32, #tpu.memory_space<vmem>>, vector<1x1x1x16xf32>,
        %parallel_loop3A_451 = arith.constant 8 : i32
        %parallel_loop3A_452 = arith.addi %parallel_loop3A_451, %scan3A_415 : i32
        %parallel_loop3A_453 = arith.index_cast %parallel_loop3A_452 : i32 to index
        %parallel_loop3A_454 = arith.index_cast %parallel_loop3A_420 : i32 to index
        %parallel_loop3A_455 = tpu.vector_load %arg8[%parallel_loop3A_453, %parallel_loop3A_454] {strides = array<i32>} : memref<32x768xf32, #tpu.memory_space<vmem>>, vector<1x16xf32>,
        %parallel_loop3A_456 = vector.shape_cast %parallel_loop3A_455 : vector<1x16xf32> to vector<16xf32>
        %parallel_loop3A_457 = arith.constant 27.7128124 : f32
        %parallel_loop3A_458 = vector.broadcast %parallel_loop3A_457 : f32 to vector<16xf32>
        %parallel_loop3A_459 = arith.mulf %parallel_loop3A_456, %parallel_loop3A_458 : vector<16xf32>
        %parallel_loop3A_460 = arith.addf %parallel_loop3A_459, %parallel_loop3A_432 : vector<16xf32>
        %parallel_loop3A_461 = arith.constant 1 : i32
        %parallel_loop3A_462 = arith.index_cast %scan3A_415 : i32 to index
        %parallel_loop3A_463 = arith.index_cast %parallel_loop3A_422 : i32 to index
        %parallel_loop3A_464 = arith.index_cast %parallel_loop3A_461 : i32 to index
        %parallel_loop3A_465 = arith.index_cast %parallel_loop3A_426 : i32 to index
        %parallel_loop3A_466 = tpu.vector_load %arg10[%parallel_loop3A_462, %parallel_loop3A_463, %parallel_loop3A_464, %parallel_loop3A_465] {strides = array<i32>} : memref<8x6x4x128xf32, #tpu.memory_space<vmem>>, vector<1x1x1x16xf32>,
        %parallel_loop3A_467 = vector.shape_cast %parallel_loop3A_466 : vector<1x1x1x16xf32> to vector<16xf32>
        %parallel_loop3A_468 = vector.shape_cast %parallel_loop3A_460 : vector<16xf32> to vector<1x1x1x16xf32>
        tpu.vector_store %arg10[%parallel_loop3A_462, %parallel_loop3A_463, %parallel_loop3A_464, %parallel_loop3A_465], %parallel_loop3A_468 {strides = array<i32>} : memref<8x6x4x128xf32, #tpu.memory_space<vmem>>, vector<1x1x1x16xf32>,
        %parallel_loop3A_469 = arith.constant 16 : i32
        %parallel_loop3A_470 = arith.addi %parallel_loop3A_469, %scan3A_415 : i32
        %parallel_loop3A_471 = arith.index_cast %parallel_loop3A_470 : i32 to index
        %parallel_loop3A_472 = arith.index_cast %parallel_loop3A_420 : i32 to index
        %parallel_loop3A_473 = tpu.vector_load %arg8[%parallel_loop3A_471, %parallel_loop3A_472] {strides = array<i32>} : memref<32x768xf32, #tpu.memory_space<vmem>>, vector<1x16xf32>,
        %parallel_loop3A_474 = vector.shape_cast %parallel_loop3A_473 : vector<1x16xf32> to vector<16xf32>
        %parallel_loop3A_475 = arith.constant 27.7128124 : f32
        %parallel_loop3A_476 = vector.broadcast %parallel_loop3A_475 : f32 to vector<16xf32>
        %parallel_loop3A_477 = arith.mulf %parallel_loop3A_474, %parallel_loop3A_476 : vector<16xf32>
        %parallel_loop3A_478 = arith.addf %parallel_loop3A_477, %parallel_loop3A_432 : vector<16xf32>
        %parallel_loop3A_479 = arith.constant 2 : i32
        %parallel_loop3A_480 = arith.index_cast %scan3A_415 : i32 to index
        %parallel_loop3A_481 = arith.index_cast %parallel_loop3A_422 : i32 to index
        %parallel_loop3A_482 = arith.index_cast %parallel_loop3A_479 : i32 to index
        %parallel_loop3A_483 = arith.index_cast %parallel_loop3A_426 : i32 to index
        %parallel_loop3A_484 = tpu.vector_load %arg10[%parallel_loop3A_480, %parallel_loop3A_481, %parallel_loop3A_482, %parallel_loop3A_483] {strides = array<i32>} : memref<8x6x4x128xf32, #tpu.memory_space<vmem>>, vector<1x1x1x16xf32>,
        %parallel_loop3A_485 = vector.shape_cast %parallel_loop3A_484 : vector<1x1x1x16xf32> to vector<16xf32>
        %parallel_loop3A_486 = vector.shape_cast %parallel_loop3A_478 : vector<16xf32> to vector<1x1x1x16xf32>
        tpu.vector_store %arg10[%parallel_loop3A_480, %parallel_loop3A_481, %parallel_loop3A_482, %parallel_loop3A_483], %parallel_loop3A_486 {strides = array<i32>} : memref<8x6x4x128xf32, #tpu.memory_space<vmem>>, vector<1x1x1x16xf32>,
        %parallel_loop3A_487 = arith.constant 24 : i32
        %parallel_loop3A_488 = arith.addi %parallel_loop3A_487, %scan3A_415 : i32
        %parallel_loop3A_489 = arith.index_cast %parallel_loop3A_488 : i32 to index
        %parallel_loop3A_490 = arith.index_cast %parallel_loop3A_420 : i32 to index
        %parallel_loop3A_491 = tpu.vector_load %arg8[%parallel_loop3A_489, %parallel_loop3A_490] {strides = array<i32>} : memref<32x768xf32, #tpu.memory_space<vmem>>, vector<1x16xf32>,
        %parallel_loop3A_492 = vector.shape_cast %parallel_loop3A_491 : vector<1x16xf32> to vector<16xf32>
        %parallel_loop3A_493 = arith.constant 27.7128124 : f32
        %parallel_loop3A_494 = vector.broadcast %parallel_loop3A_493 : f32 to vector<16xf32>
        %parallel_loop3A_495 = arith.mulf %parallel_loop3A_492, %parallel_loop3A_494 : vector<16xf32>
        %parallel_loop3A_496 = arith.addf %parallel_loop3A_495, %parallel_loop3A_432 : vector<16xf32>
        %parallel_loop3A_497 = arith.constant 3 : i32
        %parallel_loop3A_498 = arith.index_cast %scan3A_415 : i32 to index
        %parallel_loop3A_499 = arith.index_cast %parallel_loop3A_422 : i32 to index
        %parallel_loop3A_500 = arith.index_cast %parallel_loop3A_497 : i32 to index
        %parallel_loop3A_501 = arith.index_cast %parallel_loop3A_426 : i32 to index
        %parallel_loop3A_502 = tpu.vector_load %arg10[%parallel_loop3A_498, %parallel_loop3A_499, %parallel_loop3A_500, %parallel_loop3A_501] {strides = array<i32>} : memref<8x6x4x128xf32, #tpu.memory_space<vmem>>, vector<1x1x1x16xf32>,
        %parallel_loop3A_503 = vector.shape_cast %parallel_loop3A_502 : vector<1x1x1x16xf32> to vector<16xf32>
        %parallel_loop3A_504 = vector.shape_cast %parallel_loop3A_496 : vector<16xf32> to vector<1x1x1x16xf32>
        tpu.vector_store %arg10[%parallel_loop3A_498, %parallel_loop3A_499, %parallel_loop3A_500, %parallel_loop3A_501], %parallel_loop3A_504 {strides = array<i32>} : memref<8x6x4x128xf32, #tpu.memory_space<vmem>>, vector<1x1x1x16xf32>,
      } {sc.loop_unroll_factor = 8 : i64, sc.parallel_access}
    }
    %scan3A_353 = arith.constant 8 : i32
    %add3A_354 = arith.constant 32 : i32
    %add3A_355 = arith.addi %mul3A_2, %add3A_354 : i32
    %jit3A_356 = arith.constant 4 : i32
    %div3A_357 = arith.divsi %add3A_355, %jit3A_356 : i32
    %sign3A_358 = arith.constant 0 : i32
    %sign3A_359 = arith.cmpi sgt, %add3A_355, %sign3A_358 : i32
    %sign3A_360 = arith.extui %sign3A_359 : i1 to i32
    %sign3A_361 = arith.constant 0 : i32
    %sign3A_362 = arith.cmpi slt, %add3A_355, %sign3A_361 : i32
    %sign3A_363 = arith.extui %sign3A_362 : i1 to i32
    %sign3A_364 = arith.subi %sign3A_360, %sign3A_363 : i32
    %sign3A_365 = arith.constant 0 : i32
    %sign3A_366 = arith.cmpi sgt, %jit3A_356, %sign3A_365 : i32
    %sign3A_367 = arith.extui %sign3A_366 : i1 to i32
    %sign3A_368 = arith.constant 0 : i32
    %sign3A_369 = arith.cmpi slt, %jit3A_356, %sign3A_368 : i32
    %sign3A_370 = arith.extui %sign3A_369 : i1 to i32
    %sign3A_371 = arith.subi %sign3A_367, %sign3A_370 : i32
    %ne3A_372 = arith.cmpi ne, %sign3A_364, %sign3A_371 : i32
    %rem3A_373 = arith.remsi %add3A_355, %jit3A_356 : i32
    %ne3A_374 = arith.constant 0 : i32
    %ne3A_375 = arith.cmpi ne, %rem3A_373, %ne3A_374 : i32
    %and3A_376 = arith.andi %ne3A_372, %ne3A_375 : i1
    %sub3A_377 = arith.constant 1 : i32
    %sub3A_378 = arith.subi %div3A_357, %sub3A_377 : i32
    %select_n3A_379 = arith.select %and3A_376, %sub3A_378, %div3A_357 : i32
    %multiple_of3A_380 = tpu.assume_multiple %select_n3A_379, 8 : i32
    %dma_start3A_381 = arith.constant 0 : i32
    %dma_start3A_382 = arith.constant 0 : i32
    %dma_start3A_383 = arith.constant 0 : i32
    %dma_start3A_384 = tpu.memref_slice %arg5[%multiple_of3A_380, %dma_start3A_381, %dma_start3A_382, %dma_start3A_383] : memref<4096x6x4x128xf32, #tpu.memory_space<hbm>> -> memref<8x6x4x128xf32, #tpu.memory_space<hbm>>
    %dma_start3A_385 = arith.constant 0 : i32
    %dma_start3A_386 = arith.constant 0 : i32
    %dma_start3A_387 = arith.constant 0 : i32
    %dma_start3A_388 = tpu.memref_slice %arg5[%multiple_of3A_380, %dma_start3A_385, %dma_start3A_386, %dma_start3A_387] : memref<4096x6x4x128xf32, #tpu.memory_space<hbm>> -> memref<8x6x4x128xf32, #tpu.memory_space<hbm>>
    tpu.enqueue_dma source(%arg10 : memref<8x6x4x128xf32, #tpu.memory_space<vmem>>) target(%dma_start3A_388 : memref<8x6x4x128xf32, #tpu.memory_space<hbm>>) target_semaphore(%arg18 : memref<!tpu.dma_semaphore, #tpu.memory_space<semaphore_mem>>)
    %scan3A_389 = arith.constant 0 : i32
    %scan3A_390 = arith.constant 1 : i32
    %scan3A_391 = arith.constant 7 : i32
    %scan3A_392 = arith.addi %scan3A_390, %scan3A_391 : i32
    %scan3A_393 = arith.constant 1 : i32
    scf.for %scan3A_415 = %scan3A_390 to %scan3A_392 step %scan3A_393  : i32 {
      %mul3A_416 = arith.constant 2 : i32
      %mul3A_417 = arith.muli %scan3A_415, %mul3A_416 : i32
      %add3A_418 = arith.constant 0 : i32
      %add3A_419 = arith.addi %mul3A_417, %add3A_418 : i32
      %add3A_420 = arith.constant 1 : i32
      %add3A_421 = arith.addi %add3A_419, %add3A_420 : i32
      %lt3A = arith.constant 16 : i32
      %lt3A_422 = arith.cmpi slt, %add3A_421, %lt3A : i32
      %convert_element_type3A = arith.extui %lt3A_422 : i1 to i32
      %cond3A = arith.constant 0 : i32
      %cond3A_423 = arith.cmpi ne, %convert_element_type3A, %cond3A : i32
      scf.if %cond3A_423 {
        %add3A_625 = arith.constant 1 : i32
        %add3A_626 = arith.addi %add3A_419, %add3A_625 : i32
        %mul3A_627 = arith.constant 32 : i32
        %mul3A_628 = arith.muli %add3A_626, %mul3A_627 : i32
        %add3A_629 = arith.addi %mul3A_2, %mul3A_628 : i32
        %multiple_of3A_630 = tpu.assume_multiple %add3A_629, 32 : i32
        %jit3A_631 = arith.constant 4 : i32
        %div3A_632 = arith.divsi %multiple_of3A_630, %jit3A_631 : i32
        %sign3A_633 = arith.constant 0 : i32
        %sign3A_634 = arith.cmpi sgt, %multiple_of3A_630, %sign3A_633 : i32
        %sign3A_635 = arith.extui %sign3A_634 : i1 to i32
        %sign3A_636 = arith.constant 0 : i32
        %sign3A_637 = arith.cmpi slt, %multiple_of3A_630, %sign3A_636 : i32
        %sign3A_638 = arith.extui %sign3A_637 : i1 to i32
        %sign3A_639 = arith.subi %sign3A_635, %sign3A_638 : i32
        %sign3A_640 = arith.constant 0 : i32
        %sign3A_641 = arith.cmpi sgt, %jit3A_631, %sign3A_640 : i32
        %sign3A_642 = arith.extui %sign3A_641 : i1 to i32
        %sign3A_643 = arith.constant 0 : i32
        %sign3A_644 = arith.cmpi slt, %jit3A_631, %sign3A_643 : i32
        %sign3A_645 = arith.extui %sign3A_644 : i1 to i32
        %sign3A_646 = arith.subi %sign3A_642, %sign3A_645 : i32
        %ne3A_647 = arith.cmpi ne, %sign3A_639, %sign3A_646 : i32
        %rem3A_648 = arith.remsi %multiple_of3A_630, %jit3A_631 : i32
        %ne3A_649 = arith.constant 0 : i32
        %ne3A_650 = arith.cmpi ne, %rem3A_648, %ne3A_649 : i32
        %and3A_651 = arith.andi %ne3A_647, %ne3A_650 : i1
        %sub3A_652 = arith.constant 1 : i32
        %sub3A_653 = arith.subi %div3A_632, %sub3A_652 : i32
        %select_n3A_654 = arith.select %and3A_651, %sub3A_653, %div3A_632 : i32
        %mul3A_655 = arith.constant 768 : i32
        %mul3A_656 = arith.muli %select_n3A_654, %mul3A_655 : i32
        %multiple_of3A_657 = tpu.assume_multiple %mul3A_656, 6144 : i32
        %dma_start3A_658 = tpu.memref_slice %arg4[%multiple_of3A_657] : memref<6291456xf32, #tpu.memory_space<hbm>> -> memref<6144xf32, #tpu.memory_space<hbm>>
        %dma_start3A_659 = tpu.memref_slice %arg4[%multiple_of3A_657] : memref<6291456xf32, #tpu.memory_space<hbm>> -> memref<6144xf32, #tpu.memory_space<hbm>>
        tpu.enqueue_dma source(%dma_start3A_659 : memref<6144xf32, #tpu.memory_space<hbm>>) target(%arg12 : memref<6144xf32, #tpu.memory_space<vmem>>) target_semaphore(%arg16 : memref<!tpu.dma_semaphore, #tpu.memory_space<semaphore_mem>>)
        %mul3A_660 = arith.constant 8 : i32
        %mul3A_661 = arith.muli %add3A_626, %mul3A_660 : i32
        %multiple_of3A_662 = tpu.assume_multiple %mul3A_661, 8 : i32
        %dma_start3A_663 = arith.constant 0 : i32
        %dma_start3A_664 = arith.constant 0 : i32
        %dma_start3A_665 = arith.constant 0 : i32
        %dma_start3A_666 = tpu.memref_slice %arg8[%dma_start3A_664, %dma_start3A_665] : memref<32x768xf32, #tpu.memory_space<vmem>> -> memref<8x768xf32, #tpu.memory_space<vmem>>
        %dma_start3A_667 = tpu.memref_slice %arg6[%dma_start3A_663, %multiple_of3A_662] : memref<4x128xi32, #tpu.memory_space<vmem>> -> memref<1x8xi32, #tpu.memory_space<vmem>>
        %dma_start3A_668 = tpu.memref_squeeze %dma_start3A_667 : memref<1x8xi32, #tpu.memory_space<vmem>> -> memref<8xi32, #tpu.memory_space<vmem>>
        %dma_start3A_669 = arith.constant 0 : i32
        %dma_start3A_670 = arith.constant 0 : i32
        %dma_start3A_671 = tpu.memref_slice %arg3[%dma_start3A_669, %dma_start3A_670] : memref<100000x768xf32, #tpu.memory_space<hbm>> -> memref<100000x768xf32, #tpu.memory_space<hbm>>
        tpu.enqueue_indirect_dma source(%dma_start3A_671 : memref<100000x768xf32, #tpu.memory_space<hbm>>) target(%dma_start3A_666 : memref<8x768xf32, #tpu.memory_space<vmem>>) offsets(%dma_start3A_668 : memref<8xi32, #tpu.memory_space<vmem>>) semaphore(%arg14 : memref<!tpu.dma_semaphore, #tpu.memory_space<semaphore_mem>>)
        %mul3A_672 = arith.constant 8 : i32
        %mul3A_673 = arith.muli %add3A_626, %mul3A_672 : i32
        %multiple_of3A_674 = tpu.assume_multiple %mul3A_673, 8 : i32
        %dma_start3A_675 = arith.constant 1 : i32
        %dma_start3A_676 = arith.constant 8 : i32
        %dma_start3A_677 = arith.constant 0 : i32
        %dma_start3A_678 = tpu.memref_slice %arg8[%dma_start3A_676, %dma_start3A_677] : memref<32x768xf32, #tpu.memory_space<vmem>> -> memref<8x768xf32, #tpu.memory_space<vmem>>
        %dma_start3A_679 = tpu.memref_slice %arg6[%dma_start3A_675, %multiple_of3A_674] : memref<4x128xi32, #tpu.memory_space<vmem>> -> memref<1x8xi32, #tpu.memory_space<vmem>>
        %dma_start3A_680 = tpu.memref_squeeze %dma_start3A_679 : memref<1x8xi32, #tpu.memory_space<vmem>> -> memref<8xi32, #tpu.memory_space<vmem>>
        %dma_start3A_681 = arith.constant 0 : i32
        %dma_start3A_682 = arith.constant 0 : i32
        %dma_start3A_683 = tpu.memref_slice %arg3[%dma_start3A_681, %dma_start3A_682] : memref<100000x768xf32, #tpu.memory_space<hbm>> -> memref<100000x768xf32, #tpu.memory_space<hbm>>
        tpu.enqueue_indirect_dma source(%dma_start3A_683 : memref<100000x768xf32, #tpu.memory_space<hbm>>) target(%dma_start3A_678 : memref<8x768xf32, #tpu.memory_space<vmem>>) offsets(%dma_start3A_680 : memref<8xi32, #tpu.memory_space<vmem>>) semaphore(%arg14 : memref<!tpu.dma_semaphore, #tpu.memory_space<semaphore_mem>>)
        %mul3A_684 = arith.constant 8 : i32
        %mul3A_685 = arith.muli %add3A_626, %mul3A_684 : i32
        %multiple_of3A_686 = tpu.assume_multiple %mul3A_685, 8 : i32
        %dma_start3A_687 = arith.constant 2 : i32
        %dma_start3A_688 = arith.constant 16 : i32
        %dma_start3A_689 = arith.constant 0 : i32
        %dma_start3A_690 = tpu.memref_slice %arg8[%dma_start3A_688, %dma_start3A_689] : memref<32x768xf32, #tpu.memory_space<vmem>> -> memref<8x768xf32, #tpu.memory_space<vmem>>
        %dma_start3A_691 = tpu.memref_slice %arg6[%dma_start3A_687, %multiple_of3A_686] : memref<4x128xi32, #tpu.memory_space<vmem>> -> memref<1x8xi32, #tpu.memory_space<vmem>>
        %dma_start3A_692 = tpu.memref_squeeze %dma_start3A_691 : memref<1x8xi32, #tpu.memory_space<vmem>> -> memref<8xi32, #tpu.memory_space<vmem>>
        %dma_start3A_693 = arith.constant 0 : i32
        %dma_start3A_694 = arith.constant 0 : i32
        %dma_start3A_695 = tpu.memref_slice %arg3[%dma_start3A_693, %dma_start3A_694] : memref<100000x768xf32, #tpu.memory_space<hbm>> -> memref<100000x768xf32, #tpu.memory_space<hbm>>
        tpu.enqueue_indirect_dma source(%dma_start3A_695 : memref<100000x768xf32, #tpu.memory_space<hbm>>) target(%dma_start3A_690 : memref<8x768xf32, #tpu.memory_space<vmem>>) offsets(%dma_start3A_692 : memref<8xi32, #tpu.memory_space<vmem>>) semaphore(%arg14 : memref<!tpu.dma_semaphore, #tpu.memory_space<semaphore_mem>>)
        %mul3A_696 = arith.constant 8 : i32
        %mul3A_697 = arith.muli %add3A_626, %mul3A_696 : i32
        %multiple_of3A_698 = tpu.assume_multiple %mul3A_697, 8 : i32
        %dma_start3A_699 = arith.constant 3 : i32
        %dma_start3A_700 = arith.constant 24 : i32
        %dma_start3A_701 = arith.constant 0 : i32
        %dma_start3A_702 = tpu.memref_slice %arg8[%dma_start3A_700, %dma_start3A_701] : memref<32x768xf32, #tpu.memory_space<vmem>> -> memref<8x768xf32, #tpu.memory_space<vmem>>
        %dma_start3A_703 = tpu.memref_slice %arg6[%dma_start3A_699, %multiple_of3A_698] : memref<4x128xi32, #tpu.memory_space<vmem>> -> memref<1x8xi32, #tpu.memory_space<vmem>>
        %dma_start3A_704 = tpu.memref_squeeze %dma_start3A_703 : memref<1x8xi32, #tpu.memory_space<vmem>> -> memref<8xi32, #tpu.memory_space<vmem>>
        %dma_start3A_705 = arith.constant 0 : i32
        %dma_start3A_706 = arith.constant 0 : i32
        %dma_start3A_707 = tpu.memref_slice %arg3[%dma_start3A_705, %dma_start3A_706] : memref<100000x768xf32, #tpu.memory_space<hbm>> -> memref<100000x768xf32, #tpu.memory_space<hbm>>
        tpu.enqueue_indirect_dma source(%dma_start3A_707 : memref<100000x768xf32, #tpu.memory_space<hbm>>) target(%dma_start3A_702 : memref<8x768xf32, #tpu.memory_space<vmem>>) offsets(%dma_start3A_704 : memref<8xi32, #tpu.memory_space<vmem>>) semaphore(%arg14 : memref<!tpu.dma_semaphore, #tpu.memory_space<semaphore_mem>>)
      } else {
      }
      %dma_wait3A_424 = arith.constant 0 : i32
      %dma_wait3A_425 = arith.constant 0 : i32
      %dma_wait3A_426 = arith.constant 0 : i32
      %dma_wait3A_427 = tpu.memref_slice %arg7[%dma_wait3A_425, %dma_wait3A_426] : memref<32x768xf32, #tpu.memory_space<vmem>> -> memref<8x768xf32, #tpu.memory_space<vmem>>
      %dma_wait3A_428 = arith.constant 0 : i32
      %dma_wait3A_429 = tpu.memref_slice %arg6[%dma_wait3A_424, %dma_wait3A_428] : memref<4x128xi32, #tpu.memory_space<vmem>> -> memref<1x8xi32, #tpu.memory_space<vmem>>
      %dma_wait3A_430 = tpu.memref_squeeze %dma_wait3A_429 : memref<1x8xi32, #tpu.memory_space<vmem>> -> memref<8xi32, #tpu.memory_space<vmem>>
      %dma_wait3A_431 = arith.constant 0 : i32
      %dma_wait3A_432 = arith.constant 0 : i32
      %dma_wait3A_433 = tpu.memref_slice %arg3[%dma_wait3A_431, %dma_wait3A_432] : memref<100000x768xf32, #tpu.memory_space<hbm>> -> memref<100000x768xf32, #tpu.memory_space<hbm>>
      tpu.wait_indirect_dma semaphore(%arg13 : memref<!tpu.dma_semaphore, #tpu.memory_space<semaphore_mem>>) src(%dma_wait3A_433 : memref<100000x768xf32, #tpu.memory_space<hbm>>) dst(%dma_wait3A_427 : memref<8x768xf32, #tpu.memory_space<vmem>>)
      %dma_wait3A_434 = arith.constant 1 : i32
      %dma_wait3A_435 = arith.constant 8 : i32
      %dma_wait3A_436 = arith.constant 0 : i32
      %dma_wait3A_437 = tpu.memref_slice %arg7[%dma_wait3A_435, %dma_wait3A_436] : memref<32x768xf32, #tpu.memory_space<vmem>> -> memref<8x768xf32, #tpu.memory_space<vmem>>
      %dma_wait3A_438 = arith.constant 0 : i32
      %dma_wait3A_439 = tpu.memref_slice %arg6[%dma_wait3A_434, %dma_wait3A_438] : memref<4x128xi32, #tpu.memory_space<vmem>> -> memref<1x8xi32, #tpu.memory_space<vmem>>
      %dma_wait3A_440 = tpu.memref_squeeze %dma_wait3A_439 : memref<1x8xi32, #tpu.memory_space<vmem>> -> memref<8xi32, #tpu.memory_space<vmem>>
      %dma_wait3A_441 = arith.constant 0 : i32
      %dma_wait3A_442 = arith.constant 0 : i32
      %dma_wait3A_443 = tpu.memref_slice %arg3[%dma_wait3A_441, %dma_wait3A_442] : memref<100000x768xf32, #tpu.memory_space<hbm>> -> memref<100000x768xf32, #tpu.memory_space<hbm>>
      tpu.wait_indirect_dma semaphore(%arg13 : memref<!tpu.dma_semaphore, #tpu.memory_space<semaphore_mem>>) src(%dma_wait3A_443 : memref<100000x768xf32, #tpu.memory_space<hbm>>) dst(%dma_wait3A_437 : memref<8x768xf32, #tpu.memory_space<vmem>>)
      %dma_wait3A_444 = arith.constant 2 : i32
      %dma_wait3A_445 = arith.constant 16 : i32
      %dma_wait3A_446 = arith.constant 0 : i32
      %dma_wait3A_447 = tpu.memref_slice %arg7[%dma_wait3A_445, %dma_wait3A_446] : memref<32x768xf32, #tpu.memory_space<vmem>> -> memref<8x768xf32, #tpu.memory_space<vmem>>
      %dma_wait3A_448 = arith.constant 0 : i32
      %dma_wait3A_449 = tpu.memref_slice %arg6[%dma_wait3A_444, %dma_wait3A_448] : memref<4x128xi32, #tpu.memory_space<vmem>> -> memref<1x8xi32, #tpu.memory_space<vmem>>
      %dma_wait3A_450 = tpu.memref_squeeze %dma_wait3A_449 : memref<1x8xi32, #tpu.memory_space<vmem>> -> memref<8xi32, #tpu.memory_space<vmem>>
      %dma_wait3A_451 = arith.constant 0 : i32
      %dma_wait3A_452 = arith.constant 0 : i32
      %dma_wait3A_453 = tpu.memref_slice %arg3[%dma_wait3A_451, %dma_wait3A_452] : memref<100000x768xf32, #tpu.memory_space<hbm>> -> memref<100000x768xf32, #tpu.memory_space<hbm>>
      tpu.wait_indirect_dma semaphore(%arg13 : memref<!tpu.dma_semaphore, #tpu.memory_space<semaphore_mem>>) src(%dma_wait3A_453 : memref<100000x768xf32, #tpu.memory_space<hbm>>) dst(%dma_wait3A_447 : memref<8x768xf32, #tpu.memory_space<vmem>>)
      %dma_wait3A_454 = arith.constant 3 : i32
      %dma_wait3A_455 = arith.constant 24 : i32
      %dma_wait3A_456 = arith.constant 0 : i32
      %dma_wait3A_457 = tpu.memref_slice %arg7[%dma_wait3A_455, %dma_wait3A_456] : memref<32x768xf32, #tpu.memory_space<vmem>> -> memref<8x768xf32, #tpu.memory_space<vmem>>
      %dma_wait3A_458 = arith.constant 0 : i32
      %dma_wait3A_459 = tpu.memref_slice %arg6[%dma_wait3A_454, %dma_wait3A_458] : memref<4x128xi32, #tpu.memory_space<vmem>> -> memref<1x8xi32, #tpu.memory_space<vmem>>
      %dma_wait3A_460 = tpu.memref_squeeze %dma_wait3A_459 : memref<1x8xi32, #tpu.memory_space<vmem>> -> memref<8xi32, #tpu.memory_space<vmem>>
      %dma_wait3A_461 = arith.constant 0 : i32
      %dma_wait3A_462 = arith.constant 0 : i32
      %dma_wait3A_463 = tpu.memref_slice %arg3[%dma_wait3A_461, %dma_wait3A_462] : memref<100000x768xf32, #tpu.memory_space<hbm>> -> memref<100000x768xf32, #tpu.memory_space<hbm>>
      tpu.wait_indirect_dma semaphore(%arg13 : memref<!tpu.dma_semaphore, #tpu.memory_space<semaphore_mem>>) src(%dma_wait3A_463 : memref<100000x768xf32, #tpu.memory_space<hbm>>) dst(%dma_wait3A_457 : memref<8x768xf32, #tpu.memory_space<vmem>>)
      %dma_wait3A_464 = arith.constant 0 : i32
      %dma_wait3A_465 = tpu.memref_slice %arg4[%dma_wait3A_464] : memref<6291456xf32, #tpu.memory_space<hbm>> -> memref<6144xf32, #tpu.memory_space<hbm>>
      %dma_wait3A_466 = arith.constant 0 : i32
      %dma_wait3A_467 = tpu.memref_slice %arg4[%dma_wait3A_466] : memref<6291456xf32, #tpu.memory_space<hbm>> -> memref<6144xf32, #tpu.memory_space<hbm>>
      tpu.wait_dma2 semaphore(%arg15 : memref<!tpu.dma_semaphore, #tpu.memory_space<semaphore_mem>>) src(%dma_wait3A_467 : memref<6144xf32, #tpu.memory_space<hbm>>) dst(%arg11 : memref<6144xf32, #tpu.memory_space<vmem>>)
      %dma_wait3A_468 = arith.constant 0 : i32
      %dma_wait3A_469 = arith.constant 0 : i32
      %dma_wait3A_470 = arith.constant 0 : i32
      %dma_wait3A_471 = arith.constant 0 : i32
      %dma_wait3A_472 = tpu.memref_slice %arg5[%dma_wait3A_468, %dma_wait3A_469, %dma_wait3A_470, %dma_wait3A_471] : memref<4096x6x4x128xf32, #tpu.memory_space<hbm>> -> memref<8x6x4x128xf32, #tpu.memory_space<hbm>>
      %dma_wait3A_473 = arith.constant 0 : i32
      %dma_wait3A_474 = arith.constant 0 : i32
      %dma_wait3A_475 = arith.constant 0 : i32
      %dma_wait3A_476 = arith.constant 0 : i32
      %dma_wait3A_477 = tpu.memref_slice %arg5[%dma_wait3A_473, %dma_wait3A_474, %dma_wait3A_475, %dma_wait3A_476] : memref<4096x6x4x128xf32, #tpu.memory_space<hbm>> -> memref<8x6x4x128xf32, #tpu.memory_space<hbm>>
      tpu.wait_dma2 semaphore(%arg17 : memref<!tpu.dma_semaphore, #tpu.memory_space<semaphore_mem>>) src(%arg9 : memref<8x6x4x128xf32, #tpu.memory_space<vmem>>) dst(%dma_wait3A_477 : memref<8x6x4x128xf32, #tpu.memory_space<hbm>>)
      %scan3A_478 = arith.constant 0 : i32
      %scan3A_479 = arith.constant 0 : i32
      %scan3A_480 = arith.constant 8 : i32
      %scan3A_481 = arith.addi %scan3A_479, %scan3A_480 : i32
      %scan3A_482 = arith.constant 1 : i32
      scf.for %scan3A_625 = %scan3A_479 to %scan3A_481 step %scan3A_482  : i32 {
        %parallel_loop3A = arith.constant 0 : i32
        %parallel_loop3A_626 = arith.constant 48 : i32
        %parallel_loop3A_627 = arith.constant 1 : i32
        scf.for %parallel_loop3A_628 = %parallel_loop3A to %parallel_loop3A_626 step %parallel_loop3A_627  : i32 {
          %parallel_loop3A_629 = arith.constant 16 : i32
          %parallel_loop3A_630 = arith.muli %parallel_loop3A_628, %parallel_loop3A_629 : i32
          %parallel_loop3A_631 = arith.constant 3 : i32
          %parallel_loop3A_632 = arith.shrsi %parallel_loop3A_628, %parallel_loop3A_631 : i32
          %parallel_loop3A_633 = arith.constant 7 : i32
          %parallel_loop3A_634 = arith.andi %parallel_loop3A_628, %parallel_loop3A_633 : i32
          %parallel_loop3A_635 = arith.constant 16 : i32
          %parallel_loop3A_636 = arith.muli %parallel_loop3A_634, %parallel_loop3A_635 : i32
          %parallel_loop3A_637 = arith.constant 768 : i32
          %parallel_loop3A_638 = arith.muli %scan3A_625, %parallel_loop3A_637 : i32
          %parallel_loop3A_639 = arith.addi %parallel_loop3A_638, %parallel_loop3A_630 : i32
          %parallel_loop3A_640 = arith.index_cast %parallel_loop3A_639 : i32 to index
          %parallel_loop3A_641 = tpu.vector_load %arg11[%parallel_loop3A_640] {strides = array<i32>} : memref<6144xf32, #tpu.memory_space<vmem>>, vector<16xf32>,
          %parallel_loop3A_642 = vector.shape_cast %parallel_loop3A_641 : vector<16xf32> to vector<16xf32>
          %parallel_loop3A_643 = arith.constant 0 : i32
          %parallel_loop3A_644 = arith.addi %parallel_loop3A_643, %scan3A_625 : i32
          %parallel_loop3A_645 = arith.index_cast %parallel_loop3A_644 : i32 to index
          %parallel_loop3A_646 = arith.index_cast %parallel_loop3A_630 : i32 to index
          %parallel_loop3A_647 = tpu.vector_load %arg7[%parallel_loop3A_645, %parallel_loop3A_646] {strides = array<i32>} : memref<32x768xf32, #tpu.memory_space<vmem>>, vector<1x16xf32>,
          %parallel_loop3A_648 = vector.shape_cast %parallel_loop3A_647 : vector<1x16xf32> to vector<16xf32>
          %parallel_loop3A_649 = arith.constant 27.7128124 : f32
          %parallel_loop3A_650 = vector.broadcast %parallel_loop3A_649 : f32 to vector<16xf32>
          %parallel_loop3A_651 = arith.mulf %parallel_loop3A_648, %parallel_loop3A_650 : vector<16xf32>
          %parallel_loop3A_652 = arith.addf %parallel_loop3A_651, %parallel_loop3A_642 : vector<16xf32>
          %parallel_loop3A_653 = arith.constant 0 : i32
          %parallel_loop3A_654 = arith.index_cast %scan3A_625 : i32 to index
          %parallel_loop3A_655 = arith.index_cast %parallel_loop3A_632 : i32 to index
          %parallel_loop3A_656 = arith.index_cast %parallel_loop3A_653 : i32 to index
          %parallel_loop3A_657 = arith.index_cast %parallel_loop3A_636 : i32 to index
          %parallel_loop3A_658 = tpu.vector_load %arg9[%parallel_loop3A_654, %parallel_loop3A_655, %parallel_loop3A_656, %parallel_loop3A_657] {strides = array<i32>} : memref<8x6x4x128xf32, #tpu.memory_space<vmem>>, vector<1x1x1x16xf32>,
          %parallel_loop3A_659 = vector.shape_cast %parallel_loop3A_658 : vector<1x1x1x16xf32> to vector<16xf32>
          %parallel_loop3A_660 = vector.shape_cast %parallel_loop3A_652 : vector<16xf32> to vector<1x1x1x16xf32>
          tpu.vector_store %arg9[%parallel_loop3A_654, %parallel_loop3A_655, %parallel_loop3A_656, %parallel_loop3A_657], %parallel_loop3A_660 {strides = array<i32>} : memref<8x6x4x128xf32, #tpu.memory_space<vmem>>, vector<1x1x1x16xf32>,
          %parallel_loop3A_661 = arith.constant 8 : i32
          %parallel_loop3A_662 = arith.addi %parallel_loop3A_661, %scan3A_625 : i32
          %parallel_loop3A_663 = arith.index_cast %parallel_loop3A_662 : i32 to index
          %parallel_loop3A_664 = arith.index_cast %parallel_loop3A_630 : i32 to index
          %parallel_loop3A_665 = tpu.vector_load %arg7[%parallel_loop3A_663, %parallel_loop3A_664] {strides = array<i32>} : memref<32x768xf32, #tpu.memory_space<vmem>>, vector<1x16xf32>,
          %parallel_loop3A_666 = vector.shape_cast %parallel_loop3A_665 : vector<1x16xf32> to vector<16xf32>
          %parallel_loop3A_667 = arith.constant 27.7128124 : f32
          %parallel_loop3A_668 = vector.broadcast %parallel_loop3A_667 : f32 to vector<16xf32>
          %parallel_loop3A_669 = arith.mulf %parallel_loop3A_666, %parallel_loop3A_668 : vector<16xf32>
          %parallel_loop3A_670 = arith.addf %parallel_loop3A_669, %parallel_loop3A_642 : vector<16xf32>
          %parallel_loop3A_671 = arith.constant 1 : i32
          %parallel_loop3A_672 = arith.index_cast %scan3A_625 : i32 to index
          %parallel_loop3A_673 = arith.index_cast %parallel_loop3A_632 : i32 to index
          %parallel_loop3A_674 = arith.index_cast %parallel_loop3A_671 : i32 to index
          %parallel_loop3A_675 = arith.index_cast %parallel_loop3A_636 : i32 to index
          %parallel_loop3A_676 = tpu.vector_load %arg9[%parallel_loop3A_672, %parallel_loop3A_673, %parallel_loop3A_674, %parallel_loop3A_675] {strides = array<i32>} : memref<8x6x4x128xf32, #tpu.memory_space<vmem>>, vector<1x1x1x16xf32>,
          %parallel_loop3A_677 = vector.shape_cast %parallel_loop3A_676 : vector<1x1x1x16xf32> to vector<16xf32>
          %parallel_loop3A_678 = vector.shape_cast %parallel_loop3A_670 : vector<16xf32> to vector<1x1x1x16xf32>
          tpu.vector_store %arg9[%parallel_loop3A_672, %parallel_loop3A_673, %parallel_loop3A_674, %parallel_loop3A_675], %parallel_loop3A_678 {strides = array<i32>} : memref<8x6x4x128xf32, #tpu.memory_space<vmem>>, vector<1x1x1x16xf32>,
          %parallel_loop3A_679 = arith.constant 16 : i32
          %parallel_loop3A_680 = arith.addi %parallel_loop3A_679, %scan3A_625 : i32
          %parallel_loop3A_681 = arith.index_cast %parallel_loop3A_680 : i32 to index
          %parallel_loop3A_682 = arith.index_cast %parallel_loop3A_630 : i32 to index
          %parallel_loop3A_683 = tpu.vector_load %arg7[%parallel_loop3A_681, %parallel_loop3A_682] {strides = array<i32>} : memref<32x768xf32, #tpu.memory_space<vmem>>, vector<1x16xf32>,
          %parallel_loop3A_684 = vector.shape_cast %parallel_loop3A_683 : vector<1x16xf32> to vector<16xf32>
          %parallel_loop3A_685 = arith.constant 27.7128124 : f32
          %parallel_loop3A_686 = vector.broadcast %parallel_loop3A_685 : f32 to vector<16xf32>
          %parallel_loop3A_687 = arith.mulf %parallel_loop3A_684, %parallel_loop3A_686 : vector<16xf32>
          %parallel_loop3A_688 = arith.addf %parallel_loop3A_687, %parallel_loop3A_642 : vector<16xf32>
          %parallel_loop3A_689 = arith.constant 2 : i32
          %parallel_loop3A_690 = arith.index_cast %scan3A_625 : i32 to index
          %parallel_loop3A_691 = arith.index_cast %parallel_loop3A_632 : i32 to index
          %parallel_loop3A_692 = arith.index_cast %parallel_loop3A_689 : i32 to index
          %parallel_loop3A_693 = arith.index_cast %parallel_loop3A_636 : i32 to index
          %parallel_loop3A_694 = tpu.vector_load %arg9[%parallel_loop3A_690, %parallel_loop3A_691, %parallel_loop3A_692, %parallel_loop3A_693] {strides = array<i32>} : memref<8x6x4x128xf32, #tpu.memory_space<vmem>>, vector<1x1x1x16xf32>,
          %parallel_loop3A_695 = vector.shape_cast %parallel_loop3A_694 : vector<1x1x1x16xf32> to vector<16xf32>
          %parallel_loop3A_696 = vector.shape_cast %parallel_loop3A_688 : vector<16xf32> to vector<1x1x1x16xf32>
          tpu.vector_store %arg9[%parallel_loop3A_690, %parallel_loop3A_691, %parallel_loop3A_692, %parallel_loop3A_693], %parallel_loop3A_696 {strides = array<i32>} : memref<8x6x4x128xf32, #tpu.memory_space<vmem>>, vector<1x1x1x16xf32>,
          %parallel_loop3A_697 = arith.constant 24 : i32
          %parallel_loop3A_698 = arith.addi %parallel_loop3A_697, %scan3A_625 : i32
          %parallel_loop3A_699 = arith.index_cast %parallel_loop3A_698 : i32 to index
          %parallel_loop3A_700 = arith.index_cast %parallel_loop3A_630 : i32 to index
          %parallel_loop3A_701 = tpu.vector_load %arg7[%parallel_loop3A_699, %parallel_loop3A_700] {strides = array<i32>} : memref<32x768xf32, #tpu.memory_space<vmem>>, vector<1x16xf32>,
          %parallel_loop3A_702 = vector.shape_cast %parallel_loop3A_701 : vector<1x16xf32> to vector<16xf32>
          %parallel_loop3A_703 = arith.constant 27.7128124 : f32
          %parallel_loop3A_704 = vector.broadcast %parallel_loop3A_703 : f32 to vector<16xf32>
          %parallel_loop3A_705 = arith.mulf %parallel_loop3A_702, %parallel_loop3A_704 : vector<16xf32>
          %parallel_loop3A_706 = arith.addf %parallel_loop3A_705, %parallel_loop3A_642 : vector<16xf32>
          %parallel_loop3A_707 = arith.constant 3 : i32
          %parallel_loop3A_708 = arith.index_cast %scan3A_625 : i32 to index
          %parallel_loop3A_709 = arith.index_cast %parallel_loop3A_632 : i32 to index
          %parallel_loop3A_710 = arith.index_cast %parallel_loop3A_707 : i32 to index
          %parallel_loop3A_711 = arith.index_cast %parallel_loop3A_636 : i32 to index
          %parallel_loop3A_712 = tpu.vector_load %arg9[%parallel_loop3A_708, %parallel_loop3A_709, %parallel_loop3A_710, %parallel_loop3A_711] {strides = array<i32>} : memref<8x6x4x128xf32, #tpu.memory_space<vmem>>, vector<1x1x1x16xf32>,
          %parallel_loop3A_713 = vector.shape_cast %parallel_loop3A_712 : vector<1x1x1x16xf32> to vector<16xf32>
          %parallel_loop3A_714 = vector.shape_cast %parallel_loop3A_706 : vector<16xf32> to vector<1x1x1x16xf32>
          tpu.vector_store %arg9[%parallel_loop3A_708, %parallel_loop3A_709, %parallel_loop3A_710, %parallel_loop3A_711], %parallel_loop3A_714 {strides = array<i32>} : memref<8x6x4x128xf32, #tpu.memory_space<vmem>>, vector<1x1x1x16xf32>,
        } {sc.loop_unroll_factor = 8 : i64, sc.parallel_access}
      }
      %scan3A_483 = arith.constant 8 : i32
      %mul3A_484 = arith.constant 32 : i32
      %mul3A_485 = arith.muli %add3A_419, %mul3A_484 : i32
      %add3A_486 = arith.addi %mul3A_2, %mul3A_485 : i32
      %jit3A_487 = arith.constant 4 : i32
      %div3A_488 = arith.divsi %add3A_486, %jit3A_487 : i32
      %sign3A_489 = arith.constant 0 : i32
      %sign3A_490 = arith.cmpi sgt, %add3A_486, %sign3A_489 : i32
      %sign3A_491 = arith.extui %sign3A_490 : i1 to i32
      %sign3A_492 = arith.constant 0 : i32
      %sign3A_493 = arith.cmpi slt, %add3A_486, %sign3A_492 : i32
      %sign3A_494 = arith.extui %sign3A_493 : i1 to i32
      %sign3A_495 = arith.subi %sign3A_491, %sign3A_494 : i32
      %sign3A_496 = arith.constant 0 : i32
      %sign3A_497 = arith.cmpi sgt, %jit3A_487, %sign3A_496 : i32
      %sign3A_498 = arith.extui %sign3A_497 : i1 to i32
      %sign3A_499 = arith.constant 0 : i32
      %sign3A_500 = arith.cmpi slt, %jit3A_487, %sign3A_499 : i32
      %sign3A_501 = arith.extui %sign3A_500 : i1 to i32
      %sign3A_502 = arith.subi %sign3A_498, %sign3A_501 : i32
      %ne3A_503 = arith.cmpi ne, %sign3A_495, %sign3A_502 : i32
      %rem3A_504 = arith.remsi %add3A_486, %jit3A_487 : i32
      %ne3A_505 = arith.constant 0 : i32
      %ne3A_506 = arith.cmpi ne, %rem3A_504, %ne3A_505 : i32
      %and3A_507 = arith.andi %ne3A_503, %ne3A_506 : i1
      %sub3A_508 = arith.constant 1 : i32
      %sub3A_509 = arith.subi %div3A_488, %sub3A_508 : i32
      %select_n3A_510 = arith.select %and3A_507, %sub3A_509, %div3A_488 : i32
      %multiple_of3A_511 = tpu.assume_multiple %select_n3A_510, 8 : i32
      %dma_start3A_512 = arith.constant 0 : i32
      %dma_start3A_513 = arith.constant 0 : i32
      %dma_start3A_514 = arith.constant 0 : i32
      %dma_start3A_515 = tpu.memref_slice %arg5[%multiple_of3A_511, %dma_start3A_512, %dma_start3A_513, %dma_start3A_514] : memref<4096x6x4x128xf32, #tpu.memory_space<hbm>> -> memref<8x6x4x128xf32, #tpu.memory_space<hbm>>
      %dma_start3A_516 = arith.constant 0 : i32
      %dma_start3A_517 = arith.constant 0 : i32
      %dma_start3A_518 = arith.constant 0 : i32
      %dma_start3A_519 = tpu.memref_slice %arg5[%multiple_of3A_511, %dma_start3A_516, %dma_start3A_517, %dma_start3A_518] : memref<4096x6x4x128xf32, #tpu.memory_space<hbm>> -> memref<8x6x4x128xf32, #tpu.memory_space<hbm>>
      tpu.enqueue_dma source(%arg9 : memref<8x6x4x128xf32, #tpu.memory_space<vmem>>) target(%dma_start3A_519 : memref<8x6x4x128xf32, #tpu.memory_space<hbm>>) target_semaphore(%arg17 : memref<!tpu.dma_semaphore, #tpu.memory_space<semaphore_mem>>)
      %add3A_520 = arith.constant 1 : i32
      %add3A_521 = arith.addi %mul3A_417, %add3A_520 : i32
      %add3A_522 = arith.constant 1 : i32
      %add3A_523 = arith.addi %add3A_521, %add3A_522 : i32
      %lt3A_524 = arith.constant 16 : i32
      %lt3A_525 = arith.cmpi slt, %add3A_523, %lt3A_524 : i32
      %convert_element_type3A_526 = arith.extui %lt3A_525 : i1 to i32
      %cond3A_527 = arith.constant 0 : i32
      %cond3A_528 = arith.cmpi ne, %convert_element_type3A_526, %cond3A_527 : i32
      scf.if %cond3A_528 {
        %add3A_625 = arith.constant 1 : i32
        %add3A_626 = arith.addi %add3A_521, %add3A_625 : i32
        %mul3A_627 = arith.constant 32 : i32
        %mul3A_628 = arith.muli %add3A_626, %mul3A_627 : i32
        %add3A_629 = arith.addi %mul3A_2, %mul3A_628 : i32
        %multiple_of3A_630 = tpu.assume_multiple %add3A_629, 32 : i32
        %jit3A_631 = arith.constant 4 : i32
        %div3A_632 = arith.divsi %multiple_of3A_630, %jit3A_631 : i32
        %sign3A_633 = arith.constant 0 : i32
        %sign3A_634 = arith.cmpi sgt, %multiple_of3A_630, %sign3A_633 : i32
        %sign3A_635 = arith.extui %sign3A_634 : i1 to i32
        %sign3A_636 = arith.constant 0 : i32
        %sign3A_637 = arith.cmpi slt, %multiple_of3A_630, %sign3A_636 : i32
        %sign3A_638 = arith.extui %sign3A_637 : i1 to i32
        %sign3A_639 = arith.subi %sign3A_635, %sign3A_638 : i32
        %sign3A_640 = arith.constant 0 : i32
        %sign3A_641 = arith.cmpi sgt, %jit3A_631, %sign3A_640 : i32
        %sign3A_642 = arith.extui %sign3A_641 : i1 to i32
        %sign3A_643 = arith.constant 0 : i32
        %sign3A_644 = arith.cmpi slt, %jit3A_631, %sign3A_643 : i32
        %sign3A_645 = arith.extui %sign3A_644 : i1 to i32
        %sign3A_646 = arith.subi %sign3A_642, %sign3A_645 : i32
        %ne3A_647 = arith.cmpi ne, %sign3A_639, %sign3A_646 : i32
        %rem3A_648 = arith.remsi %multiple_of3A_630, %jit3A_631 : i32
        %ne3A_649 = arith.constant 0 : i32
        %ne3A_650 = arith.cmpi ne, %rem3A_648, %ne3A_649 : i32
        %and3A_651 = arith.andi %ne3A_647, %ne3A_650 : i1
        %sub3A_652 = arith.constant 1 : i32
        %sub3A_653 = arith.subi %div3A_632, %sub3A_652 : i32
        %select_n3A_654 = arith.select %and3A_651, %sub3A_653, %div3A_632 : i32
        %mul3A_655 = arith.constant 768 : i32
        %mul3A_656 = arith.muli %select_n3A_654, %mul3A_655 : i32
        %multiple_of3A_657 = tpu.assume_multiple %mul3A_656, 6144 : i32
        %dma_start3A_658 = tpu.memref_slice %arg4[%multiple_of3A_657] : memref<6291456xf32, #tpu.memory_space<hbm>> -> memref<6144xf32, #tpu.memory_space<hbm>>
        %dma_start3A_659 = tpu.memref_slice %arg4[%multiple_of3A_657] : memref<6291456xf32, #tpu.memory_space<hbm>> -> memref<6144xf32, #tpu.memory_space<hbm>>
        tpu.enqueue_dma source(%dma_start3A_659 : memref<6144xf32, #tpu.memory_space<hbm>>) target(%arg11 : memref<6144xf32, #tpu.memory_space<vmem>>) target_semaphore(%arg15 : memref<!tpu.dma_semaphore, #tpu.memory_space<semaphore_mem>>)
        %mul3A_660 = arith.constant 8 : i32
        %mul3A_661 = arith.muli %add3A_626, %mul3A_660 : i32
        %multiple_of3A_662 = tpu.assume_multiple %mul3A_661, 8 : i32
        %dma_start3A_663 = arith.constant 0 : i32
        %dma_start3A_664 = arith.constant 0 : i32
        %dma_start3A_665 = arith.constant 0 : i32
        %dma_start3A_666 = tpu.memref_slice %arg7[%dma_start3A_664, %dma_start3A_665] : memref<32x768xf32, #tpu.memory_space<vmem>> -> memref<8x768xf32, #tpu.memory_space<vmem>>
        %dma_start3A_667 = tpu.memref_slice %arg6[%dma_start3A_663, %multiple_of3A_662] : memref<4x128xi32, #tpu.memory_space<vmem>> -> memref<1x8xi32, #tpu.memory_space<vmem>>
        %dma_start3A_668 = tpu.memref_squeeze %dma_start3A_667 : memref<1x8xi32, #tpu.memory_space<vmem>> -> memref<8xi32, #tpu.memory_space<vmem>>
        %dma_start3A_669 = arith.constant 0 : i32
        %dma_start3A_670 = arith.constant 0 : i32
        %dma_start3A_671 = tpu.memref_slice %arg3[%dma_start3A_669, %dma_start3A_670] : memref<100000x768xf32, #tpu.memory_space<hbm>> -> memref<100000x768xf32, #tpu.memory_space<hbm>>
        tpu.enqueue_indirect_dma source(%dma_start3A_671 : memref<100000x768xf32, #tpu.memory_space<hbm>>) target(%dma_start3A_666 : memref<8x768xf32, #tpu.memory_space<vmem>>) offsets(%dma_start3A_668 : memref<8xi32, #tpu.memory_space<vmem>>) semaphore(%arg13 : memref<!tpu.dma_semaphore, #tpu.memory_space<semaphore_mem>>)
        %mul3A_672 = arith.constant 8 : i32
        %mul3A_673 = arith.muli %add3A_626, %mul3A_672 : i32
        %multiple_of3A_674 = tpu.assume_multiple %mul3A_673, 8 : i32
        %dma_start3A_675 = arith.constant 1 : i32
        %dma_start3A_676 = arith.constant 8 : i32
        %dma_start3A_677 = arith.constant 0 : i32
        %dma_start3A_678 = tpu.memref_slice %arg7[%dma_start3A_676, %dma_start3A_677] : memref<32x768xf32, #tpu.memory_space<vmem>> -> memref<8x768xf32, #tpu.memory_space<vmem>>
        %dma_start3A_679 = tpu.memref_slice %arg6[%dma_start3A_675, %multiple_of3A_674] : memref<4x128xi32, #tpu.memory_space<vmem>> -> memref<1x8xi32, #tpu.memory_space<vmem>>
        %dma_start3A_680 = tpu.memref_squeeze %dma_start3A_679 : memref<1x8xi32, #tpu.memory_space<vmem>> -> memref<8xi32, #tpu.memory_space<vmem>>
        %dma_start3A_681 = arith.constant 0 : i32
        %dma_start3A_682 = arith.constant 0 : i32
        %dma_start3A_683 = tpu.memref_slice %arg3[%dma_start3A_681, %dma_start3A_682] : memref<100000x768xf32, #tpu.memory_space<hbm>> -> memref<100000x768xf32, #tpu.memory_space<hbm>>
        tpu.enqueue_indirect_dma source(%dma_start3A_683 : memref<100000x768xf32, #tpu.memory_space<hbm>>) target(%dma_start3A_678 : memref<8x768xf32, #tpu.memory_space<vmem>>) offsets(%dma_start3A_680 : memref<8xi32, #tpu.memory_space<vmem>>) semaphore(%arg13 : memref<!tpu.dma_semaphore, #tpu.memory_space<semaphore_mem>>)
        %mul3A_684 = arith.constant 8 : i32
        %mul3A_685 = arith.muli %add3A_626, %mul3A_684 : i32
        %multiple_of3A_686 = tpu.assume_multiple %mul3A_685, 8 : i32
        %dma_start3A_687 = arith.constant 2 : i32
        %dma_start3A_688 = arith.constant 16 : i32
        %dma_start3A_689 = arith.constant 0 : i32
        %dma_start3A_690 = tpu.memref_slice %arg7[%dma_start3A_688, %dma_start3A_689] : memref<32x768xf32, #tpu.memory_space<vmem>> -> memref<8x768xf32, #tpu.memory_space<vmem>>
        %dma_start3A_691 = tpu.memref_slice %arg6[%dma_start3A_687, %multiple_of3A_686] : memref<4x128xi32, #tpu.memory_space<vmem>> -> memref<1x8xi32, #tpu.memory_space<vmem>>
        %dma_start3A_692 = tpu.memref_squeeze %dma_start3A_691 : memref<1x8xi32, #tpu.memory_space<vmem>> -> memref<8xi32, #tpu.memory_space<vmem>>
        %dma_start3A_693 = arith.constant 0 : i32
        %dma_start3A_694 = arith.constant 0 : i32
        %dma_start3A_695 = tpu.memref_slice %arg3[%dma_start3A_693, %dma_start3A_694] : memref<100000x768xf32, #tpu.memory_space<hbm>> -> memref<100000x768xf32, #tpu.memory_space<hbm>>
        tpu.enqueue_indirect_dma source(%dma_start3A_695 : memref<100000x768xf32, #tpu.memory_space<hbm>>) target(%dma_start3A_690 : memref<8x768xf32, #tpu.memory_space<vmem>>) offsets(%dma_start3A_692 : memref<8xi32, #tpu.memory_space<vmem>>) semaphore(%arg13 : memref<!tpu.dma_semaphore, #tpu.memory_space<semaphore_mem>>)
        %mul3A_696 = arith.constant 8 : i32
        %mul3A_697 = arith.muli %add3A_626, %mul3A_696 : i32
        %multiple_of3A_698 = tpu.assume_multiple %mul3A_697, 8 : i32
        %dma_start3A_699 = arith.constant 3 : i32
        %dma_start3A_700 = arith.constant 24 : i32
        %dma_start3A_701 = arith.constant 0 : i32
        %dma_start3A_702 = tpu.memref_slice %arg7[%dma_start3A_700, %dma_start3A_701] : memref<32x768xf32, #tpu.memory_space<vmem>> -> memref<8x768xf32, #tpu.memory_space<vmem>>
        %dma_start3A_703 = tpu.memref_slice %arg6[%dma_start3A_699, %multiple_of3A_698] : memref<4x128xi32, #tpu.memory_space<vmem>> -> memref<1x8xi32, #tpu.memory_space<vmem>>
        %dma_start3A_704 = tpu.memref_squeeze %dma_start3A_703 : memref<1x8xi32, #tpu.memory_space<vmem>> -> memref<8xi32, #tpu.memory_space<vmem>>
        %dma_start3A_705 = arith.constant 0 : i32
        %dma_start3A_706 = arith.constant 0 : i32
        %dma_start3A_707 = tpu.memref_slice %arg3[%dma_start3A_705, %dma_start3A_706] : memref<100000x768xf32, #tpu.memory_space<hbm>> -> memref<100000x768xf32, #tpu.memory_space<hbm>>
        tpu.enqueue_indirect_dma source(%dma_start3A_707 : memref<100000x768xf32, #tpu.memory_space<hbm>>) target(%dma_start3A_702 : memref<8x768xf32, #tpu.memory_space<vmem>>) offsets(%dma_start3A_704 : memref<8xi32, #tpu.memory_space<vmem>>) semaphore(%arg13 : memref<!tpu.dma_semaphore, #tpu.memory_space<semaphore_mem>>)
      } else {
      }
      %dma_wait3A_529 = arith.constant 0 : i32
      %dma_wait3A_530 = arith.constant 0 : i32
      %dma_wait3A_531 = arith.constant 0 : i32
      %dma_wait3A_532 = tpu.memref_slice %arg8[%dma_wait3A_530, %dma_wait3A_531] : memref<32x768xf32, #tpu.memory_space<vmem>> -> memref<8x768xf32, #tpu.memory_space<vmem>>
      %dma_wait3A_533 = arith.constant 0 : i32
      %dma_wait3A_534 = tpu.memref_slice %arg6[%dma_wait3A_529, %dma_wait3A_533] : memref<4x128xi32, #tpu.memory_space<vmem>> -> memref<1x8xi32, #tpu.memory_space<vmem>>
      %dma_wait3A_535 = tpu.memref_squeeze %dma_wait3A_534 : memref<1x8xi32, #tpu.memory_space<vmem>> -> memref<8xi32, #tpu.memory_space<vmem>>
      %dma_wait3A_536 = arith.constant 0 : i32
      %dma_wait3A_537 = arith.constant 0 : i32
      %dma_wait3A_538 = tpu.memref_slice %arg3[%dma_wait3A_536, %dma_wait3A_537] : memref<100000x768xf32, #tpu.memory_space<hbm>> -> memref<100000x768xf32, #tpu.memory_space<hbm>>
      tpu.wait_indirect_dma semaphore(%arg14 : memref<!tpu.dma_semaphore, #tpu.memory_space<semaphore_mem>>) src(%dma_wait3A_538 : memref<100000x768xf32, #tpu.memory_space<hbm>>) dst(%dma_wait3A_532 : memref<8x768xf32, #tpu.memory_space<vmem>>)
      %dma_wait3A_539 = arith.constant 1 : i32
      %dma_wait3A_540 = arith.constant 8 : i32
      %dma_wait3A_541 = arith.constant 0 : i32
      %dma_wait3A_542 = tpu.memref_slice %arg8[%dma_wait3A_540, %dma_wait3A_541] : memref<32x768xf32, #tpu.memory_space<vmem>> -> memref<8x768xf32, #tpu.memory_space<vmem>>
      %dma_wait3A_543 = arith.constant 0 : i32
      %dma_wait3A_544 = tpu.memref_slice %arg6[%dma_wait3A_539, %dma_wait3A_543] : memref<4x128xi32, #tpu.memory_space<vmem>> -> memref<1x8xi32, #tpu.memory_space<vmem>>
      %dma_wait3A_545 = tpu.memref_squeeze %dma_wait3A_544 : memref<1x8xi32, #tpu.memory_space<vmem>> -> memref<8xi32, #tpu.memory_space<vmem>>
      %dma_wait3A_546 = arith.constant 0 : i32
      %dma_wait3A_547 = arith.constant 0 : i32
      %dma_wait3A_548 = tpu.memref_slice %arg3[%dma_wait3A_546, %dma_wait3A_547] : memref<100000x768xf32, #tpu.memory_space<hbm>> -> memref<100000x768xf32, #tpu.memory_space<hbm>>
      tpu.wait_indirect_dma semaphore(%arg14 : memref<!tpu.dma_semaphore, #tpu.memory_space<semaphore_mem>>) src(%dma_wait3A_548 : memref<100000x768xf32, #tpu.memory_space<hbm>>) dst(%dma_wait3A_542 : memref<8x768xf32, #tpu.memory_space<vmem>>)
      %dma_wait3A_549 = arith.constant 2 : i32
      %dma_wait3A_550 = arith.constant 16 : i32
      %dma_wait3A_551 = arith.constant 0 : i32
      %dma_wait3A_552 = tpu.memref_slice %arg8[%dma_wait3A_550, %dma_wait3A_551] : memref<32x768xf32, #tpu.memory_space<vmem>> -> memref<8x768xf32, #tpu.memory_space<vmem>>
      %dma_wait3A_553 = arith.constant 0 : i32
      %dma_wait3A_554 = tpu.memref_slice %arg6[%dma_wait3A_549, %dma_wait3A_553] : memref<4x128xi32, #tpu.memory_space<vmem>> -> memref<1x8xi32, #tpu.memory_space<vmem>>
      %dma_wait3A_555 = tpu.memref_squeeze %dma_wait3A_554 : memref<1x8xi32, #tpu.memory_space<vmem>> -> memref<8xi32, #tpu.memory_space<vmem>>
      %dma_wait3A_556 = arith.constant 0 : i32
      %dma_wait3A_557 = arith.constant 0 : i32
      %dma_wait3A_558 = tpu.memref_slice %arg3[%dma_wait3A_556, %dma_wait3A_557] : memref<100000x768xf32, #tpu.memory_space<hbm>> -> memref<100000x768xf32, #tpu.memory_space<hbm>>
      tpu.wait_indirect_dma semaphore(%arg14 : memref<!tpu.dma_semaphore, #tpu.memory_space<semaphore_mem>>) src(%dma_wait3A_558 : memref<100000x768xf32, #tpu.memory_space<hbm>>) dst(%dma_wait3A_552 : memref<8x768xf32, #tpu.memory_space<vmem>>)
      %dma_wait3A_559 = arith.constant 3 : i32
      %dma_wait3A_560 = arith.constant 24 : i32
      %dma_wait3A_561 = arith.constant 0 : i32
      %dma_wait3A_562 = tpu.memref_slice %arg8[%dma_wait3A_560, %dma_wait3A_561] : memref<32x768xf32, #tpu.memory_space<vmem>> -> memref<8x768xf32, #tpu.memory_space<vmem>>
      %dma_wait3A_563 = arith.constant 0 : i32
      %dma_wait3A_564 = tpu.memref_slice %arg6[%dma_wait3A_559, %dma_wait3A_563] : memref<4x128xi32, #tpu.memory_space<vmem>> -> memref<1x8xi32, #tpu.memory_space<vmem>>
      %dma_wait3A_565 = tpu.memref_squeeze %dma_wait3A_564 : memref<1x8xi32, #tpu.memory_space<vmem>> -> memref<8xi32, #tpu.memory_space<vmem>>
      %dma_wait3A_566 = arith.constant 0 : i32
      %dma_wait3A_567 = arith.constant 0 : i32
      %dma_wait3A_568 = tpu.memref_slice %arg3[%dma_wait3A_566, %dma_wait3A_567] : memref<100000x768xf32, #tpu.memory_space<hbm>> -> memref<100000x768xf32, #tpu.memory_space<hbm>>
      tpu.wait_indirect_dma semaphore(%arg14 : memref<!tpu.dma_semaphore, #tpu.memory_space<semaphore_mem>>) src(%dma_wait3A_568 : memref<100000x768xf32, #tpu.memory_space<hbm>>) dst(%dma_wait3A_562 : memref<8x768xf32, #tpu.memory_space<vmem>>)
      %dma_wait3A_569 = arith.constant 0 : i32
      %dma_wait3A_570 = tpu.memref_slice %arg4[%dma_wait3A_569] : memref<6291456xf32, #tpu.memory_space<hbm>> -> memref<6144xf32, #tpu.memory_space<hbm>>
      %dma_wait3A_571 = arith.constant 0 : i32
      %dma_wait3A_572 = tpu.memref_slice %arg4[%dma_wait3A_571] : memref<6291456xf32, #tpu.memory_space<hbm>> -> memref<6144xf32, #tpu.memory_space<hbm>>
      tpu.wait_dma2 semaphore(%arg16 : memref<!tpu.dma_semaphore, #tpu.memory_space<semaphore_mem>>) src(%dma_wait3A_572 : memref<6144xf32, #tpu.memory_space<hbm>>) dst(%arg12 : memref<6144xf32, #tpu.memory_space<vmem>>)
      %dma_wait3A_573 = arith.constant 0 : i32
      %dma_wait3A_574 = arith.constant 0 : i32
      %dma_wait3A_575 = arith.constant 0 : i32
      %dma_wait3A_576 = arith.constant 0 : i32
      %dma_wait3A_577 = tpu.memref_slice %arg5[%dma_wait3A_573, %dma_wait3A_574, %dma_wait3A_575, %dma_wait3A_576] : memref<4096x6x4x128xf32, #tpu.memory_space<hbm>> -> memref<8x6x4x128xf32, #tpu.memory_space<hbm>>
      %dma_wait3A_578 = arith.constant 0 : i32
      %dma_wait3A_579 = arith.constant 0 : i32
      %dma_wait3A_580 = arith.constant 0 : i32
      %dma_wait3A_581 = arith.constant 0 : i32
      %dma_wait3A_582 = tpu.memref_slice %arg5[%dma_wait3A_578, %dma_wait3A_579, %dma_wait3A_580, %dma_wait3A_581] : memref<4096x6x4x128xf32, #tpu.memory_space<hbm>> -> memref<8x6x4x128xf32, #tpu.memory_space<hbm>>
      tpu.wait_dma2 semaphore(%arg18 : memref<!tpu.dma_semaphore, #tpu.memory_space<semaphore_mem>>) src(%arg10 : memref<8x6x4x128xf32, #tpu.memory_space<vmem>>) dst(%dma_wait3A_582 : memref<8x6x4x128xf32, #tpu.memory_space<hbm>>)
      %scan3A_583 = arith.constant 0 : i32
      %scan3A_584 = arith.constant 0 : i32
      %scan3A_585 = arith.constant 8 : i32
      %scan3A_586 = arith.addi %scan3A_584, %scan3A_585 : i32
      %scan3A_587 = arith.constant 1 : i32
      scf.for %scan3A_625 = %scan3A_584 to %scan3A_586 step %scan3A_587  : i32 {
        %parallel_loop3A = arith.constant 0 : i32
        %parallel_loop3A_626 = arith.constant 48 : i32
        %parallel_loop3A_627 = arith.constant 1 : i32
        scf.for %parallel_loop3A_628 = %parallel_loop3A to %parallel_loop3A_626 step %parallel_loop3A_627  : i32 {
          %parallel_loop3A_629 = arith.constant 16 : i32
          %parallel_loop3A_630 = arith.muli %parallel_loop3A_628, %parallel_loop3A_629 : i32
          %parallel_loop3A_631 = arith.constant 3 : i32
          %parallel_loop3A_632 = arith.shrsi %parallel_loop3A_628, %parallel_loop3A_631 : i32
          %parallel_loop3A_633 = arith.constant 7 : i32
          %parallel_loop3A_634 = arith.andi %parallel_loop3A_628, %parallel_loop3A_633 : i32
          %parallel_loop3A_635 = arith.constant 16 : i32
          %parallel_loop3A_636 = arith.muli %parallel_loop3A_634, %parallel_loop3A_635 : i32
          %parallel_loop3A_637 = arith.constant 768 : i32
          %parallel_loop3A_638 = arith.muli %scan3A_625, %parallel_loop3A_637 : i32
          %parallel_loop3A_639 = arith.addi %parallel_loop3A_638, %parallel_loop3A_630 : i32
          %parallel_loop3A_640 = arith.index_cast %parallel_loop3A_639 : i32 to index
          %parallel_loop3A_641 = tpu.vector_load %arg12[%parallel_loop3A_640] {strides = array<i32>} : memref<6144xf32, #tpu.memory_space<vmem>>, vector<16xf32>,
          %parallel_loop3A_642 = vector.shape_cast %parallel_loop3A_641 : vector<16xf32> to vector<16xf32>
          %parallel_loop3A_643 = arith.constant 0 : i32
          %parallel_loop3A_644 = arith.addi %parallel_loop3A_643, %scan3A_625 : i32
          %parallel_loop3A_645 = arith.index_cast %parallel_loop3A_644 : i32 to index
          %parallel_loop3A_646 = arith.index_cast %parallel_loop3A_630 : i32 to index
          %parallel_loop3A_647 = tpu.vector_load %arg8[%parallel_loop3A_645, %parallel_loop3A_646] {strides = array<i32>} : memref<32x768xf32, #tpu.memory_space<vmem>>, vector<1x16xf32>,
          %parallel_loop3A_648 = vector.shape_cast %parallel_loop3A_647 : vector<1x16xf32> to vector<16xf32>
          %parallel_loop3A_649 = arith.constant 27.7128124 : f32
          %parallel_loop3A_650 = vector.broadcast %parallel_loop3A_649 : f32 to vector<16xf32>
          %parallel_loop3A_651 = arith.mulf %parallel_loop3A_648, %parallel_loop3A_650 : vector<16xf32>
          %parallel_loop3A_652 = arith.addf %parallel_loop3A_651, %parallel_loop3A_642 : vector<16xf32>
          %parallel_loop3A_653 = arith.constant 0 : i32
          %parallel_loop3A_654 = arith.index_cast %scan3A_625 : i32 to index
          %parallel_loop3A_655 = arith.index_cast %parallel_loop3A_632 : i32 to index
          %parallel_loop3A_656 = arith.index_cast %parallel_loop3A_653 : i32 to index
          %parallel_loop3A_657 = arith.index_cast %parallel_loop3A_636 : i32 to index
          %parallel_loop3A_658 = tpu.vector_load %arg10[%parallel_loop3A_654, %parallel_loop3A_655, %parallel_loop3A_656, %parallel_loop3A_657] {strides = array<i32>} : memref<8x6x4x128xf32, #tpu.memory_space<vmem>>, vector<1x1x1x16xf32>,
          %parallel_loop3A_659 = vector.shape_cast %parallel_loop3A_658 : vector<1x1x1x16xf32> to vector<16xf32>
          %parallel_loop3A_660 = vector.shape_cast %parallel_loop3A_652 : vector<16xf32> to vector<1x1x1x16xf32>
          tpu.vector_store %arg10[%parallel_loop3A_654, %parallel_loop3A_655, %parallel_loop3A_656, %parallel_loop3A_657], %parallel_loop3A_660 {strides = array<i32>} : memref<8x6x4x128xf32, #tpu.memory_space<vmem>>, vector<1x1x1x16xf32>,
          %parallel_loop3A_661 = arith.constant 8 : i32
          %parallel_loop3A_662 = arith.addi %parallel_loop3A_661, %scan3A_625 : i32
          %parallel_loop3A_663 = arith.index_cast %parallel_loop3A_662 : i32 to index
          %parallel_loop3A_664 = arith.index_cast %parallel_loop3A_630 : i32 to index
          %parallel_loop3A_665 = tpu.vector_load %arg8[%parallel_loop3A_663, %parallel_loop3A_664] {strides = array<i32>} : memref<32x768xf32, #tpu.memory_space<vmem>>, vector<1x16xf32>,
          %parallel_loop3A_666 = vector.shape_cast %parallel_loop3A_665 : vector<1x16xf32> to vector<16xf32>
          %parallel_loop3A_667 = arith.constant 27.7128124 : f32
          %parallel_loop3A_668 = vector.broadcast %parallel_loop3A_667 : f32 to vector<16xf32>
          %parallel_loop3A_669 = arith.mulf %parallel_loop3A_666, %parallel_loop3A_668 : vector<16xf32>
          %parallel_loop3A_670 = arith.addf %parallel_loop3A_669, %parallel_loop3A_642 : vector<16xf32>
          %parallel_loop3A_671 = arith.constant 1 : i32
          %parallel_loop3A_672 = arith.index_cast %scan3A_625 : i32 to index
          %parallel_loop3A_673 = arith.index_cast %parallel_loop3A_632 : i32 to index
          %parallel_loop3A_674 = arith.index_cast %parallel_loop3A_671 : i32 to index
          %parallel_loop3A_675 = arith.index_cast %parallel_loop3A_636 : i32 to index
          %parallel_loop3A_676 = tpu.vector_load %arg10[%parallel_loop3A_672, %parallel_loop3A_673, %parallel_loop3A_674, %parallel_loop3A_675] {strides = array<i32>} : memref<8x6x4x128xf32, #tpu.memory_space<vmem>>, vector<1x1x1x16xf32>,
          %parallel_loop3A_677 = vector.shape_cast %parallel_loop3A_676 : vector<1x1x1x16xf32> to vector<16xf32>
          %parallel_loop3A_678 = vector.shape_cast %parallel_loop3A_670 : vector<16xf32> to vector<1x1x1x16xf32>
          tpu.vector_store %arg10[%parallel_loop3A_672, %parallel_loop3A_673, %parallel_loop3A_674, %parallel_loop3A_675], %parallel_loop3A_678 {strides = array<i32>} : memref<8x6x4x128xf32, #tpu.memory_space<vmem>>, vector<1x1x1x16xf32>,
          %parallel_loop3A_679 = arith.constant 16 : i32
          %parallel_loop3A_680 = arith.addi %parallel_loop3A_679, %scan3A_625 : i32
          %parallel_loop3A_681 = arith.index_cast %parallel_loop3A_680 : i32 to index
          %parallel_loop3A_682 = arith.index_cast %parallel_loop3A_630 : i32 to index
          %parallel_loop3A_683 = tpu.vector_load %arg8[%parallel_loop3A_681, %parallel_loop3A_682] {strides = array<i32>} : memref<32x768xf32, #tpu.memory_space<vmem>>, vector<1x16xf32>,
          %parallel_loop3A_684 = vector.shape_cast %parallel_loop3A_683 : vector<1x16xf32> to vector<16xf32>
          %parallel_loop3A_685 = arith.constant 27.7128124 : f32
          %parallel_loop3A_686 = vector.broadcast %parallel_loop3A_685 : f32 to vector<16xf32>
          %parallel_loop3A_687 = arith.mulf %parallel_loop3A_684, %parallel_loop3A_686 : vector<16xf32>
          %parallel_loop3A_688 = arith.addf %parallel_loop3A_687, %parallel_loop3A_642 : vector<16xf32>
          %parallel_loop3A_689 = arith.constant 2 : i32
          %parallel_loop3A_690 = arith.index_cast %scan3A_625 : i32 to index
          %parallel_loop3A_691 = arith.index_cast %parallel_loop3A_632 : i32 to index
          %parallel_loop3A_692 = arith.index_cast %parallel_loop3A_689 : i32 to index
          %parallel_loop3A_693 = arith.index_cast %parallel_loop3A_636 : i32 to index
          %parallel_loop3A_694 = tpu.vector_load %arg10[%parallel_loop3A_690, %parallel_loop3A_691, %parallel_loop3A_692, %parallel_loop3A_693] {strides = array<i32>} : memref<8x6x4x128xf32, #tpu.memory_space<vmem>>, vector<1x1x1x16xf32>,
          %parallel_loop3A_695 = vector.shape_cast %parallel_loop3A_694 : vector<1x1x1x16xf32> to vector<16xf32>
          %parallel_loop3A_696 = vector.shape_cast %parallel_loop3A_688 : vector<16xf32> to vector<1x1x1x16xf32>
          tpu.vector_store %arg10[%parallel_loop3A_690, %parallel_loop3A_691, %parallel_loop3A_692, %parallel_loop3A_693], %parallel_loop3A_696 {strides = array<i32>} : memref<8x6x4x128xf32, #tpu.memory_space<vmem>>, vector<1x1x1x16xf32>,
          %parallel_loop3A_697 = arith.constant 24 : i32
          %parallel_loop3A_698 = arith.addi %parallel_loop3A_697, %scan3A_625 : i32
          %parallel_loop3A_699 = arith.index_cast %parallel_loop3A_698 : i32 to index
          %parallel_loop3A_700 = arith.index_cast %parallel_loop3A_630 : i32 to index
          %parallel_loop3A_701 = tpu.vector_load %arg8[%parallel_loop3A_699, %parallel_loop3A_700] {strides = array<i32>} : memref<32x768xf32, #tpu.memory_space<vmem>>, vector<1x16xf32>,
          %parallel_loop3A_702 = vector.shape_cast %parallel_loop3A_701 : vector<1x16xf32> to vector<16xf32>
          %parallel_loop3A_703 = arith.constant 27.7128124 : f32
          %parallel_loop3A_704 = vector.broadcast %parallel_loop3A_703 : f32 to vector<16xf32>
          %parallel_loop3A_705 = arith.mulf %parallel_loop3A_702, %parallel_loop3A_704 : vector<16xf32>
          %parallel_loop3A_706 = arith.addf %parallel_loop3A_705, %parallel_loop3A_642 : vector<16xf32>
          %parallel_loop3A_707 = arith.constant 3 : i32
          %parallel_loop3A_708 = arith.index_cast %scan3A_625 : i32 to index
          %parallel_loop3A_709 = arith.index_cast %parallel_loop3A_632 : i32 to index
          %parallel_loop3A_710 = arith.index_cast %parallel_loop3A_707 : i32 to index
          %parallel_loop3A_711 = arith.index_cast %parallel_loop3A_636 : i32 to index
          %parallel_loop3A_712 = tpu.vector_load %arg10[%parallel_loop3A_708, %parallel_loop3A_709, %parallel_loop3A_710, %parallel_loop3A_711] {strides = array<i32>} : memref<8x6x4x128xf32, #tpu.memory_space<vmem>>, vector<1x1x1x16xf32>,
          %parallel_loop3A_713 = vector.shape_cast %parallel_loop3A_712 : vector<1x1x1x16xf32> to vector<16xf32>
          %parallel_loop3A_714 = vector.shape_cast %parallel_loop3A_706 : vector<16xf32> to vector<1x1x1x16xf32>
          tpu.vector_store %arg10[%parallel_loop3A_708, %parallel_loop3A_709, %parallel_loop3A_710, %parallel_loop3A_711], %parallel_loop3A_714 {strides = array<i32>} : memref<8x6x4x128xf32, #tpu.memory_space<vmem>>, vector<1x1x1x16xf32>,
        } {sc.loop_unroll_factor = 8 : i64, sc.parallel_access}
      }
      %scan3A_588 = arith.constant 8 : i32
      %mul3A_589 = arith.constant 32 : i32
      %mul3A_590 = arith.muli %add3A_521, %mul3A_589 : i32
      %add3A_591 = arith.addi %mul3A_2, %mul3A_590 : i32
      %jit3A_592 = arith.constant 4 : i32
      %div3A_593 = arith.divsi %add3A_591, %jit3A_592 : i32
      %sign3A_594 = arith.constant 0 : i32
      %sign3A_595 = arith.cmpi sgt, %add3A_591, %sign3A_594 : i32
      %sign3A_596 = arith.extui %sign3A_595 : i1 to i32
      %sign3A_597 = arith.constant 0 : i32
      %sign3A_598 = arith.cmpi slt, %add3A_591, %sign3A_597 : i32
      %sign3A_599 = arith.extui %sign3A_598 : i1 to i32
      %sign3A_600 = arith.subi %sign3A_596, %sign3A_599 : i32
      %sign3A_601 = arith.constant 0 : i32
      %sign3A_602 = arith.cmpi sgt, %jit3A_592, %sign3A_601 : i32
      %sign3A_603 = arith.extui %sign3A_602 : i1 to i32
      %sign3A_604 = arith.constant 0 : i32
      %sign3A_605 = arith.cmpi slt, %jit3A_592, %sign3A_604 : i32
      %sign3A_606 = arith.extui %sign3A_605 : i1 to i32
      %sign3A_607 = arith.subi %sign3A_603, %sign3A_606 : i32
      %ne3A_608 = arith.cmpi ne, %sign3A_600, %sign3A_607 : i32
      %rem3A_609 = arith.remsi %add3A_591, %jit3A_592 : i32
      %ne3A_610 = arith.constant 0 : i32
      %ne3A_611 = arith.cmpi ne, %rem3A_609, %ne3A_610 : i32
      %and3A_612 = arith.andi %ne3A_608, %ne3A_611 : i1
      %sub3A_613 = arith.constant 1 : i32
      %sub3A_614 = arith.subi %div3A_593, %sub3A_613 : i32
      %select_n3A_615 = arith.select %and3A_612, %sub3A_614, %div3A_593 : i32
      %multiple_of3A_616 = tpu.assume_multiple %select_n3A_615, 8 : i32
      %dma_start3A_617 = arith.constant 0 : i32
      %dma_start3A_618 = arith.constant 0 : i32
      %dma_start3A_619 = arith.constant 0 : i32
      %dma_start3A_620 = tpu.memref_slice %arg5[%multiple_of3A_616, %dma_start3A_617, %dma_start3A_618, %dma_start3A_619] : memref<4096x6x4x128xf32, #tpu.memory_space<hbm>> -> memref<8x6x4x128xf32, #tpu.memory_space<hbm>>
      %dma_start3A_621 = arith.constant 0 : i32
      %dma_start3A_622 = arith.constant 0 : i32
      %dma_start3A_623 = arith.constant 0 : i32
      %dma_start3A_624 = tpu.memref_slice %arg5[%multiple_of3A_616, %dma_start3A_621, %dma_start3A_622, %dma_start3A_623] : memref<4096x6x4x128xf32, #tpu.memory_space<hbm>> -> memref<8x6x4x128xf32, #tpu.memory_space<hbm>>
      tpu.enqueue_dma source(%arg10 : memref<8x6x4x128xf32, #tpu.memory_space<vmem>>) target(%dma_start3A_624 : memref<8x6x4x128xf32, #tpu.memory_space<hbm>>) target_semaphore(%arg18 : memref<!tpu.dma_semaphore, #tpu.memory_space<semaphore_mem>>)
    }
    %scan3A_394 = arith.constant 7 : i32
    %dma_wait3A_395 = arith.constant 0 : i32
    %dma_wait3A_396 = arith.constant 0 : i32
    %dma_wait3A_397 = arith.constant 0 : i32
    %dma_wait3A_398 = arith.constant 0 : i32
    %dma_wait3A_399 = tpu.memref_slice %arg5[%dma_wait3A_395, %dma_wait3A_396, %dma_wait3A_397, %dma_wait3A_398] : memref<4096x6x4x128xf32, #tpu.memory_space<hbm>> -> memref<8x6x4x128xf32, #tpu.memory_space<hbm>>
    %dma_wait3A_400 = arith.constant 0 : i32
    %dma_wait3A_401 = arith.constant 0 : i32
    %dma_wait3A_402 = arith.constant 0 : i32
    %dma_wait3A_403 = arith.constant 0 : i32
    %dma_wait3A_404 = tpu.memref_slice %arg5[%dma_wait3A_400, %dma_wait3A_401, %dma_wait3A_402, %dma_wait3A_403] : memref<4096x6x4x128xf32, #tpu.memory_space<hbm>> -> memref<8x6x4x128xf32, #tpu.memory_space<hbm>>
    tpu.wait_dma2 semaphore(%arg17 : memref<!tpu.dma_semaphore, #tpu.memory_space<semaphore_mem>>) src(%arg9 : memref<8x6x4x128xf32, #tpu.memory_space<vmem>>) dst(%dma_wait3A_404 : memref<8x6x4x128xf32, #tpu.memory_space<hbm>>)
    %dma_wait3A_405 = arith.constant 0 : i32
    %dma_wait3A_406 = arith.constant 0 : i32
    %dma_wait3A_407 = arith.constant 0 : i32
    %dma_wait3A_408 = arith.constant 0 : i32
    %dma_wait3A_409 = tpu.memref_slice %arg5[%dma_wait3A_405, %dma_wait3A_406, %dma_wait3A_407, %dma_wait3A_408] : memref<4096x6x4x128xf32, #tpu.memory_space<hbm>> -> memref<8x6x4x128xf32, #tpu.memory_space<hbm>>
    %dma_wait3A_410 = arith.constant 0 : i32
    %dma_wait3A_411 = arith.constant 0 : i32
    %dma_wait3A_412 = arith.constant 0 : i32
    %dma_wait3A_413 = arith.constant 0 : i32
    %dma_wait3A_414 = tpu.memref_slice %arg5[%dma_wait3A_410, %dma_wait3A_411, %dma_wait3A_412, %dma_wait3A_413] : memref<4096x6x4x128xf32, #tpu.memory_space<hbm>> -> memref<8x6x4x128xf32, #tpu.memory_space<hbm>>
    tpu.wait_dma2 semaphore(%arg18 : memref<!tpu.dma_semaphore, #tpu.memory_space<semaphore_mem>>) src(%arg10 : memref<8x6x4x128xf32, #tpu.memory_space<vmem>>) dst(%dma_wait3A_414 : memref<8x6x4x128xf32, #tpu.memory_space<hbm>>)
    return
  }
}

</mosaic_0001>

<sc_bundles>
// kernel: kernel.3.cloned.1.call-start
scs
__scs_entry_jumppad:
0x0: {  	(pc) =	sbr.rel $0x88, $3  }
0x1: {  	(tag) =	ssettag $0x0;
	lr =	simm.s32 $0x1  }
0x2: {  	[smem:$0x3F9E] =	sst lr;
	_ =	strace $0xD0000000  }
0x3: {  	_ = 	snop  }
0x4: {  	_ = 	snop  }
0x5: {  	_ = 	snop  }
0x6: {  	_ = 	snop  }
0x7: {  	_ = 	snop  }
__scs_overlays_trampoline_lowered:
0x8: {  	[smem:$0x3FAD] =	sst s0  }
0x9: {  	[smem:$0x3FAE] =	sst s1  }
0xa: {  	[smem:$0x3FAF] =	sst s2  }
0xb: {  	[smem:$0x3FB0] =	sst s3  }
0xc: {  	[smem:$0x3FB1] =	sst s4  }
0xd: {  	[smem:$0x3FB2] =	sst s5  }
0xe: {  	[smem:$0x3FB3] =	sst s6  }
0xf: {  	[smem:$0x3FB4] =	sst s7  }
0x10: {  	[smem:$0x3FB5] =	sst s8  }
0x11: {  	[smem:$0x3FB6] =	sst s9;
	s0 =	simm.s32 @!p0 $0x0  }
0x12: {  	s1 =	sld [smem:$0x3F9C];
	s0 =	simm.s32 @p0 $0x1  }
0x13: {  	[smem:$0x3FB7] =	sst s0;
	s0 =	simm.s32 @!p1 $0x0  }
0x14: {  	s2 =	sld [smem:$0x3F9B];
	s0 =	simm.s32 @p1 $0x1  }
0x15: {  	[smem:$0x3FB8] =	sst s0;
	s0 =	simm.s32 @!p2 $0x0  }
0x16: {  	s3 =	sld [smem:$0x3FDB];
	s0 =	simm.s32 @p2 $0x1  }
0x17: {  	s4 =	simm.s32 $0x1BF5;
	[smem:$0x3FBA] =	sst s0  }
0x18: {  	s0 =	sld [smem:$0x3F9D];
	_ =	swait.ge [sflag:s4], $0x0  }
0x19: {  	s7 =	sld [smem:$0x3F9E]  }
0x1a: {  	s8 =	sadd.s32 $0xFFFFE003, lr  }
0x1b: {  	s9 =	sadd.s32 $0xFFFFFEF7, lr;
	s5 =	simm.s32 $0xFFFFFFFF;
	p2 =	slt.u32 s8, $0xFFFFF086  }
0x1c: {  	p1 =	slt.u32 s9, $0xF7A;
	s5 =	simm.s32 @!p2 $0x0  }
0x1d: {  	s5 =	simm.s32 @p1 $0x1;
	p0 =	seq.s32 s7, s2  }
0x1e: {  	s7 =	smul.u32 @!p0 $0xF7A, s2;
	p2 =	seq.s32 @!p0 s5, $0x0  }
0x1f: {  	s9 =	smul.u32 $0xF7A, s1;
	s8 =	simm.s32 @!p0 $0x1BF5;
	p2 =	por !p2, p0  }
0x20: {  	[sflag:s8] =	ssyncset.s32 @!p0 $0xFFFFF086;
	s6 =	sadd.s32 @!p0 s3, s7;
	s7 =	simm.s32 @!p0 $0x108  }
0x21: {  	s3 =	sadd.s32 s3, s9;
	s6 =	sadd.s32 @!p0 $0x88, s6;
	s7 =	simm.s32 @p2 $0x1082  }
0x22: {  	[simem:s7], [sflag:s8] =	dma.local @!p0 [hbm:s6], $0xF7A  }
0x23: {  	s9 =	sor.u32 $0xD0000000, s2;
	s6 =	simm.s32 $0x108;
	_ =	swait.ge @!p0 [sflag:s8], $0x0  }
0x24: {  	s3 =	sadd.s32 $0x88, s3;
	s6 =	simm.s32 @!p1 $0x1082;
	[sflag:s4] =	ssyncset.s32 $0xFFFFF086  }
0x25: {  	[simem:s6], [sflag:s4] =	dma.local [hbm:s3], $0xF7A  }
0x26: {  	[smem:$0x3F9E] =	sst s1;
	(tag) =	ssettag s2;
	_ =	strace s9  }
0x27: {  	s1 =	sld [smem:$0x3FAE]  }
0x28: {  	s2 =	sld [smem:$0x3FAF]  }
0x29: {  	s4 =	sld [smem:$0x3FB1]  }
0x2a: {  	p0 =	seq.s32 s5, $0x0;
	s5 =	sld [smem:$0x3FB2]  }
0x2b: {  	s6 =	sld [smem:$0x3FB3]  }
0x2c: {  	s7 =	sld [smem:$0x3FB4]  }
0x2d: {  	s3 =	simm.s32 $0x108;
	s8 =	sld [smem:$0x3FB5]  }
0x2e: {  	s3 =	simm.s32 @!p0 $0x1082;
	s9 =	sld [smem:$0x3FB6]  }
0x2f: {  	lr =	sadd.s32 s0, s3;
	s0 =	sld [smem:$0x3FAD]  }
0x30: {  	s3 =	sld [smem:$0x3FB0]  }
0x31: {  	[smem:$0x3FB9] =	sst s10  }
0x32: {  	s10 =	sld [smem:$0x3FB7];
	_ =	sdelay $0x3  }
0x33: {  	p0 =	seq.s32 s10, $0x1;
	s10 =	sld [smem:$0x3FB9];
	_ =	sdelay $0x3  }
0x34: {  	[smem:$0x3FB9] =	sst s10  }
0x35: {  	s10 =	sld [smem:$0x3FB8];
	_ =	sdelay $0x3  }
0x36: {  	p1 =	seq.s32 s10, $0x1;
	s10 =	sld [smem:$0x3FB9];
	_ =	sdelay $0x3  }
0x37: {  	[smem:$0x3FB9] =	sst s10  }
0x38: {  	s10 =	sld [smem:$0x3FBA]  }
0x39: {  	_ = 	snop;
	(pc) =	sbr.ind lr, $3  }
0x3a: {  	_ = 	snop  }
0x3b: {  	_ = 	snop  }
0x3c: {  	p2 =	seq.s32 s10, $0x1;
	s10 =	sld [smem:$0x3FB9]  }
0x3d: {  	_ =	shalt  }
0x3e: {  	_ =	shalt  }
0x3f: {  	_ =	shalt  }
0x40: {  	_ =	shalt  }
0x41: {  	_ =	shalt  }
0x42: {  	_ =	shalt  }
0x43: {  	_ =	shalt  }
0x44: {  	_ =	shalt  }
0x45: {  	_ =	shalt  }
0x46: {  	_ =	shalt  }
0x47: {  	_ =	shalt  }
0x48: {  	_ =	shalt  }
0x49: {  	_ =	shalt  }
0x4a: {  	_ =	shalt  }
0x4b: {  	_ =	shalt  }
0x4c: {  	_ =	shalt  }
0x4d: {  	_ =	shalt  }
0x4e: {  	_ =	shalt  }
0x4f: {  	_ =	shalt  }
0x50: {  	_ =	shalt  }
0x51: {  	_ =	shalt  }
0x52: {  	_ =	shalt  }
0x53: {  	_ =	shalt  }
0x54: {  	_ =	shalt  }
0x55: {  	_ =	shalt  }
0x56: {  	_ =	shalt  }
0x57: {  	_ =	shalt  }
0x58: {  	_ =	shalt  }
0x59: {  	_ =	shalt  }
0x5a: {  	_ =	shalt  }
0x5b: {  	_ =	shalt  }
0x5c: {  	_ =	shalt  }
0x5d: {  	_ =	shalt  }
0x5e: {  	_ =	shalt  }
0x5f: {  	_ =	shalt  }
0x60: {  	_ =	shalt  }
0x61: {  	_ =	shalt  }
0x62: {  	_ =	shalt  }
0x63: {  	_ =	shalt  }
0x64: {  	_ =	shalt  }
0x65: {  	_ =	shalt  }
0x66: {  	_ =	shalt  }
0x67: {  	_ =	shalt  }
0x68: {  	_ =	shalt  }
0x69: {  	_ =	shalt  }
0x6a: {  	_ =	shalt  }
0x6b: {  	_ =	shalt  }
0x6c: {  	_ =	shalt  }
0x6d: {  	_ =	shalt  }
0x6e: {  	_ =	shalt  }
0x6f: {  	_ =	shalt  }
0x70: {  	_ =	shalt  }
0x71: {  	_ =	shalt  }
0x72: {  	_ =	shalt  }
0x73: {  	_ =	shalt  }
0x74: {  	_ =	shalt  }
0x75: {  	_ =	shalt  }
0x76: {  	_ =	shalt  }
0x77: {  	_ =	shalt  }
0x78: {  	_ =	shalt  }
0x79: {  	_ =	shalt  }
0x7a: {  	_ =	shalt  }
0x7b: {  	_ =	shalt  }
0x7c: {  	_ =	shalt  }
0x7d: {  	_ =	shalt  }
0x7e: {  	_ =	shalt  }
0x7f: {  	_ =	shalt  }
0x80: {  	_ =	shalt  }
0x81: {  	_ =	shalt  }
0x82: {  	_ =	shalt  }
0x83: {  	_ =	shalt  }
0x84: {  	_ =	shalt  }
0x85: {  	_ =	shalt  }
0x86: {  	_ =	shalt  }
0x87: {  	_ =	shalt  }
.Lfunc_end0:
.L_simem_size_0:
called_computation_lowered:
.L_overlay_start_0:
0x88: {  	s2 =	sld [smem:$0x3FD9]  }
0x89: {  	s3 =	sld [smem:$0x3FFE];
	_ =	sdelay $0x1  }
0x8a: {  	s1 =	srdreg.scid  }
0x8b: {  	s0 =	sand.u32 $0x1, s1  }
0x8c: {  	s18 =	sshll.u32 s0, $0xA;
	s2 =	sadd.s32 s3, s2  }
0x8d: {  	s2 =	sadd.s32 s2, s18  }
0x8e: {  	[smem:$0x3FC5] =	sst s2  }
0x8f: {  	_ = 	snop  }
0x90: {  	s2 =	sld [smem:$0x3FC9]  }
0x91: {  	s19 =	sld [smem:$0x3FC8]  }
0x92: {  	s4 =	sld [smem:$0x3FC7]  }
0x93: {  	s5 =	sld [smem:$0x3FD0];
	(tm) =	ssettm $0x1  }
0x94: {  	s6 =	sld [smem:$0x3FFB];
	_ =	sdelay $0x3  }
0x95: {  	_ =	strace s6  }
0x96: {  	s6 =	sld [smem:$0x3FFC];
	_ =	sdelay $0x3  }
0x97: {  	_ =	strace s6  }
0x98: {  	s6 =	sld [smem:$0x3FFD];
	_ =	sdelay $0x3  }
0x99: {  	_ =	strace s6  }
0x9a: {  	_ =	strace $0x8FFFFFFF  }
0x9b: {  	s20 =	sld [smem:$0x3FDB];
	_ =	sdelay $0x1  }
0x9c: {  	s7 =	simm.s32 $_scs_section_size  }
0x9d: {  	s8 =	simm.s32 $_size__tile_overlayer_lowered;
	s9 =	simm.s32 $_tile_overlayer_lowered  }
0x9e: {  	s23 =	simm.s32 $0x1BFF;
	s22 =	sshll.u32 s9, $0x1;
	s6 =	sadd.s32 s7, s20  }
0x9f: {  	s10 =	simm.s32 $0x0;
	s21 =	sshll.u32 s8, $0x1;
	s8 =	sadd.s32 s22, s6  }
0xa0: {  	[timem:s10], [sflag:s23] =	dma.local [hbm:s8], s21  }
0xa1: {  	_ =	swait.ge [sflag:s23], s21  }
0xa2: {  	s7 =	ssub.s32 $0x0, s21;
	[sflag:s23] =	ssyncset.done $0x0  }
0xa3: {  	[sflag:s23] =	ssyncadd.s32 s7;
	_ =	sdelay $0x1  }
0xa4: {  	s24 =	simm.s32 $0x1B8B  }
0xa5: {  	_ =	swait.ge [sflag:s24], $0x1  }
0xa6: {  	[sflag:s24] =	ssyncset.done $0x0  }
0xa7: {  	s25 =	simm.s32 $0x1B8E;
	[sflag:s24] =	ssyncadd.s32 $0xFFFFFFFF  }
0xa8: {  	s26 =	simm.s32 $execute0_lowered;
	[smem:$0x3FD2] =	sst s25  }
0xa9: {  	s7 =	sshll.u32 s26, $0x1;
	_ =	strace $0x80000046;
	[dreg:$0x1] =	wrdreg $0xFFFFFFFF  }
0xaa: {  	s28 =	simm.s32 $_size_execute0_lowered;
	s6 =	sadd.s32 s6, s7;
	[dreg:$0x0] =	wrdreg $0x0  }
0xab: {  	s7 =	sshll.u32 s28, $0x1;
	[dreg:$0x2] =	wrdreg s6  }
0xac: {  	[dreg:$0x3] =	wrdreg s7  }
0xad: {  	[dreg:$0x4] =	wrdreg $0xC0  }
0xae: {  	_ =	task [dreg:s10], $0x5FFFF  }
0xaf: {  	[dreg:$0x1] =	wrdreg $0xFFFFFFFF  }
0xb0: {  	[dreg:$0x0] =	wrdreg $0x60  }
0xb1: {  	[dreg:$0x2] =	wrdreg s2  }
0xb2: {  	[dreg:$0x3] =	wrdreg s19  }
0xb3: {  	[dreg:$0x4] =	wrdreg s4  }
0xb4: {  	[dreg:$0x5] =	wrdreg s5  }
0xb5: {  	[dreg:$0x6] =	wrdreg $0x9  }
0xb6: {  	_ =	task.clear_ibuf [dreg:s10], $0x7FFFF;
	_ =	strace $0x90000046  }
0xb7: {  	s29 =	simm.s32 $0x9;
	_ =	strace $0x80000048  }
0xb8: {  	_ =	swait.ge [sflag:s29], $0x1  }
0xb9: {  	[sflag:s29] =	ssyncadd.s32 $0xFFFFFFFF  }
0xba: {  	_ =	strace $0x90000048  }
0xbb: {  	_ =	sfence  }
0xbc: {  	s30 =	sld [smem:$0x0];
	_ =	sdelay $0x2  }
0xbd: {  	s31 =	sshll.u32 s1, $0xD;
	s1 =	sshrl.u32 s1, $0x2  }
0xbe: {  	s3 =	sand.u32 $0x4000, s31;
	s1 =	sadd.s32 s1, s30  }
0xbf: {  	s0 =	sor.u32 s3, s0;
	s1 =	sshll.u32 s1, $0x11  }
0xc0: {  	s0 =	sor.u32 s1, s0  }
0xc1: {  	s0 =	sadd.s32 $0x8F2B, s0  }
0xc2: {  	[sflag:s0] =	ssyncadd.remote.s32 $0x1  }
0xc3: {  	_ =	sfence.sel $0xFFFF  }
0xc4: {  	[dreg:$0x0] =	wrdreg $0xFFFFFFFF;
	(pc) =	sbr.abs _section_cstart, $3  }
0xc5: {  	[dreg:$0x1] =	wrdreg $0xFFFFFFFF  }
0xc6: {  	_ =	task.clear_ibuf [dreg:s10], $0x2FFFF;
	_ =	strace $0x9FFFFFFF  }
0xc7: {  	(tm) =	ssettm $0x7FFFFFFF  }
tec
execute0_lowered:
.L_overlay_start_1:
0x0: {  	(tag) =	ssettag $0x1  }
0x1: {  	s0 =	rddreg [dreg:$0x0]  }
0x2: {  	s1 =	rddreg [dreg:$0x1]  }
0x3: {  	s3 =	rddreg [dreg:$0x2]  }
0x4: {  	s4 =	rddreg [dreg:$0x3]  }
0x5: {  	s2 =	srdreg.scid;
	s6 =	stileid.u32  }
0x6: {  	s5 =	simm.s32 $0x0;
	s16 =	simm.s32 $0xB200;
	s17 =	simm.s32 $0xBA00  }
0x7: {  	s18 =	simm.s32 $0x1;
	s19 =	simm.s32 $0x3;
	s20 =	simm.s32 $0xC200  }
0x8: {  	s22 =	simm.s32 $0x2;
	s23 =	simm.s32 $0x4;
	s2 =	sand.u32 $0x1, s2  }
0x9: {  	s24 =	simm.s32 $0x12200;
	s6 =	sshll.u32 s6, $0xA;
	s7 =	sshll.u32 s2, $0x9  }
0xa: {  	[smem:$0x7FF] =	sst s5;
	s2 =	ssub.s32 $0x2, s2;
	s6 =	sor.u32 s7, s6  }
0xb: {  	_ =	strace $0x80000047;
	s9 =	sshrl.u32 s2, $0x1;
	s7 =	sshrl.u32 s6, $0x2  }
0xc: {  	s11 =	sshrl.u32 s6, $0x3;
	s2 =	ssub.s32 s2, s9;
	s8 =	smul.u32 $0x60, s7  }
0xd: {  	s9 =	sadd.s32 $0x100, s1;
	s0 =	sadd.s32 s0, s11;
	s25 =	smul.u32 $0x180, s7  }
0xe: {  	s10 =	sor.u32 $0x8, s7;
	s31 =	smax.u32 s2, $0x1;
	[dreg:$0x5] =	wrdreg s0  }
0xf: {  	s12 =	smul.u32 $0x60, s10;
	[dreg:$0xb] =	wrdreg s31;
	s0 =	sadd.s32 s4, s25  }
0x10: {  	s2 =	simm.s32 $0x0;
	s8 =	sadd.s32 s3, s8;
	[dreg:$0x8] =	wrdreg s0  }
0x11: {  	s26 =	smul.u32 $0x180, s10;
	s28 =	sadd.s32 s3, s12;
	[dreg:$0x6] =	wrdreg s8  }
0x12: {  	v0 =	vlaneseq.u32;
	s10 =	sadd.s32 $0x200, s1;
	s29 =	sadd.s32 $0x600, s8;
	[dreg:$0x7] =	wrdreg s28  }
0x13: {  	v1 =	vshrl.u32 v0, $0x3;
	s25 =	simm.s32 $0x5;
	s30 =	sadd.s32 s4, s26;
	[dreg:$0x9] =	wrdreg s29  }
0x14: {  	vm0 =	vmmov $0xffff;
	v0 =	vand.u32 $0x7, v0;
	v1 =	vmul.u32 $0x8, v1;
	s8 =	simm.s32 $0xAA00;
	s26 =	simm.s32 $0x6;
	[dreg:$0xa] =	wrdreg s30  }
.LBB2_1:
0x15: {  	[dreg:$0xc] =	wrdreg s2  }
0x16: {  	s0 =	rddreg [dreg:$0x5];
	s12 =	simm.s32 $0x7  }
0x17: {  	[tilespmem:s5], [sflag:$0x7] =	stream.linear.gather [hbm4b:s0+s5], $0x200, $0x38;
	[tilespmem:$0x1B200] =	vst v63  }
0x18: {  	_ =	swait.ge [sflag:s12], $0x200  }
0x19: {  	[sflag:s12] =	ssyncset.done $0x0  }
0x1a: {  	s14 =	simm.s32 $0x18200;
	s13 =	rddreg [dreg:$0x6];
	[sflag:s12] =	ssyncadd.s32 $0xFFFFFE00  }
0x1b: {  	[tilespmem:s14], [sflag:$0x3] =	stream.linear.gather [hbm4b:s13+s5], $0x1800, $0x38;
	[tilespmem:$0x1B200] =	vst v63  }
0x1c: {  	v2 =	vld.msk [tilespmem:$0x0], $0xff;
	_ =	sdelay $0x4  }
0x1d: {  	v3 =	vshrl.u32 v2, $0x3  }
0x1e: {  	v3 =	vmul.u32 $0x30, v3  }
0x1f: {  	v2 =	vand.u32 $0x7, v2  }
0x20: {  	v2 =	vor.u32 v2, v3  }
0x21: {  	v2 =	vperm.xlane v2, v0;
	_ =	sdelay $0x1  }
0x22: {  	v2 =	vadd.s32 v1, v2;
	_ =	sdelay $0x3  }
0x23: {  	s15 =	simm.s32 $0x200  }
0x24: {  	[tilespmem:s15], [sflag:$0x1] =	stream.indirect_vreg.gather [hbm4b:s1+s5], $0x80, v2, vm0, $0xb8;
	[tilespmem:$0x1B200] =	vst v63  }
0x25: {  	s21 =	simm.s32 $0xA00  }
0x26: {  	[tilespmem:s21], [sflag:$0x1] =	stream.indirect_vreg.gather [hbm4b:s9+s5], $0x80, v2, vm0, $0xb8;
	[tilespmem:$0x1B200] =	vst v63  }
0x27: {  	s30 =	simm.s32 $0x1200  }
0x28: {  	[tilespmem:s30], [sflag:$0x1] =	stream.indirect_vreg.gather [hbm4b:s10+s5], $0x80, v2, vm0, $0xb8;
	[tilespmem:$0x1B200] =	vst v63  }
0x29: {  	v2 =	vld.msk [tilespmem:$0x80], $0xff;
	_ =	sdelay $0x4  }
0x2a: {  	v3 =	vshrl.u32 v2, $0x3  }
0x2b: {  	v3 =	vmul.u32 $0x30, v3  }
0x2c: {  	v2 =	vand.u32 $0x7, v2  }
0x2d: {  	v2 =	vor.u32 v2, v3  }
0x2e: {  	v2 =	vperm.xlane v2, v0;
	_ =	sdelay $0x1  }
0x2f: {  	v2 =	vadd.s32 v1, v2;
	_ =	sdelay $0x3  }
0x30: {  	s31 =	simm.s32 $0x1A00  }
0x31: {  	[tilespmem:s31], [sflag:$0x1] =	stream.indirect_vreg.gather [hbm4b:s1+s5], $0x80, v2, vm0, $0xb8;
	[tilespmem:$0x1B200] =	vst v63  }
0x32: {  	s2 =	simm.s32 $0x2200  }
0x33: {  	[tilespmem:s2], [sflag:$0x1] =	stream.indirect_vreg.gather [hbm4b:s9+s5], $0x80, v2, vm0, $0xb8;
	[tilespmem:$0x1B200] =	vst v63  }
0x34: {  	s7 =	simm.s32 $0x2A00  }
0x35: {  	[tilespmem:s7], [sflag:$0x1] =	stream.indirect_vreg.gather [hbm4b:s10+s5], $0x80, v2, vm0, $0xb8;
	[tilespmem:$0x1B200] =	vst v63  }
0x36: {  	v2 =	vld.msk [tilespmem:$0x100], $0xff;
	_ =	sdelay $0x4  }
0x37: {  	v3 =	vshrl.u32 v2, $0x3  }
0x38: {  	v3 =	vmul.u32 $0x30, v3  }
0x39: {  	v2 =	vand.u32 $0x7, v2  }
0x3a: {  	v2 =	vor.u32 v2, v3  }
0x3b: {  	v2 =	vperm.xlane v2, v0;
	_ =	sdelay $0x1  }
0x3c: {  	v2 =	vadd.s32 v1, v2;
	_ =	sdelay $0x3  }
0x3d: {  	s11 =	simm.s32 $0x3200  }
0x3e: {  	[tilespmem:s11], [sflag:$0x1] =	stream.indirect_vreg.gather [hbm4b:s1+s5], $0x80, v2, vm0, $0xb8;
	[tilespmem:$0x1B200] =	vst v63  }
0x3f: {  	s12 =	simm.s32 $0x3A00  }
0x40: {  	[tilespmem:s12], [sflag:$0x1] =	stream.indirect_vreg.gather [hbm4b:s9+s5], $0x80, v2, vm0, $0xb8;
	[tilespmem:$0x1B200] =	vst v63  }
0x41: {  	s13 =	simm.s32 $0x4200  }
0x42: {  	[tilespmem:s13], [sflag:$0x1] =	stream.indirect_vreg.gather [hbm4b:s10+s5], $0x80, v2, vm0, $0xb8;
	[tilespmem:$0x1B200] =	vst v63  }
0x43: {  	v2 =	vld.msk [tilespmem:$0x180], $0xff;
	_ =	sdelay $0x4  }
0x44: {  	v3 =	vshrl.u32 v2, $0x3  }
0x45: {  	v3 =	vmul.u32 $0x30, v3  }
0x46: {  	v2 =	vand.u32 $0x7, v2  }
0x47: {  	v2 =	vor.u32 v2, v3  }
0x48: {  	v2 =	vperm.xlane v2, v0;
	_ =	sdelay $0x1  }
0x49: {  	v2 =	vadd.s32 v1, v2;
	_ =	sdelay $0x3  }
0x4a: {  	s14 =	simm.s32 $0x4A00  }
0x4b: {  	[tilespmem:s14], [sflag:$0x1] =	stream.indirect_vreg.gather [hbm4b:s1+s5], $0x80, v2, vm0, $0xb8;
	[tilespmem:$0x1B200] =	vst v63  }
0x4c: {  	s15 =	simm.s32 $0x5200  }
0x4d: {  	[tilespmem:s15], [sflag:$0x1] =	stream.indirect_vreg.gather [hbm4b:s9+s5], $0x80, v2, vm0, $0xb8;
	[tilespmem:$0x1B200] =	vst v63  }
0x4e: {  	s21 =	simm.s32 $0x5A00  }
0x4f: {  	[tilespmem:s21], [sflag:$0x1] =	stream.indirect_vreg.gather [hbm4b:s10+s5], $0x80, v2, vm0, $0xb8;
	[tilespmem:$0x1B200] =	vst v63  }
0x50: {  	s30 =	rddreg [dreg:$0x7];
	s31 =	simm.s32 $0x19A00  }
0x51: {  	[tilespmem:s31], [sflag:$0x4] =	stream.linear.gather [hbm4b:s30+s5], $0x1800, $0x38;
	[tilespmem:$0x1B200] =	vst v63  }
0x52: {  	v2 =	vld.msk [tilespmem:$0x8], $0xff;
	_ =	sdelay $0x4  }
0x53: {  	v3 =	vshrl.u32 v2, $0x3  }
0x54: {  	v3 =	vmul.u32 $0x30, v3  }
0x55: {  	v2 =	vand.u32 $0x7, v2  }
0x56: {  	v2 =	vor.u32 v2, v3  }
0x57: {  	v2 =	vperm.xlane v2, v0;
	_ =	sdelay $0x1  }
0x58: {  	v2 =	vadd.s32 v1, v2;
	_ =	sdelay $0x3  }
0x59: {  	s7 =	simm.s32 $0x6200  }
0x5a: {  	[tilespmem:s7], [sflag:$0x2] =	stream.indirect_vreg.gather [hbm4b:s1+s5], $0x80, v2, vm0, $0xb8;
	[tilespmem:$0x1B200] =	vst v63  }
0x5b: {  	s11 =	simm.s32 $0x6A00  }
0x5c: {  	[tilespmem:s11], [sflag:$0x2] =	stream.indirect_vreg.gather [hbm4b:s9+s5], $0x80, v2, vm0, $0xb8;
	[tilespmem:$0x1B200] =	vst v63  }
0x5d: {  	s12 =	simm.s32 $0x7200  }
0x5e: {  	[tilespmem:s12], [sflag:$0x2] =	stream.indirect_vreg.gather [hbm4b:s10+s5], $0x80, v2, vm0, $0xb8;
	[tilespmem:$0x1B200] =	vst v63  }
0x5f: {  	v2 =	vld.msk [tilespmem:$0x88], $0xff;
	_ =	sdelay $0x4  }
0x60: {  	v3 =	vshrl.u32 v2, $0x3  }
0x61: {  	v3 =	vmul.u32 $0x30, v3  }
0x62: {  	v2 =	vand.u32 $0x7, v2  }
0x63: {  	v2 =	vor.u32 v2, v3  }
0x64: {  	v2 =	vperm.xlane v2, v0;
	_ =	sdelay $0x1  }
0x65: {  	v2 =	vadd.s32 v1, v2;
	_ =	sdelay $0x3  }
0x66: {  	s13 =	simm.s32 $0x7A00  }
0x67: {  	[tilespmem:s13], [sflag:$0x2] =	stream.indirect_vreg.gather [hbm4b:s1+s5], $0x80, v2, vm0, $0xb8;
	[tilespmem:$0x1B200] =	vst v63  }
0x68: {  	s14 =	simm.s32 $0x8200  }
0x69: {  	[tilespmem:s14], [sflag:$0x2] =	stream.indirect_vreg.gather [hbm4b:s9+s5], $0x80, v2, vm0, $0xb8;
	[tilespmem:$0x1B200] =	vst v63  }
0x6a: {  	s15 =	simm.s32 $0x8A00  }
0x6b: {  	[tilespmem:s15], [sflag:$0x2] =	stream.indirect_vreg.gather [hbm4b:s10+s5], $0x80, v2, vm0, $0xb8;
	[tilespmem:$0x1B200] =	vst v63  }
0x6c: {  	v2 =	vld.msk [tilespmem:$0x108], $0xff;
	_ =	sdelay $0x4  }
0x6d: {  	v3 =	vshrl.u32 v2, $0x3  }
0x6e: {  	v3 =	vmul.u32 $0x30, v3  }
0x6f: {  	v2 =	vand.u32 $0x7, v2  }
0x70: {  	v2 =	vor.u32 v2, v3  }
0x71: {  	v2 =	vperm.xlane v2, v0;
	_ =	sdelay $0x1  }
0x72: {  	v2 =	vadd.s32 v1, v2;
	_ =	sdelay $0x3  }
0x73: {  	s21 =	simm.s32 $0x9200  }
0x74: {  	[tilespmem:s21], [sflag:$0x2] =	stream.indirect_vreg.gather [hbm4b:s1+s5], $0x80, v2, vm0, $0xb8;
	[tilespmem:$0x1B200] =	vst v63  }
0x75: {  	s30 =	simm.s32 $0x9A00  }
0x76: {  	[tilespmem:s30], [sflag:$0x2] =	stream.indirect_vreg.gather [hbm4b:s9+s5], $0x80, v2, vm0, $0xb8;
	[tilespmem:$0x1B200] =	vst v63  }
0x77: {  	s31 =	simm.s32 $0xA200  }
0x78: {  	[tilespmem:s31], [sflag:$0x2] =	stream.indirect_vreg.gather [hbm4b:s10+s5], $0x80, v2, vm0, $0xb8;
	[tilespmem:$0x1B200] =	vst v63  }
0x79: {  	v2 =	vld.msk [tilespmem:$0x188], $0xff;
	_ =	sdelay $0x4  }
0x7a: {  	v3 =	vshrl.u32 v2, $0x3  }
0x7b: {  	v3 =	vmul.u32 $0x30, v3  }
0x7c: {  	v2 =	vand.u32 $0x7, v2  }
0x7d: {  	v2 =	vor.u32 v2, v3  }
0x7e: {  	v2 =	vperm.xlane v2, v0;
	_ =	sdelay $0x1  }
0x7f: {  	v2 =	vadd.s32 v1, v2;
	_ =	sdelay $0x4  }
0x80: {  	[tilespmem:s8], [sflag:$0x2] =	stream.indirect_vreg.gather [hbm4b:s1+s5], $0x80, v2, vm0, $0xb8;
	[tilespmem:$0x1B200] =	vst v63  }
0x81: {  	_ = 	snop  }
0x82: {  	[tilespmem:s16], [sflag:$0x2] =	stream.indirect_vreg.gather [hbm4b:s9+s5], $0x80, v2, vm0, $0xb8;
	[tilespmem:$0x1B200] =	vst v63  }
0x83: {  	_ = 	snop  }
0x84: {  	[tilespmem:s17], [sflag:$0x2] =	stream.indirect_vreg.gather [hbm4b:s10+s5], $0x80, v2, vm0, $0xb8;
	[tilespmem:$0x1B200] =	vst v63  }
0x85: {  	_ =	swait.ge [sflag:s18], $0x1800  }
0x86: {  	[sflag:s18] =	ssyncset.done $0x0  }
0x87: {  	[sflag:s18] =	ssyncadd.s32 $0xFFFFE800  }
0x88: {  	_ =	swait.ge [sflag:s18], $0x1800  }
0x89: {  	[sflag:s18] =	ssyncset.done $0x0  }
0x8a: {  	[sflag:s18] =	ssyncadd.s32 $0xFFFFE800  }
0x8b: {  	_ =	swait.ge [sflag:s18], $0x1800  }
0x8c: {  	[sflag:s18] =	ssyncset.done $0x0  }
0x8d: {  	[sflag:s18] =	ssyncadd.s32 $0xFFFFE800  }
0x8e: {  	_ =	swait.ge [sflag:s18], $0x1800  }
0x8f: {  	[sflag:s18] =	ssyncset.done $0x0  }
0x90: {  	[sflag:s18] =	ssyncadd.s32 $0xFFFFE800  }
0x91: {  	_ =	swait.ge [sflag:s19], $0x1800  }
0x92: {  	s28 =	simm.s32 $0xC300;
	s29 =	simm.s32 $0x3200;
	[sflag:s19] =	ssyncset.done $0x0  }
0x93: {  	s0 =	simm.s32 $0x0;
	s21 =	simm.s32 $0x18240;
	[sflag:s19] =	ssyncadd.s32 $0xFFFFE800  }
.LBB2_2:
0x94: {  	v2 =	vld [tilespmem:s29+$0xFFFFD070]  }
0x95: {  	v4 =	vld [tilespmem:s29+$0xFFFFD000]  }
0x96: {  	v5 =	vld [tilespmem:s21+$0x30]  }
0x97: {  	v3 =	vld [tilespmem:s29+$0xFFFFD010]  }
0x98: {  	v6 =	vld [tilespmem:s29+$0xFFFFD020]  }
0x99: {  	v7 =	vld [tilespmem:s29+$0xFFFFD030]  }
0x9a: {  	v8 =	vld [tilespmem:s29+$0xFFFFD040];
	v2 =	vmul.f32 $2.771281240e+01, v2  }
0x9b: {  	v9 =	vld [tilespmem:s29+$0xFFFFD050]  }
0x9c: {  	v15 =	vld [tilespmem:s21+$0xFFFFFFD0];
	v2 =	vadd.f32 v2, v5  }
0x9d: {  	v10 =	vld [tilespmem:s29+$0xFFFFD060]  }
0x9e: {  	v13 =	vld [tilespmem:s21+$0xFFFFFFE0];
	[tilespmem:s28+$0xFFFFFF70] =	vst v2  }
0x9f: {  	v2 =	vmul.f32 $2.771281240e+01, v3;
	v14 =	vld [tilespmem:s29+$0xFFFFE870]  }
0xa0: {  	v12 =	vld [tilespmem:s21+$0xFFFFFFF0]  }
0xa1: {  	v11 =	vld [tilespmem:s21+$0x0];
	v6 =	vmul.f32 $2.771281240e+01, v6;
	v16 =	vadd.f32 v2, v15  }
0xa2: {  	v3 =	vld [tilespmem:s21+$0x10]  }
0xa3: {  	v6 =	vadd.f32 v6, v13;
	v2 =	vld [tilespmem:s21+$0x20];
	[tilespmem:s28+$0xFFFFFF10] =	vst v16  }
0xa4: {  	v7 =	vmul.f32 $2.771281240e+01, v7;
	v16 =	vld [tilespmem:s29+$0xFFFFE810];
	v17 =	vmul.f32 $2.771281240e+01, v14  }
0xa5: {  	[tilespmem:s28+$0xFFFFFF20] =	vst v6;
	v14 =	vld [tilespmem:s21+$0xFFFFFFC0]  }
0xa6: {  	v7 =	vadd.f32 v7, v12;
	v6 =	vmul.f32 $2.771281240e+01, v8;
	v8 =	vadd.f32 v17, v5;
	v17 =	vld [tilespmem:s29+$0xFFFFE820]  }
0xa7: {  	v9 =	vmul.f32 $2.771281240e+01, v9  }
0xa8: {  	s7 =	sadd.s32 $0x400, s29;
	v4 =	vmul.f32 $2.771281240e+01, v4;
	[tilespmem:s28+$0xFFFFFF30] =	vst v7;
	v6 =	vadd.f32 v6, v11  }
0xa9: {  	v20 =	vld [tilespmem:s7+$0xFFFFD000];
	v9 =	vadd.f32 v9, v3;
	[tilespmem:s28+$0xFFFFFFF0] =	vst v8;
	v8 =	vmul.f32 $2.771281240e+01, v10  }
0xaa: {  	[tilespmem:s28+$0xFFFFFF40] =	vst v6;
	v10 =	vld [tilespmem:s29+$0xFFFFE830];
	v6 =	vmul.f32 $2.771281240e+01, v16;
	v4 =	vadd.f32 v4, v14  }
0xab: {  	[tilespmem:s28+$0xFFFFFF50] =	vst v9;
	v16 =	vld [tilespmem:s29+$0xFFFFE840];
	v8 =	vadd.f32 v8, v2;
	v9 =	vmul.f32 $2.771281240e+01, v17  }
0xac: {  	v6 =	vadd.f32 v6, v15;
	[tilespmem:s28+$0xFFFFFF00] =	vst v4;
	v4 =	vld [tilespmem:s29+$0xFFFFE850]  }
0xad: {  	v7 =	vld [tilespmem:s29+$0x70];
	[tilespmem:s28+$0xFFFFFF60] =	vst v8;
	v8 =	vadd.f32 v9, v13  }
0xae: {  	s11 =	sadd.s32 $0x80, s21;
	[tilespmem:s28+$0xFFFFFF90] =	vst v6;
	v9 =	vld [tilespmem:s29+$0xFFFFE860]  }
0xaf: {  	v21 =	vld [tilespmem:s11+$0x30];
	v6 =	vmul.f32 $2.771281240e+01, v10;
	[tilespmem:s28+$0xFFFFFFA0] =	vst v8  }
0xb0: {  	v8 =	vmul.f32 $2.771281240e+01, v16;
	v16 =	vld [tilespmem:s29+$0x20]  }
0xb1: {  	v22 =	vld [tilespmem:s7+$0xFFFFD010];
	v6 =	vadd.f32 v6, v12;
	v4 =	vmul.f32 $2.771281240e+01, v4  }
0xb2: {  	v23 =	vld [tilespmem:s7+$0xFFFFD020];
	v7 =	vmul.f32 $2.771281240e+01, v7  }
0xb3: {  	v17 =	vld [tilespmem:s29+$0xFFFFE800];
	[tilespmem:s28+$0xFFFFFFB0] =	vst v6;
	v4 =	vadd.f32 v4, v3;
	v6 =	vmul.f32 $2.771281240e+01, v9  }
0xb4: {  	v24 =	vld [tilespmem:s7+$0xFFFFD030];
	v7 =	vadd.f32 v7, v5  }
0xb5: {  	v10 =	vld [tilespmem:s29+$0x10];
	[tilespmem:s28+$0xFFFFFFD0] =	vst v4;
	v4 =	vadd.f32 v6, v2;
	v6 =	vmul.f32 $2.771281240e+01, v16  }
0xb6: {  	v25 =	vld [tilespmem:s7+$0xFFFFD040];
	[tilespmem:s28+$0x70] =	vst v7  }
0xb7: {  	v26 =	vld [tilespmem:s7+$0xFFFFD060];
	[tilespmem:s28+$0xFFFFFFE0] =	vst v4;
	v4 =	vadd.f32 v6, v13  }
0xb8: {  	v17 =	vmul.f32 $2.771281240e+01, v17;
	v8 =	vadd.f32 v8, v11;
	v7 =	vld [tilespmem:s29+$0x1870]  }
0xb9: {  	[tilespmem:s28+$0x20] =	vst v4;
	v4 =	vld [tilespmem:s7+$0xFFFFD070]  }
0xba: {  	v9 =	vadd.f32 v17, v14;
	v17 =	vld [tilespmem:s29+$0x30];
	[tilespmem:s28+$0xFFFFFFC0] =	vst v8;
	v8 =	vmul.f32 $2.771281240e+01, v10  }
0xbb: {  	v10 =	vld [tilespmem:s29+$0x40]  }
0xbc: {  	[tilespmem:s28+$0xFFFFFF80] =	vst v9;
	v9 =	vld [tilespmem:s29+$0x50];
	v8 =	vadd.f32 v8, v15  }
0xbd: {  	v16 =	vld [tilespmem:s29+$0x0];
	v7 =	vmul.f32 $2.771281240e+01, v7  }
0xbe: {  	v6 =	vld [tilespmem:s29+$0x60];
	[tilespmem:s28+$0x10] =	vst v8;
	v4 =	vmul.f32 $2.771281240e+01, v4  }
0xbf: {  	v18 =	vld [tilespmem:s29+$0x1810];
	v8 =	vmul.f32 $2.771281240e+01, v17;
	v5 =	vadd.f32 v7, v5  }
0xc0: {  	v17 =	vld [tilespmem:s7+$0xFFFFD050];
	v10 =	vmul.f32 $2.771281240e+01, v10;
	v4 =	vadd.f32 v4, v21  }
0xc1: {  	s2 =	sadd.s32 $0x200, s28;
	v7 =	vadd.f32 v8, v12;
	v9 =	vmul.f32 $2.771281240e+01, v9;
	v8 =	vld [tilespmem:s11+$0xFFFFFFD0];
	[tilespmem:s28+$0xF0] =	vst v5  }
0xc2: {  	v19 =	vld [tilespmem:s29+$0x1820];
	v10 =	vadd.f32 v10, v11;
	[tilespmem:s2+$0xFFFFFF70] =	vst v4  }
0xc3: {  	[tilespmem:s28+$0x30] =	vst v7;
	v5 =	vadd.f32 v9, v3;
	v6 =	vmul.f32 $2.771281240e+01, v6;
	v4 =	vmul.f32 $2.771281240e+01, v16;
	v16 =	vld [tilespmem:s7+$0xFFFFE870]  }
0xc4: {  	v7 =	vld [tilespmem:s11+$0xFFFFFFE0];
	[tilespmem:s28+$0x40] =	vst v10;
	v10 =	vmul.f32 $2.771281240e+01, v22  }
0xc5: {  	v18 =	vmul.f32 $2.771281240e+01, v18;
	[tilespmem:s28+$0x50] =	vst v5;
	v6 =	vadd.f32 v6, v2;
	v5 =	vld [tilespmem:s11+$0x0]  }
0xc6: {  	v57 =	vadd.f32 v10, v8;
	v9 =	vadd.f32 v4, v14;
	v4 =	vld [tilespmem:s11+$0xFFFFFFF0]  }
0xc7: {  	v56 =	vmul.f32 $2.771281240e+01, v23;
	v10 =	vld [tilespmem:s11+$0x10];
	v15 =	vadd.f32 v18, v15;
	[tilespmem:s28+$0x60] =	vst v6  }
0xc8: {  	v6 =	vld [tilespmem:s11+$0xFFFFFFC0];
	[tilespmem:s2+$0xFFFFFF10] =	vst v57;
	v16 =	vmul.f32 $2.771281240e+01, v16  }
0xc9: {  	v18 =	vmul.f32 $2.771281240e+01, v24;
	v22 =	vadd.f32 v56, v7;
	[tilespmem:s28+$0x90] =	vst v15;
	v23 =	vld [tilespmem:s7+$0xFFFFE810]  }
0xca: {  	v15 =	vmul.f32 $2.771281240e+01, v25;
	[tilespmem:s28+$0x0] =	vst v9;
	v9 =	vld [tilespmem:s11+$0x20];
	v16 =	vadd.f32 v16, v21  }
0xcb: {  	v17 =	vmul.f32 $2.771281240e+01, v17;
	[tilespmem:s2+$0xFFFFFF20] =	vst v22;
	v58 =	vld [tilespmem:s29+$0x1800];
	v18 =	vadd.f32 v18, v4  }
0xcc: {  	v20 =	vmul.f32 $2.771281240e+01, v20;
	v15 =	vadd.f32 v15, v5;
	[tilespmem:s2+$0xFFFFFFF0] =	vst v16;
	v16 =	vld [tilespmem:s7+$0xFFFFE820]  }
0xcd: {  	v59 =	vmul.f32 $2.771281240e+01, v26;
	v17 =	vadd.f32 v17, v10;
	[tilespmem:s2+$0xFFFFFF30] =	vst v18;
	v18 =	vld [tilespmem:s7+$0x70]  }
0xce: {  	v19 =	vmul.f32 $2.771281240e+01, v19;
	v20 =	vadd.f32 v20, v6;
	[tilespmem:s2+$0xFFFFFF40] =	vst v15;
	v15 =	vld [tilespmem:s7+$0xFFFFE830]  }
0xcf: {  	[tilespmem:s2+$0xFFFFFF50] =	vst v17;
	v17 =	vld [tilespmem:s7+$0xFFFFE840];
	v23 =	vmul.f32 $2.771281240e+01, v23;
	v24 =	vadd.f32 v59, v9  }
0xd0: {  	v13 =	vadd.f32 v19, v13;
	[tilespmem:s2+$0xFFFFFF00] =	vst v20;
	v19 =	vld [tilespmem:s7+$0xFFFFE850];
	v20 =	vmul.f32 $2.771281240e+01, v58  }
0xd1: {  	v60 =	vld [tilespmem:s7+$0xFFFFE800];
	v23 =	vadd.f32 v23, v8;
	[tilespmem:s2+$0xFFFFFF60] =	vst v24;
	v16 =	vmul.f32 $2.771281240e+01, v16  }
0xd2: {  	[tilespmem:s28+$0xA0] =	vst v13;
	v13 =	vld [tilespmem:s7+$0xFFFFE860];
	v14 =	vadd.f32 v20, v14;
	v18 =	vmul.f32 $2.771281240e+01, v18  }
0xd3: {  	[tilespmem:s2+$0xFFFFFF90] =	vst v23;
	v20 =	vld [tilespmem:s29+$0x1830];
	v15 =	vmul.f32 $2.771281240e+01, v15;
	v16 =	vadd.f32 v16, v7  }
0xd4: {  	v17 =	vmul.f32 $2.771281240e+01, v17;
	v23 =	vld [tilespmem:s7+$0x10];
	[tilespmem:s28+$0x80] =	vst v14;
	v18 =	vadd.f32 v18, v21  }
0xd5: {  	v14 =	vadd.f32 v15, v4;
	v15 =	vmul.f32 $2.771281240e+01, v19;
	[tilespmem:s2+$0xFFFFFFA0] =	vst v16;
	v16 =	vld [tilespmem:s29+$0x1840]  }
0xd6: {  	v17 =	vadd.f32 v17, v5;
	v19 =	vmul.f32 $2.771281240e+01, v60;
	v61 =	vld [tilespmem:s7+$0x20];
	[tilespmem:s2+$0x70] =	vst v18  }
0xd7: {  	v13 =	vmul.f32 $2.771281240e+01, v13;
	[tilespmem:s2+$0xFFFFFFB0] =	vst v14;
	v14 =	vadd.f32 v15, v10;
	v15 =	vld [tilespmem:s7+$0x1870]  }
0xd8: {  	[tilespmem:s2+$0xFFFFFFC0] =	vst v17;
	v17 =	vmul.f32 $2.771281240e+01, v20;
	v18 =	vadd.f32 v19, v6;
	v19 =	vld [tilespmem:s7+$0x30]  }
0xd9: {  	v62 =	vld [tilespmem:s7+$0x40];
	v20 =	vmul.f32 $2.771281240e+01, v23;
	v13 =	vadd.f32 v13, v9;
	[tilespmem:s2+$0xFFFFFFD0] =	vst v14  }
0xda: {  	v17 =	vadd.f32 v17, v12;
	[tilespmem:s2+$0xFFFFFF80] =	vst v18;
	v14 =	vld [tilespmem:s7+$0x50];
	v16 =	vmul.f32 $2.771281240e+01, v16  }
0xdb: {  	v20 =	vadd.f32 v20, v8;
	[tilespmem:s2+$0xFFFFFFE0] =	vst v13;
	v18 =	vld [tilespmem:s7+$0x0];
	v22 =	vmul.f32 $2.771281240e+01, v61  }
0xdc: {  	[tilespmem:s28+$0xB0] =	vst v17;
	v12 =	vld [tilespmem:s7+$0x60];
	v63 =	vmul.f32 $2.771281240e+01, v15;
	v11 =	vadd.f32 v16, v11  }
0xdd: {  	[tilespmem:s2+$0x10] =	vst v20;
	v17 =	vmul.f32 $2.771281240e+01, v19;
	v15 =	vld [tilespmem:s29+$0x1850];
	v16 =	vadd.f32 v22, v7  }
0xde: {  	v20 =	vmul.f32 $2.771281240e+01, v62;
	v13 =	vld [tilespmem:s7+$0x1810];
	v21 =	vadd.f32 v63, v21;
	[tilespmem:s28+$0xC0] =	vst v11  }
0xdf: {  	v11 =	vadd.f32 v17, v4;
	v17 =	vmul.f32 $2.771281240e+01, v14;
	[tilespmem:s2+$0x20] =	vst v16;
	v16 =	vld [tilespmem:s29+$0x1860]  }
0xe0: {  	s13 =	simm.s32 $0x8;
	s12 =	smov.u32 s28;
	s14 =	sadd.s32 $0x400, s7;
	v19 =	vmul.f32 $2.771281240e+01, v18;
	v18 =	vadd.f32 v20, v5;
	v14 =	vld [tilespmem:s7+$0x1820];
	[tilespmem:s2+$0xF0] =	vst v21  }
.LBB2_3:
0xe1: {  	v20 =	vld [tilespmem:s14+$0xFFFFD070];
	s13 =	sadd.s32 $0x8, s13;
	[tilespmem:s2+$0x30] =	vst v11;
	v17 =	vadd.f32 v17, v10;
	v12 =	vmul.f32 $2.771281240e+01, v12  }
0xe2: {  	s11 =	sadd.s32 $0x80, s11;
	v21 =	vld [tilespmem:s14+$0xFFFFD000];
	p0 =	slt.u32 s13, $0x28;
	v19 =	vadd.f32 v19, v6;
	[tilespmem:s2+$0x40] =	vst v18;
	v15 =	vmul.f32 $2.771281240e+01, v15  }
0xe3: {  	v11 =	vld [tilespmem:s11+$0x30];
	v13 =	vmul.f32 $2.771281240e+01, v13;
	[tilespmem:s2+$0x50] =	vst v17;
	v12 =	vadd.f32 v12, v9  }
0xe4: {  	v17 =	vld [tilespmem:s14+$0xFFFFD010];
	[tilespmem:s2+$0x0] =	vst v19;
	v15 =	vadd.f32 v15, v3;
	v16 =	vmul.f32 $2.771281240e+01, v16;
	v3 =	vmov v10  }
0xe5: {  	v10 =	vld [tilespmem:s14+$0xFFFFD020];
	v8 =	vadd.f32 v13, v8;
	v13 =	vmul.f32 $2.771281240e+01, v14;
	[tilespmem:s2+$0x60] =	vst v12  }
0xe6: {  	v12 =	vld [tilespmem:s14+$0xFFFFD030];
	v14 =	vmul.f32 $2.771281240e+01, v20;
	[tilespmem:s12+$0xD0] =	vst v15;
	v15 =	vadd.f32 v16, v2;
	v2 =	vmov v9  }
0xe7: {  	v16 =	vmul.f32 $2.771281240e+01, v21;
	v9 =	vld [tilespmem:s14+$0xFFFFD040];
	[tilespmem:s2+$0x90] =	vst v8;
	v7 =	vadd.f32 v13, v7  }
0xe8: {  	v13 =	vld [tilespmem:s14+$0xFFFFD050];
	v14 =	vadd.f32 v14, v11;
	[tilespmem:s12+$0xE0] =	vst v15;
	s12 =	smov.u32 s2  }
0xe9: {  	s2 =	sadd.s32 $0x200, s2;
	v15 =	vmul.f32 $2.771281240e+01, v17;
	v17 =	vld [tilespmem:s14+$0xFFFFD060];
	[tilespmem:s12+$0xA0] =	vst v7  }
0xea: {  	v8 =	vld [tilespmem:s11+$0xFFFFFFD0];
	v18 =	vmul.f32 $2.771281240e+01, v10;
	[tilespmem:s2+$0xFFFFFF70] =	vst v14  }
0xeb: {  	v12 =	vmul.f32 $2.771281240e+01, v12;
	v14 =	vld [tilespmem:s14+$0xFFFFE870]  }
0xec: {  	v7 =	vld [tilespmem:s11+$0xFFFFFFE0];
	v19 =	vmul.f32 $2.771281240e+01, v9  }
0xed: {  	v20 =	vld [tilespmem:s11+$0xFFFFFFF0];
	v13 =	vmul.f32 $2.771281240e+01, v13  }
0xee: {  	v21 =	vld [tilespmem:s11+$0x0];
	v17 =	vmul.f32 $2.771281240e+01, v17  }
0xef: {  	v15 =	vadd.f32 v15, v8;
	v10 =	vld [tilespmem:s11+$0x10]  }
0xf0: {  	v9 =	vld [tilespmem:s11+$0x20];
	v14 =	vmul.f32 $2.771281240e+01, v14  }
0xf1: {  	v22 =	vld [tilespmem:s11+$0xFFFFFFC0];
	[tilespmem:s2+$0xFFFFFF10] =	vst v15;
	v15 =	vadd.f32 v18, v7  }
0xf2: {  	v18 =	vld [tilespmem:s14+$0xFFFFE810];
	v12 =	vadd.f32 v12, v20;
	v14 =	vadd.f32 v14, v11  }
0xf3: {  	[tilespmem:s2+$0xFFFFFF20] =	vst v15;
	v15 =	vadd.f32 v19, v21;
	v19 =	vld [tilespmem:s7+$0x1800]  }
0xf4: {  	v23 =	vld [tilespmem:s14+$0xFFFFE820];
	v13 =	vadd.f32 v13, v10;
	[tilespmem:s2+$0xFFFFFFF0] =	vst v14  }
0xf5: {  	[tilespmem:s2+$0xFFFFFF30] =	vst v12;
	v12 =	vadd.f32 v17, v9;
	v14 =	vld [tilespmem:s14+$0x70]  }
0xf6: {  	v16 =	vadd.f32 v16, v22;
	v17 =	vld [tilespmem:s14+$0xFFFFE830];
	[tilespmem:s2+$0xFFFFFF40] =	vst v15  }
0xf7: {  	v15 =	vmul.f32 $2.771281240e+01, v18;
	v18 =	vld [tilespmem:s14+$0xFFFFE840];
	[tilespmem:s2+$0xFFFFFF50] =	vst v13  }
0xf8: {  	[tilespmem:s2+$0xFFFFFF00] =	vst v16;
	v13 =	vld [tilespmem:s14+$0xFFFFE850];
	v16 =	vmul.f32 $2.771281240e+01, v19  }
0xf9: {  	v19 =	vld [tilespmem:s14+$0xFFFFE800];
	v15 =	vadd.f32 v15, v8;
	v23 =	vmul.f32 $2.771281240e+01, v23;
	[tilespmem:s2+$0xFFFFFF60] =	vst v12  }
0xfa: {  	v12 =	vld [tilespmem:s14+$0xFFFFE860];
	v14 =	vmul.f32 $2.771281240e+01, v14;
	v16 =	vadd.f32 v16, v6;
	v6 =	vmov v22  }
0xfb: {  	[tilespmem:s2+$0xFFFFFF90] =	vst v15;
	v15 =	vadd.f32 v23, v7;
	v17 =	vmul.f32 $2.771281240e+01, v17;
	v22 =	vld [tilespmem:s7+$0x1830]  }
0xfc: {  	v23 =	vld [tilespmem:s14+$0x10];
	v18 =	vmul.f32 $2.771281240e+01, v18;
	v14 =	vadd.f32 v14, v11;
	[tilespmem:s12+$0x80] =	vst v16  }
0xfd: {  	[tilespmem:s2+$0xFFFFFFA0] =	vst v15;
	v15 =	vadd.f32 v17, v20;
	v13 =	vmul.f32 $2.771281240e+01, v13;
	v16 =	vld [tilespmem:s7+$0x1840]  }
0xfe: {  	v17 =	vmul.f32 $2.771281240e+01, v19;
	v19 =	vld [tilespmem:s14+$0x20];
	v18 =	vadd.f32 v18, v21;
	[tilespmem:s2+$0x70] =	vst v14  }
0xff: {  	[tilespmem:s2+$0xFFFFFFB0] =	vst v15;
	v13 =	vadd.f32 v13, v10;
	v12 =	vmul.f32 $2.771281240e+01, v12;
	v14 =	vld [tilespmem:s14+$0x1870]  }
0x100: {  	v15 =	vadd.f32 v17, v6;
	v17 =	vld [tilespmem:s14+$0x30];
	[tilespmem:s2+$0xFFFFFFC0] =	vst v18;
	v18 =	vmul.f32 $2.771281240e+01, v22  }
0x101: {  	v22 =	vmul.f32 $2.771281240e+01, v23;
	v23 =	vld [tilespmem:s14+$0x40];
	[tilespmem:s2+$0xFFFFFFD0] =	vst v13;
	v12 =	vadd.f32 v12, v9  }
0x102: {  	[tilespmem:s2+$0xFFFFFF80] =	vst v15;
	v24 =	vld [tilespmem:s14+$0x50];
	v13 =	vadd.f32 v18, v4;
	v15 =	vmul.f32 $2.771281240e+01, v16;
	v4 =	vmov v20  }
0x103: {  	v18 =	vld [tilespmem:s14+$0x0];
	v16 =	vadd.f32 v22, v8;
	v19 =	vmul.f32 $2.771281240e+01, v19;
	[tilespmem:s2+$0xFFFFFFE0] =	vst v12  }
.Ltmp0:
0x104: {  	v12 =	vld [tilespmem:s14+$0x60];
	v14 =	vmul.f32 $2.771281240e+01, v14;
	[tilespmem:s12+$0xB0] =	vst v13;
	v20 =	vadd.f32 v15, v5;
	v5 =	vmov v21;
	(pc) =	sbr.rel @p0 .LBB2_3-.Ltmp0, $4  }
0x105: {  	[tilespmem:s2+$0x10] =	vst v16;
	v16 =	vadd.f32 v19, v7;
	v17 =	vmul.f32 $2.771281240e+01, v17;
	v15 =	vld [tilespmem:s7+$0x1850]  }
0x106: {  	v13 =	vld [tilespmem:s14+$0x1810];
	v21 =	vmul.f32 $2.771281240e+01, v23;
	v22 =	vadd.f32 v14, v11;
	[tilespmem:s12+$0xC0] =	vst v20  }
0x107: {  	[tilespmem:s2+$0x20] =	vst v16;
	v11 =	vadd.f32 v17, v4;
	v17 =	vmul.f32 $2.771281240e+01, v24;
	v16 =	vld [tilespmem:s7+$0x1860];
	s7 =	smov.u32 s14  }
0x108: {  	s14 =	sadd.s32 $0x400, s14;
	v19 =	vmul.f32 $2.771281240e+01, v18;
	v14 =	vld [tilespmem:s7+$0x1820];
	v18 =	vadd.f32 v21, v5;
	[tilespmem:s2+$0xF0] =	vst v22  }
0x109: {  	_ = 	snop  }
0x10a: {  	v19 =	vadd.f32 v19, v6;
	_ =	sdelay $0x1  }
0x10b: {  	v12 =	vmul.f32 $2.771281240e+01, v12;
	[tilespmem:s2+$0x0] =	vst v19  }
0x10c: {  	[tilespmem:s2+$0x30] =	vst v11;
	v53 =	vadd.f32 v17, v10;
	v54 =	vld [tilespmem:s7+$0x1800]  }
0x10d: {  	[tilespmem:s2+$0x40] =	vst v18;
	v15 =	vmul.f32 $2.771281240e+01, v15;
	v55 =	vld [tilespmem:s7+$0x1830];
	v12 =	vadd.f32 v12, v9  }
0x10e: {  	v13 =	vmul.f32 $2.771281240e+01, v13;
	[tilespmem:s2+$0x50] =	vst v53;
	v56 =	vld [tilespmem:s7+$0x1840]  }
0x10f: {  	v3 =	vadd.f32 v15, v3;
	v57 =	vmul.f32 $2.771281240e+01, v16;
	v58 =	vld [tilespmem:s7+$0x1850];
	[tilespmem:s2+$0x60] =	vst v12  }
0x110: {  	v8 =	vadd.f32 v13, v8;
	v59 =	vmul.f32 $2.771281240e+01, v14;
	v60 =	vld [tilespmem:s7+$0x1860]  }
0x111: {  	[tilespmem:s12+$0xD0] =	vst v3;
	v2 =	vadd.f32 v57, v2;
	v3 =	vmul.f32 $2.771281240e+01, v54  }
0x112: {  	[tilespmem:s2+$0x90] =	vst v8;
	v7 =	vadd.f32 v59, v7;
	v61 =	vmul.f32 $2.771281240e+01, v55  }
0x113: {  	s0 =	sadd.s32 $0x1, s0;
	[tilespmem:s12+$0xE0] =	vst v2;
	v2 =	vadd.f32 v3, v6;
	v3 =	vmul.f32 $2.771281240e+01, v56  }
0x114: {  	p0 =	sne.s32 s0, $0x8;
	[tilespmem:s2+$0xA0] =	vst v7;
	v4 =	vadd.f32 v61, v4;
	v62 =	vmul.f32 $2.771281240e+01, v58  }
.Ltmp1:
0x115: {  	[tilespmem:s2+$0x80] =	vst v2;
	v2 =	vadd.f32 v3, v5;
	v3 =	vmul.f32 $2.771281240e+01, v60;
	(pc) =	sbr.rel @p0 .LBB2_2-.Ltmp1, $4  }
0x116: {  	[tilespmem:s2+$0xB0] =	vst v4;
	v63 =	vadd.f32 v62, v10  }
0x117: {  	[tilespmem:s2+$0xC0] =	vst v2;
	v2 =	vadd.f32 v3, v9  }
0x118: {  	[tilespmem:s2+$0xD0] =	vst v63  }
0x119: {  	s29 =	sadd.s32 $0x80, s29;
	s21 =	sadd.s32 $0x300, s21;
	s28 =	sadd.s32 $0xC00, s28;
	[tilespmem:s2+$0xE0] =	vst v2  }
0x11a: {  	s21 =	simm.s32 $0x0;
	s0 =	rddreg [dreg:$0x8]  }
0x11b: {  	[hbm4b:s0+s21] =	stream.linear.scatter [tilespmem:s20], [sflag:$0x5], $0x6000, $0x38;
	[tilespmem:$0x1B200] =	vst v63  }
0x11c: {  	s14 =	rddreg [dreg:$0x9];
	s2 =	simm.s32 $0x18200  }
0x11d: {  	[tilespmem:s2], [sflag:$0x3] =	stream.linear.gather [hbm4b:s14+s21], $0x1800, $0x38;
	[tilespmem:$0x1B200] =	vst v63  }
0x11e: {  	v2 =	vld.msk [tilespmem:$0x10], $0xff;
	_ =	sdelay $0x4  }
0x11f: {  	v3 =	vshrl.u32 v2, $0x3  }
0x120: {  	v3 =	vmul.u32 $0x30, v3  }
0x121: {  	v2 =	vand.u32 $0x7, v2  }
0x122: {  	v2 =	vor.u32 v2, v3  }
0x123: {  	v2 =	vperm.xlane v2, v0;
	_ =	sdelay $0x1  }
0x124: {  	v2 =	vadd.s32 v1, v2;
	_ =	sdelay $0x3  }
0x125: {  	s15 =	simm.s32 $0x200  }
0x126: {  	[tilespmem:s15], [sflag:$0x1] =	stream.indirect_vreg.gather [hbm4b:s1+s21], $0x80, v2, vm0, $0xb8;
	[tilespmem:$0x1B200] =	vst v63  }
0x127: {  	s30 =	simm.s32 $0xA00  }
0x128: {  	[tilespmem:s30], [sflag:$0x1] =	stream.indirect_vreg.gather [hbm4b:s9+s21], $0x80, v2, vm0, $0xb8;
	[tilespmem:$0x1B200] =	vst v63  }
0x129: {  	s31 =	simm.s32 $0x1200  }
0x12a: {  	[tilespmem:s31], [sflag:$0x1] =	stream.indirect_vreg.gather [hbm4b:s10+s21], $0x80, v2, vm0, $0xb8;
	[tilespmem:$0x1B200] =	vst v63  }
0x12b: {  	v2 =	vld.msk [tilespmem:$0x90], $0xff;
	_ =	sdelay $0x4  }
0x12c: {  	v3 =	vshrl.u32 v2, $0x3  }
0x12d: {  	v3 =	vmul.u32 $0x30, v3  }
0x12e: {  	v2 =	vand.u32 $0x7, v2  }
0x12f: {  	v2 =	vor.u32 v2, v3  }
0x130: {  	v2 =	vperm.xlane v2, v0;
	_ =	sdelay $0x1  }
0x131: {  	v2 =	vadd.s32 v1, v2;
	_ =	sdelay $0x3  }
0x132: {  	s2 =	simm.s32 $0x1A00  }
0x133: {  	[tilespmem:s2], [sflag:$0x1] =	stream.indirect_vreg.gather [hbm4b:s1+s21], $0x80, v2, vm0, $0xb8;
	[tilespmem:$0x1B200] =	vst v63  }
0x134: {  	s7 =	simm.s32 $0x2200  }
0x135: {  	[tilespmem:s7], [sflag:$0x1] =	stream.indirect_vreg.gather [hbm4b:s9+s21], $0x80, v2, vm0, $0xb8;
	[tilespmem:$0x1B200] =	vst v63  }
0x136: {  	s11 =	simm.s32 $0x2A00  }
0x137: {  	[tilespmem:s11], [sflag:$0x1] =	stream.indirect_vreg.gather [hbm4b:s10+s21], $0x80, v2, vm0, $0xb8;
	[tilespmem:$0x1B200] =	vst v63  }
0x138: {  	v2 =	vld.msk [tilespmem:$0x110], $0xff;
	_ =	sdelay $0x4  }
0x139: {  	v3 =	vshrl.u32 v2, $0x3  }
0x13a: {  	v3 =	vmul.u32 $0x30, v3  }
0x13b: {  	v2 =	vand.u32 $0x7, v2  }
0x13c: {  	v2 =	vor.u32 v2, v3  }
0x13d: {  	v2 =	vperm.xlane v2, v0;
	_ =	sdelay $0x1  }
0x13e: {  	v2 =	vadd.s32 v1, v2;
	_ =	sdelay $0x3  }
0x13f: {  	s12 =	simm.s32 $0x3200  }
0x140: {  	[tilespmem:s12], [sflag:$0x1] =	stream.indirect_vreg.gather [hbm4b:s1+s21], $0x80, v2, vm0, $0xb8;
	[tilespmem:$0x1B200] =	vst v63  }
0x141: {  	s13 =	simm.s32 $0x3A00  }
0x142: {  	[tilespmem:s13], [sflag:$0x1] =	stream.indirect_vreg.gather [hbm4b:s9+s21], $0x80, v2, vm0, $0xb8;
	[tilespmem:$0x1B200] =	vst v63  }
0x143: {  	s14 =	simm.s32 $0x4200  }
0x144: {  	[tilespmem:s14], [sflag:$0x1] =	stream.indirect_vreg.gather [hbm4b:s10+s21], $0x80, v2, vm0, $0xb8;
	[tilespmem:$0x1B200] =	vst v63  }
0x145: {  	v2 =	vld.msk [tilespmem:$0x190], $0xff;
	_ =	sdelay $0x4  }
0x146: {  	v3 =	vshrl.u32 v2, $0x3  }
0x147: {  	v3 =	vmul.u32 $0x30, v3  }
0x148: {  	v2 =	vand.u32 $0x7, v2  }
0x149: {  	v2 =	vor.u32 v2, v3  }
0x14a: {  	v2 =	vperm.xlane v2, v0;
	_ =	sdelay $0x1  }
0x14b: {  	v2 =	vadd.s32 v1, v2;
	_ =	sdelay $0x3  }
0x14c: {  	s15 =	simm.s32 $0x4A00  }
0x14d: {  	[tilespmem:s15], [sflag:$0x1] =	stream.indirect_vreg.gather [hbm4b:s1+s21], $0x80, v2, vm0, $0xb8;
	[tilespmem:$0x1B200] =	vst v63  }
0x14e: {  	s30 =	simm.s32 $0x5200  }
0x14f: {  	[tilespmem:s30], [sflag:$0x1] =	stream.indirect_vreg.gather [hbm4b:s9+s21], $0x80, v2, vm0, $0xb8;
	[tilespmem:$0x1B200] =	vst v63  }
0x150: {  	s31 =	simm.s32 $0x5A00  }
0x151: {  	[tilespmem:s31], [sflag:$0x1] =	stream.indirect_vreg.gather [hbm4b:s10+s21], $0x80, v2, vm0, $0xb8;
	[tilespmem:$0x1B200] =	vst v63  }
0x152: {  	_ =	swait.ge [sflag:s22], $0x1800  }
0x153: {  	[sflag:s22] =	ssyncset.done $0x0  }
0x154: {  	[sflag:s22] =	ssyncadd.s32 $0xFFFFE800  }
0x155: {  	_ =	swait.ge [sflag:s22], $0x1800  }
0x156: {  	[sflag:s22] =	ssyncset.done $0x0  }
0x157: {  	[sflag:s22] =	ssyncadd.s32 $0xFFFFE800  }
0x158: {  	_ =	swait.ge [sflag:s22], $0x1800  }
0x159: {  	[sflag:s22] =	ssyncset.done $0x0  }
0x15a: {  	[sflag:s22] =	ssyncadd.s32 $0xFFFFE800  }
0x15b: {  	_ =	swait.ge [sflag:s22], $0x1800  }
0x15c: {  	[sflag:s22] =	ssyncset.done $0x0  }
0x15d: {  	[sflag:s22] =	ssyncadd.s32 $0xFFFFE800  }
0x15e: {  	_ =	swait.ge [sflag:s23], $0x1800  }
0x15f: {  	s28 =	simm.s32 $0x9200;
	[sflag:s23] =	ssyncset.done $0x0  }
0x160: {  	s29 =	simm.s32 $0x19A40;
	s0 =	simm.s32 $0x12300;
	[sflag:s23] =	ssyncadd.s32 $0xFFFFE800  }
.LBB2_6:
0x161: {  	v2 =	vld [tilespmem:s28+$0xFFFFD070]  }
0x162: {  	v4 =	vld [tilespmem:s28+$0xFFFFD000]  }
0x163: {  	v5 =	vld [tilespmem:s29+$0x30]  }
0x164: {  	v3 =	vld [tilespmem:s28+$0xFFFFD010]  }
0x165: {  	v6 =	vld [tilespmem:s28+$0xFFFFD020]  }
0x166: {  	v7 =	vld [tilespmem:s28+$0xFFFFD030]  }
0x167: {  	v8 =	vld [tilespmem:s28+$0xFFFFD040];
	v2 =	vmul.f32 $2.771281240e+01, v2  }
0x168: {  	v9 =	vld [tilespmem:s28+$0xFFFFD050]  }
0x169: {  	v15 =	vld [tilespmem:s29+$0xFFFFFFD0];
	v2 =	vadd.f32 v2, v5  }
0x16a: {  	v10 =	vld [tilespmem:s28+$0xFFFFD060]  }
0x16b: {  	v13 =	vld [tilespmem:s29+$0xFFFFFFE0];
	[tilespmem:s0+$0xFFFFFF70] =	vst v2  }
0x16c: {  	v2 =	vmul.f32 $2.771281240e+01, v3;
	v14 =	vld [tilespmem:s28+$0xFFFFE870]  }
0x16d: {  	v12 =	vld [tilespmem:s29+$0xFFFFFFF0]  }
0x16e: {  	v11 =	vld [tilespmem:s29+$0x0];
	v6 =	vmul.f32 $2.771281240e+01, v6;
	v16 =	vadd.f32 v2, v15  }
0x16f: {  	v3 =	vld [tilespmem:s29+$0x10]  }
0x170: {  	v6 =	vadd.f32 v6, v13;
	v2 =	vld [tilespmem:s29+$0x20];
	[tilespmem:s0+$0xFFFFFF10] =	vst v16  }
0x171: {  	v7 =	vmul.f32 $2.771281240e+01, v7;
	v16 =	vld [tilespmem:s28+$0xFFFFE810];
	v17 =	vmul.f32 $2.771281240e+01, v14  }
0x172: {  	[tilespmem:s0+$0xFFFFFF20] =	vst v6;
	v14 =	vld [tilespmem:s29+$0xFFFFFFC0]  }
0x173: {  	v7 =	vadd.f32 v7, v12;
	v6 =	vmul.f32 $2.771281240e+01, v8;
	v8 =	vadd.f32 v17, v5;
	v17 =	vld [tilespmem:s28+$0xFFFFE820]  }
0x174: {  	v9 =	vmul.f32 $2.771281240e+01, v9  }
0x175: {  	s7 =	sadd.s32 $0x400, s28;
	v4 =	vmul.f32 $2.771281240e+01, v4;
	[tilespmem:s0+$0xFFFFFF30] =	vst v7;
	v6 =	vadd.f32 v6, v11  }
0x176: {  	v20 =	vld [tilespmem:s7+$0xFFFFD000];
	v9 =	vadd.f32 v9, v3;
	[tilespmem:s0+$0xFFFFFFF0] =	vst v8;
	v8 =	vmul.f32 $2.771281240e+01, v10  }
0x177: {  	[tilespmem:s0+$0xFFFFFF40] =	vst v6;
	v10 =	vld [tilespmem:s28+$0xFFFFE830];
	v6 =	vmul.f32 $2.771281240e+01, v16;
	v4 =	vadd.f32 v4, v14  }
0x178: {  	[tilespmem:s0+$0xFFFFFF50] =	vst v9;
	v16 =	vld [tilespmem:s28+$0xFFFFE840];
	v8 =	vadd.f32 v8, v2;
	v9 =	vmul.f32 $2.771281240e+01, v17  }
0x179: {  	v6 =	vadd.f32 v6, v15;
	[tilespmem:s0+$0xFFFFFF00] =	vst v4;
	v4 =	vld [tilespmem:s28+$0xFFFFE850]  }
0x17a: {  	v7 =	vld [tilespmem:s28+$0x70];
	[tilespmem:s0+$0xFFFFFF60] =	vst v8;
	v8 =	vadd.f32 v9, v13  }
0x17b: {  	s11 =	sadd.s32 $0x80, s29;
	[tilespmem:s0+$0xFFFFFF90] =	vst v6;
	v9 =	vld [tilespmem:s28+$0xFFFFE860]  }
0x17c: {  	v21 =	vld [tilespmem:s11+$0x30];
	v6 =	vmul.f32 $2.771281240e+01, v10;
	[tilespmem:s0+$0xFFFFFFA0] =	vst v8  }
0x17d: {  	v8 =	vmul.f32 $2.771281240e+01, v16;
	v16 =	vld [tilespmem:s28+$0x20]  }
0x17e: {  	v22 =	vld [tilespmem:s7+$0xFFFFD010];
	v6 =	vadd.f32 v6, v12;
	v4 =	vmul.f32 $2.771281240e+01, v4  }
0x17f: {  	v23 =	vld [tilespmem:s7+$0xFFFFD020];
	v7 =	vmul.f32 $2.771281240e+01, v7  }
0x180: {  	v17 =	vld [tilespmem:s28+$0xFFFFE800];
	[tilespmem:s0+$0xFFFFFFB0] =	vst v6;
	v4 =	vadd.f32 v4, v3;
	v6 =	vmul.f32 $2.771281240e+01, v9  }
0x181: {  	v24 =	vld [tilespmem:s7+$0xFFFFD030];
	v7 =	vadd.f32 v7, v5  }
0x182: {  	v10 =	vld [tilespmem:s28+$0x10];
	[tilespmem:s0+$0xFFFFFFD0] =	vst v4;
	v4 =	vadd.f32 v6, v2;
	v6 =	vmul.f32 $2.771281240e+01, v16  }
0x183: {  	v25 =	vld [tilespmem:s7+$0xFFFFD040];
	[tilespmem:s0+$0x70] =	vst v7  }
0x184: {  	v26 =	vld [tilespmem:s7+$0xFFFFD060];
	[tilespmem:s0+$0xFFFFFFE0] =	vst v4;
	v4 =	vadd.f32 v6, v13  }
0x185: {  	v17 =	vmul.f32 $2.771281240e+01, v17;
	v8 =	vadd.f32 v8, v11;
	v7 =	vld [tilespmem:s28+$0x1870]  }
0x186: {  	[tilespmem:s0+$0x20] =	vst v4;
	v4 =	vld [tilespmem:s7+$0xFFFFD070]  }
0x187: {  	v9 =	vadd.f32 v17, v14;
	v17 =	vld [tilespmem:s28+$0x30];
	[tilespmem:s0+$0xFFFFFFC0] =	vst v8;
	v8 =	vmul.f32 $2.771281240e+01, v10  }
0x188: {  	v10 =	vld [tilespmem:s28+$0x40]  }
0x189: {  	[tilespmem:s0+$0xFFFFFF80] =	vst v9;
	v9 =	vld [tilespmem:s28+$0x50];
	v8 =	vadd.f32 v8, v15  }
0x18a: {  	v16 =	vld [tilespmem:s28+$0x0];
	v7 =	vmul.f32 $2.771281240e+01, v7  }
0x18b: {  	v6 =	vld [tilespmem:s28+$0x60];
	[tilespmem:s0+$0x10] =	vst v8;
	v4 =	vmul.f32 $2.771281240e+01, v4  }
0x18c: {  	v18 =	vld [tilespmem:s28+$0x1810];
	v8 =	vmul.f32 $2.771281240e+01, v17;
	v5 =	vadd.f32 v7, v5  }
0x18d: {  	v17 =	vld [tilespmem:s7+$0xFFFFD050];
	v10 =	vmul.f32 $2.771281240e+01, v10;
	v4 =	vadd.f32 v4, v21  }
0x18e: {  	s2 =	sadd.s32 $0x200, s0;
	v7 =	vadd.f32 v8, v12;
	v9 =	vmul.f32 $2.771281240e+01, v9;
	v8 =	vld [tilespmem:s11+$0xFFFFFFD0];
	[tilespmem:s0+$0xF0] =	vst v5  }
0x18f: {  	v19 =	vld [tilespmem:s28+$0x1820];
	v10 =	vadd.f32 v10, v11;
	[tilespmem:s2+$0xFFFFFF70] =	vst v4  }
0x190: {  	[tilespmem:s0+$0x30] =	vst v7;
	v5 =	vadd.f32 v9, v3;
	v6 =	vmul.f32 $2.771281240e+01, v6;
	v4 =	vmul.f32 $2.771281240e+01, v16;
	v16 =	vld [tilespmem:s7+$0xFFFFE870]  }
0x191: {  	v7 =	vld [tilespmem:s11+$0xFFFFFFE0];
	[tilespmem:s0+$0x40] =	vst v10;
	v10 =	vmul.f32 $2.771281240e+01, v22  }
0x192: {  	v18 =	vmul.f32 $2.771281240e+01, v18;
	[tilespmem:s0+$0x50] =	vst v5;
	v6 =	vadd.f32 v6, v2;
	v5 =	vld [tilespmem:s11+$0x0]  }
0x193: {  	v57 =	vadd.f32 v10, v8;
	v9 =	vadd.f32 v4, v14;
	v4 =	vld [tilespmem:s11+$0xFFFFFFF0]  }
0x194: {  	v56 =	vmul.f32 $2.771281240e+01, v23;
	v10 =	vld [tilespmem:s11+$0x10];
	v15 =	vadd.f32 v18, v15;
	[tilespmem:s0+$0x60] =	vst v6  }
0x195: {  	v6 =	vld [tilespmem:s11+$0xFFFFFFC0];
	[tilespmem:s2+$0xFFFFFF10] =	vst v57;
	v16 =	vmul.f32 $2.771281240e+01, v16  }
0x196: {  	v18 =	vmul.f32 $2.771281240e+01, v24;
	v22 =	vadd.f32 v56, v7;
	[tilespmem:s0+$0x90] =	vst v15;
	v23 =	vld [tilespmem:s7+$0xFFFFE810]  }
0x197: {  	v15 =	vmul.f32 $2.771281240e+01, v25;
	[tilespmem:s0+$0x0] =	vst v9;
	v9 =	vld [tilespmem:s11+$0x20];
	v16 =	vadd.f32 v16, v21  }
0x198: {  	v17 =	vmul.f32 $2.771281240e+01, v17;
	[tilespmem:s2+$0xFFFFFF20] =	vst v22;
	v58 =	vld [tilespmem:s28+$0x1800];
	v18 =	vadd.f32 v18, v4  }
0x199: {  	v20 =	vmul.f32 $2.771281240e+01, v20;
	v15 =	vadd.f32 v15, v5;
	[tilespmem:s2+$0xFFFFFFF0] =	vst v16;
	v16 =	vld [tilespmem:s7+$0xFFFFE820]  }
0x19a: {  	v59 =	vmul.f32 $2.771281240e+01, v26;
	v17 =	vadd.f32 v17, v10;
	[tilespmem:s2+$0xFFFFFF30] =	vst v18;
	v18 =	vld [tilespmem:s7+$0x70]  }
0x19b: {  	v19 =	vmul.f32 $2.771281240e+01, v19;
	v20 =	vadd.f32 v20, v6;
	[tilespmem:s2+$0xFFFFFF40] =	vst v15;
	v15 =	vld [tilespmem:s7+$0xFFFFE830]  }
0x19c: {  	[tilespmem:s2+$0xFFFFFF50] =	vst v17;
	v17 =	vld [tilespmem:s7+$0xFFFFE840];
	v23 =	vmul.f32 $2.771281240e+01, v23;
	v24 =	vadd.f32 v59, v9  }
0x19d: {  	v13 =	vadd.f32 v19, v13;
	[tilespmem:s2+$0xFFFFFF00] =	vst v20;
	v19 =	vld [tilespmem:s7+$0xFFFFE850];
	v20 =	vmul.f32 $2.771281240e+01, v58  }
0x19e: {  	v60 =	vld [tilespmem:s7+$0xFFFFE800];
	v23 =	vadd.f32 v23, v8;
	[tilespmem:s2+$0xFFFFFF60] =	vst v24;
	v16 =	vmul.f32 $2.771281240e+01, v16  }
0x19f: {  	[tilespmem:s0+$0xA0] =	vst v13;
	v13 =	vld [tilespmem:s7+$0xFFFFE860];
	v14 =	vadd.f32 v20, v14;
	v18 =	vmul.f32 $2.771281240e+01, v18  }
0x1a0: {  	[tilespmem:s2+$0xFFFFFF90] =	vst v23;
	v20 =	vld [tilespmem:s28+$0x1830];
	v15 =	vmul.f32 $2.771281240e+01, v15;
	v16 =	vadd.f32 v16, v7  }
0x1a1: {  	v17 =	vmul.f32 $2.771281240e+01, v17;
	v23 =	vld [tilespmem:s7+$0x10];
	[tilespmem:s0+$0x80] =	vst v14;
	v18 =	vadd.f32 v18, v21  }
0x1a2: {  	v14 =	vadd.f32 v15, v4;
	v15 =	vmul.f32 $2.771281240e+01, v19;
	[tilespmem:s2+$0xFFFFFFA0] =	vst v16;
	v16 =	vld [tilespmem:s28+$0x1840]  }
0x1a3: {  	v17 =	vadd.f32 v17, v5;
	v19 =	vmul.f32 $2.771281240e+01, v60;
	v61 =	vld [tilespmem:s7+$0x20];
	[tilespmem:s2+$0x70] =	vst v18  }
0x1a4: {  	v13 =	vmul.f32 $2.771281240e+01, v13;
	[tilespmem:s2+$0xFFFFFFB0] =	vst v14;
	v14 =	vadd.f32 v15, v10;
	v15 =	vld [tilespmem:s7+$0x1870]  }
0x1a5: {  	[tilespmem:s2+$0xFFFFFFC0] =	vst v17;
	v17 =	vmul.f32 $2.771281240e+01, v20;
	v18 =	vadd.f32 v19, v6;
	v19 =	vld [tilespmem:s7+$0x30]  }
0x1a6: {  	v62 =	vld [tilespmem:s7+$0x40];
	v20 =	vmul.f32 $2.771281240e+01, v23;
	v13 =	vadd.f32 v13, v9;
	[tilespmem:s2+$0xFFFFFFD0] =	vst v14  }
0x1a7: {  	v17 =	vadd.f32 v17, v12;
	[tilespmem:s2+$0xFFFFFF80] =	vst v18;
	v14 =	vld [tilespmem:s7+$0x50];
	v16 =	vmul.f32 $2.771281240e+01, v16  }
0x1a8: {  	v20 =	vadd.f32 v20, v8;
	[tilespmem:s2+$0xFFFFFFE0] =	vst v13;
	v18 =	vld [tilespmem:s7+$0x0];
	v22 =	vmul.f32 $2.771281240e+01, v61  }
0x1a9: {  	[tilespmem:s0+$0xB0] =	vst v17;
	v12 =	vld [tilespmem:s7+$0x60];
	v63 =	vmul.f32 $2.771281240e+01, v15;
	v11 =	vadd.f32 v16, v11  }
0x1aa: {  	[tilespmem:s2+$0x10] =	vst v20;
	v17 =	vmul.f32 $2.771281240e+01, v19;
	v15 =	vld [tilespmem:s28+$0x1850];
	v16 =	vadd.f32 v22, v7  }
0x1ab: {  	v20 =	vmul.f32 $2.771281240e+01, v62;
	v13 =	vld [tilespmem:s7+$0x1810];
	v21 =	vadd.f32 v63, v21;
	[tilespmem:s0+$0xC0] =	vst v11  }
0x1ac: {  	v11 =	vadd.f32 v17, v4;
	v17 =	vmul.f32 $2.771281240e+01, v14;
	[tilespmem:s2+$0x20] =	vst v16;
	v16 =	vld [tilespmem:s28+$0x1860]  }
0x1ad: {  	s13 =	simm.s32 $0x8;
	s12 =	smov.u32 s0;
	s14 =	sadd.s32 $0x400, s7;
	v19 =	vmul.f32 $2.771281240e+01, v18;
	v18 =	vadd.f32 v20, v5;
	v14 =	vld [tilespmem:s7+$0x1820];
	[tilespmem:s2+$0xF0] =	vst v21  }
.LBB2_7:
0x1ae: {  	v20 =	vld [tilespmem:s14+$0xFFFFD070];
	s13 =	sadd.s32 $0x8, s13;
	[tilespmem:s2+$0x30] =	vst v11;
	v17 =	vadd.f32 v17, v10;
	v12 =	vmul.f32 $2.771281240e+01, v12  }
0x1af: {  	s11 =	sadd.s32 $0x80, s11;
	v21 =	vld [tilespmem:s14+$0xFFFFD000];
	p0 =	slt.u32 s13, $0x28;
	v19 =	vadd.f32 v19, v6;
	[tilespmem:s2+$0x40] =	vst v18;
	v15 =	vmul.f32 $2.771281240e+01, v15  }
0x1b0: {  	v11 =	vld [tilespmem:s11+$0x30];
	v13 =	vmul.f32 $2.771281240e+01, v13;
	[tilespmem:s2+$0x50] =	vst v17;
	v12 =	vadd.f32 v12, v9  }
0x1b1: {  	v17 =	vld [tilespmem:s14+$0xFFFFD010];
	[tilespmem:s2+$0x0] =	vst v19;
	v15 =	vadd.f32 v15, v3;
	v16 =	vmul.f32 $2.771281240e+01, v16;
	v3 =	vmov v10  }
0x1b2: {  	v10 =	vld [tilespmem:s14+$0xFFFFD020];
	v8 =	vadd.f32 v13, v8;
	v13 =	vmul.f32 $2.771281240e+01, v14;
	[tilespmem:s2+$0x60] =	vst v12  }
0x1b3: {  	v12 =	vld [tilespmem:s14+$0xFFFFD030];
	v14 =	vmul.f32 $2.771281240e+01, v20;
	[tilespmem:s12+$0xD0] =	vst v15;
	v15 =	vadd.f32 v16, v2;
	v2 =	vmov v9  }
0x1b4: {  	v16 =	vmul.f32 $2.771281240e+01, v21;
	v9 =	vld [tilespmem:s14+$0xFFFFD040];
	[tilespmem:s2+$0x90] =	vst v8;
	v7 =	vadd.f32 v13, v7  }
0x1b5: {  	v13 =	vld [tilespmem:s14+$0xFFFFD050];
	v14 =	vadd.f32 v14, v11;
	[tilespmem:s12+$0xE0] =	vst v15;
	s12 =	smov.u32 s2  }
0x1b6: {  	s2 =	sadd.s32 $0x200, s2;
	v15 =	vmul.f32 $2.771281240e+01, v17;
	v17 =	vld [tilespmem:s14+$0xFFFFD060];
	[tilespmem:s12+$0xA0] =	vst v7  }
0x1b7: {  	v8 =	vld [tilespmem:s11+$0xFFFFFFD0];
	v18 =	vmul.f32 $2.771281240e+01, v10;
	[tilespmem:s2+$0xFFFFFF70] =	vst v14  }
0x1b8: {  	v12 =	vmul.f32 $2.771281240e+01, v12;
	v14 =	vld [tilespmem:s14+$0xFFFFE870]  }
0x1b9: {  	v7 =	vld [tilespmem:s11+$0xFFFFFFE0];
	v19 =	vmul.f32 $2.771281240e+01, v9  }
0x1ba: {  	v20 =	vld [tilespmem:s11+$0xFFFFFFF0];
	v13 =	vmul.f32 $2.771281240e+01, v13  }
0x1bb: {  	v21 =	vld [tilespmem:s11+$0x0];
	v17 =	vmul.f32 $2.771281240e+01, v17  }
0x1bc: {  	v15 =	vadd.f32 v15, v8;
	v10 =	vld [tilespmem:s11+$0x10]  }
0x1bd: {  	v9 =	vld [tilespmem:s11+$0x20];
	v14 =	vmul.f32 $2.771281240e+01, v14  }
0x1be: {  	v22 =	vld [tilespmem:s11+$0xFFFFFFC0];
	[tilespmem:s2+$0xFFFFFF10] =	vst v15;
	v15 =	vadd.f32 v18, v7  }
0x1bf: {  	v18 =	vld [tilespmem:s14+$0xFFFFE810];
	v12 =	vadd.f32 v12, v20;
	v14 =	vadd.f32 v14, v11  }
0x1c0: {  	[tilespmem:s2+$0xFFFFFF20] =	vst v15;
	v15 =	vadd.f32 v19, v21;
	v19 =	vld [tilespmem:s7+$0x1800]  }
0x1c1: {  	v23 =	vld [tilespmem:s14+$0xFFFFE820];
	v13 =	vadd.f32 v13, v10;
	[tilespmem:s2+$0xFFFFFFF0] =	vst v14  }
0x1c2: {  	[tilespmem:s2+$0xFFFFFF30] =	vst v12;
	v12 =	vadd.f32 v17, v9;
	v14 =	vld [tilespmem:s14+$0x70]  }
0x1c3: {  	v16 =	vadd.f32 v16, v22;
	v17 =	vld [tilespmem:s14+$0xFFFFE830];
	[tilespmem:s2+$0xFFFFFF40] =	vst v15  }
0x1c4: {  	v15 =	vmul.f32 $2.771281240e+01, v18;
	v18 =	vld [tilespmem:s14+$0xFFFFE840];
	[tilespmem:s2+$0xFFFFFF50] =	vst v13  }
0x1c5: {  	[tilespmem:s2+$0xFFFFFF00] =	vst v16;
	v13 =	vld [tilespmem:s14+$0xFFFFE850];
	v16 =	vmul.f32 $2.771281240e+01, v19  }
0x1c6: {  	v19 =	vld [tilespmem:s14+$0xFFFFE800];
	v15 =	vadd.f32 v15, v8;
	v23 =	vmul.f32 $2.771281240e+01, v23;
	[tilespmem:s2+$0xFFFFFF60] =	vst v12  }
0x1c7: {  	v12 =	vld [tilespmem:s14+$0xFFFFE860];
	v14 =	vmul.f32 $2.771281240e+01, v14;
	v16 =	vadd.f32 v16, v6;
	v6 =	vmov v22  }
0x1c8: {  	[tilespmem:s2+$0xFFFFFF90] =	vst v15;
	v15 =	vadd.f32 v23, v7;
	v17 =	vmul.f32 $2.771281240e+01, v17;
	v22 =	vld [tilespmem:s7+$0x1830]  }
0x1c9: {  	v23 =	vld [tilespmem:s14+$0x10];
	v18 =	vmul.f32 $2.771281240e+01, v18;
	v14 =	vadd.f32 v14, v11;
	[tilespmem:s12+$0x80] =	vst v16  }
0x1ca: {  	[tilespmem:s2+$0xFFFFFFA0] =	vst v15;
	v15 =	vadd.f32 v17, v20;
	v13 =	vmul.f32 $2.771281240e+01, v13;
	v16 =	vld [tilespmem:s7+$0x1840]  }
0x1cb: {  	v17 =	vmul.f32 $2.771281240e+01, v19;
	v19 =	vld [tilespmem:s14+$0x20];
	v18 =	vadd.f32 v18, v21;
	[tilespmem:s2+$0x70] =	vst v14  }
0x1cc: {  	[tilespmem:s2+$0xFFFFFFB0] =	vst v15;
	v13 =	vadd.f32 v13, v10;
	v12 =	vmul.f32 $2.771281240e+01, v12;
	v14 =	vld [tilespmem:s14+$0x1870]  }
0x1cd: {  	v15 =	vadd.f32 v17, v6;
	v17 =	vld [tilespmem:s14+$0x30];
	[tilespmem:s2+$0xFFFFFFC0] =	vst v18;
	v18 =	vmul.f32 $2.771281240e+01, v22  }
0x1ce: {  	v22 =	vmul.f32 $2.771281240e+01, v23;
	v23 =	vld [tilespmem:s14+$0x40];
	[tilespmem:s2+$0xFFFFFFD0] =	vst v13;
	v12 =	vadd.f32 v12, v9  }
0x1cf: {  	[tilespmem:s2+$0xFFFFFF80] =	vst v15;
	v24 =	vld [tilespmem:s14+$0x50];
	v13 =	vadd.f32 v18, v4;
	v15 =	vmul.f32 $2.771281240e+01, v16;
	v4 =	vmov v20  }
0x1d0: {  	v18 =	vld [tilespmem:s14+$0x0];
	v16 =	vadd.f32 v22, v8;
	v19 =	vmul.f32 $2.771281240e+01, v19;
	[tilespmem:s2+$0xFFFFFFE0] =	vst v12  }
.Ltmp2:
0x1d1: {  	v12 =	vld [tilespmem:s14+$0x60];
	v14 =	vmul.f32 $2.771281240e+01, v14;
	[tilespmem:s12+$0xB0] =	vst v13;
	v20 =	vadd.f32 v15, v5;
	v5 =	vmov v21;
	(pc) =	sbr.rel @p0 .LBB2_7-.Ltmp2, $4  }
0x1d2: {  	[tilespmem:s2+$0x10] =	vst v16;
	v16 =	vadd.f32 v19, v7;
	v17 =	vmul.f32 $2.771281240e+01, v17;
	v15 =	vld [tilespmem:s7+$0x1850]  }
0x1d3: {  	v13 =	vld [tilespmem:s14+$0x1810];
	v21 =	vmul.f32 $2.771281240e+01, v23;
	v22 =	vadd.f32 v14, v11;
	[tilespmem:s12+$0xC0] =	vst v20  }
0x1d4: {  	[tilespmem:s2+$0x20] =	vst v16;
	v11 =	vadd.f32 v17, v4;
	v17 =	vmul.f32 $2.771281240e+01, v24;
	v16 =	vld [tilespmem:s7+$0x1860];
	s7 =	smov.u32 s14  }
0x1d5: {  	s14 =	sadd.s32 $0x400, s14;
	v19 =	vmul.f32 $2.771281240e+01, v18;
	v14 =	vld [tilespmem:s7+$0x1820];
	v18 =	vadd.f32 v21, v5;
	[tilespmem:s2+$0xF0] =	vst v22  }
0x1d6: {  	_ = 	snop  }
0x1d7: {  	v19 =	vadd.f32 v19, v6;
	_ =	sdelay $0x1  }
0x1d8: {  	v12 =	vmul.f32 $2.771281240e+01, v12;
	[tilespmem:s2+$0x0] =	vst v19  }
0x1d9: {  	[tilespmem:s2+$0x30] =	vst v11;
	v53 =	vadd.f32 v17, v10;
	v54 =	vld [tilespmem:s7+$0x1800]  }
0x1da: {  	[tilespmem:s2+$0x40] =	vst v18;
	v15 =	vmul.f32 $2.771281240e+01, v15;
	v55 =	vld [tilespmem:s7+$0x1830];
	v12 =	vadd.f32 v12, v9  }
0x1db: {  	v13 =	vmul.f32 $2.771281240e+01, v13;
	[tilespmem:s2+$0x50] =	vst v53;
	v56 =	vld [tilespmem:s7+$0x1840]  }
0x1dc: {  	v3 =	vadd.f32 v15, v3;
	v57 =	vmul.f32 $2.771281240e+01, v16;
	v58 =	vld [tilespmem:s7+$0x1850];
	[tilespmem:s2+$0x60] =	vst v12  }
0x1dd: {  	v8 =	vadd.f32 v13, v8;
	v59 =	vmul.f32 $2.771281240e+01, v14;
	v60 =	vld [tilespmem:s7+$0x1860]  }
0x1de: {  	[tilespmem:s12+$0xD0] =	vst v3;
	v2 =	vadd.f32 v57, v2;
	v3 =	vmul.f32 $2.771281240e+01, v54  }
0x1df: {  	[tilespmem:s2+$0x90] =	vst v8;
	v7 =	vadd.f32 v59, v7;
	v61 =	vmul.f32 $2.771281240e+01, v55  }
0x1e0: {  	s21 =	sadd.s32 $0x1, s21;
	[tilespmem:s12+$0xE0] =	vst v2;
	v2 =	vadd.f32 v3, v6;
	v3 =	vmul.f32 $2.771281240e+01, v56  }
0x1e1: {  	p0 =	sne.s32 s21, $0x8;
	[tilespmem:s2+$0xA0] =	vst v7;
	v4 =	vadd.f32 v61, v4;
	v62 =	vmul.f32 $2.771281240e+01, v58  }
.Ltmp3:
0x1e2: {  	[tilespmem:s2+$0x80] =	vst v2;
	v2 =	vadd.f32 v3, v5;
	v3 =	vmul.f32 $2.771281240e+01, v60;
	(pc) =	sbr.rel @p0 .LBB2_6-.Ltmp3, $4  }
0x1e3: {  	[tilespmem:s2+$0xB0] =	vst v4;
	v63 =	vadd.f32 v62, v10  }
0x1e4: {  	[tilespmem:s2+$0xC0] =	vst v2;
	v2 =	vadd.f32 v3, v9  }
0x1e5: {  	[tilespmem:s2+$0xD0] =	vst v63  }
0x1e6: {  	s28 =	sadd.s32 $0x80, s28;
	s29 =	sadd.s32 $0x300, s29;
	s0 =	sadd.s32 $0xC00, s0;
	[tilespmem:s2+$0xE0] =	vst v2  }
0x1e7: {  	s0 =	rddreg [dreg:$0xa];
	s28 =	simm.s32 $0x1  }
0x1e8: {  	[hbm4b:s0+s5] =	stream.linear.scatter [tilespmem:s24], [sflag:$0x6], $0x6000, $0x38;
	[tilespmem:$0x1B200] =	vst v63  }
.LBB2_10:
0x1e9: {  	s0 =	sshllo.u32 s28, $0x1  }
0x1ea: {  	s2 =	sshll.u32 s0, $0x5  }
0x1eb: {  	s2 =	sadd.s32 s6, s2  }
0x1ec: {  	s29 =	sshrl.u32 s2, $0x2  }
0x1ed: {  	s2 =	smul.u32 $0x60, s29  }
0x1ee: {  	s21 =	simm.s32 $0x0  }
0x1ef: {  	s7 =	simm.s32 $0x19A00;
	s0 =	sshll.u32 s0, $0x3;
	s2 =	sadd.s32 s3, s2  }
0x1f0: {  	[tilespmem:s7], [sflag:$0x4] =	stream.linear.gather [hbm4b:s2+s21], $0x1800, $0x38;
	[tilespmem:$0x1B200] =	vst v63  }
0x1f1: {  	v2 =	vld.msk [tilespmem:s0+$0x0], $0xff;
	_ =	sdelay $0x4  }
0x1f2: {  	v3 =	vshrl.u32 v2, $0x3  }
0x1f3: {  	v3 =	vmul.u32 $0x30, v3  }
0x1f4: {  	v2 =	vand.u32 $0x7, v2  }
0x1f5: {  	v2 =	vor.u32 v2, v3  }
0x1f6: {  	v2 =	vperm.xlane v2, v0;
	_ =	sdelay $0x1  }
0x1f7: {  	v2 =	vadd.s32 v1, v2;
	_ =	sdelay $0x3  }
0x1f8: {  	s13 =	simm.s32 $0x6200  }
0x1f9: {  	[tilespmem:s13], [sflag:$0x2] =	stream.indirect_vreg.gather [hbm4b:s1+s21], $0x80, v2, vm0, $0xb8;
	[tilespmem:$0x1B200] =	vst v63  }
0x1fa: {  	s14 =	simm.s32 $0x6A00  }
0x1fb: {  	[tilespmem:s14], [sflag:$0x2] =	stream.indirect_vreg.gather [hbm4b:s9+s21], $0x80, v2, vm0, $0xb8;
	[tilespmem:$0x1B200] =	vst v63  }
0x1fc: {  	s15 =	simm.s32 $0x7200  }
0x1fd: {  	[tilespmem:s15], [sflag:$0x2] =	stream.indirect_vreg.gather [hbm4b:s10+s21], $0x80, v2, vm0, $0xb8;
	[tilespmem:$0x1B200] =	vst v63  }
0x1fe: {  	v2 =	vld.msk [tilespmem:s0+$0x80], $0xff;
	_ =	sdelay $0x4  }
0x1ff: {  	v3 =	vshrl.u32 v2, $0x3  }
0x200: {  	v3 =	vmul.u32 $0x30, v3  }
0x201: {  	v2 =	vand.u32 $0x7, v2  }
0x202: {  	v2 =	vor.u32 v2, v3  }
0x203: {  	v2 =	vperm.xlane v2, v0;
	_ =	sdelay $0x1  }
0x204: {  	v2 =	vadd.s32 v1, v2;
	_ =	sdelay $0x3  }
0x205: {  	s7 =	simm.s32 $0x7A00  }
0x206: {  	[tilespmem:s7], [sflag:$0x2] =	stream.indirect_vreg.gather [hbm4b:s1+s21], $0x80, v2, vm0, $0xb8;
	[tilespmem:$0x1B200] =	vst v63  }
0x207: {  	s11 =	simm.s32 $0x8200  }
0x208: {  	[tilespmem:s11], [sflag:$0x2] =	stream.indirect_vreg.gather [hbm4b:s9+s21], $0x80, v2, vm0, $0xb8;
	[tilespmem:$0x1B200] =	vst v63  }
0x209: {  	s12 =	simm.s32 $0x8A00  }
0x20a: {  	[tilespmem:s12], [sflag:$0x2] =	stream.indirect_vreg.gather [hbm4b:s10+s21], $0x80, v2, vm0, $0xb8;
	[tilespmem:$0x1B200] =	vst v63  }
0x20b: {  	v2 =	vld.msk [tilespmem:s0+$0x100], $0xff;
	_ =	sdelay $0x4  }
0x20c: {  	v3 =	vshrl.u32 v2, $0x3  }
0x20d: {  	v3 =	vmul.u32 $0x30, v3  }
0x20e: {  	v2 =	vand.u32 $0x7, v2  }
0x20f: {  	v2 =	vor.u32 v2, v3  }
0x210: {  	v2 =	vperm.xlane v2, v0;
	_ =	sdelay $0x1  }
0x211: {  	v2 =	vadd.s32 v1, v2;
	_ =	sdelay $0x3  }
0x212: {  	s13 =	simm.s32 $0x9200  }
0x213: {  	[tilespmem:s13], [sflag:$0x2] =	stream.indirect_vreg.gather [hbm4b:s1+s21], $0x80, v2, vm0, $0xb8;
	[tilespmem:$0x1B200] =	vst v63  }
0x214: {  	s14 =	simm.s32 $0x9A00  }
0x215: {  	[tilespmem:s14], [sflag:$0x2] =	stream.indirect_vreg.gather [hbm4b:s9+s21], $0x80, v2, vm0, $0xb8;
	[tilespmem:$0x1B200] =	vst v63  }
0x216: {  	s15 =	simm.s32 $0xA200  }
0x217: {  	[tilespmem:s15], [sflag:$0x2] =	stream.indirect_vreg.gather [hbm4b:s10+s21], $0x80, v2, vm0, $0xb8;
	[tilespmem:$0x1B200] =	vst v63  }
0x218: {  	v2 =	vld.msk [tilespmem:s0+$0x180], $0xff;
	_ =	sdelay $0x4  }
0x219: {  	v3 =	vshrl.u32 v2, $0x3  }
0x21a: {  	v3 =	vmul.u32 $0x30, v3  }
0x21b: {  	v2 =	vand.u32 $0x7, v2  }
0x21c: {  	v2 =	vor.u32 v2, v3  }
0x21d: {  	v2 =	vperm.xlane v2, v0;
	_ =	sdelay $0x1  }
0x21e: {  	v2 =	vadd.s32 v1, v2;
	_ =	sdelay $0x4  }
0x21f: {  	[tilespmem:s8], [sflag:$0x2] =	stream.indirect_vreg.gather [hbm4b:s1+s21], $0x80, v2, vm0, $0xb8;
	[tilespmem:$0x1B200] =	vst v63  }
0x220: {  	_ = 	snop  }
0x221: {  	[tilespmem:s16], [sflag:$0x2] =	stream.indirect_vreg.gather [hbm4b:s9+s21], $0x80, v2, vm0, $0xb8;
	[tilespmem:$0x1B200] =	vst v63  }
0x222: {  	_ = 	snop  }
0x223: {  	[tilespmem:s17], [sflag:$0x2] =	stream.indirect_vreg.gather [hbm4b:s10+s21], $0x80, v2, vm0, $0xb8;
	[tilespmem:$0x1B200] =	vst v63  }
0x224: {  	_ =	swait.ge [sflag:s18], $0x1800  }
0x225: {  	[sflag:s18] =	ssyncset.done $0x0  }
0x226: {  	[sflag:s18] =	ssyncadd.s32 $0xFFFFE800  }
0x227: {  	_ =	swait.ge [sflag:s18], $0x1800  }
0x228: {  	[sflag:s18] =	ssyncset.done $0x0  }
0x229: {  	[sflag:s18] =	ssyncadd.s32 $0xFFFFE800  }
0x22a: {  	_ =	swait.ge [sflag:s18], $0x1800  }
0x22b: {  	[sflag:s18] =	ssyncset.done $0x0  }
0x22c: {  	[sflag:s18] =	ssyncadd.s32 $0xFFFFE800  }
0x22d: {  	_ =	swait.ge [sflag:s18], $0x1800  }
0x22e: {  	[sflag:s18] =	ssyncset.done $0x0  }
0x22f: {  	[sflag:s18] =	ssyncadd.s32 $0xFFFFE800  }
0x230: {  	_ =	swait.ge [sflag:s19], $0x1800  }
0x231: {  	[sflag:s19] =	ssyncset.done $0x0  }
0x232: {  	[sflag:s19] =	ssyncadd.s32 $0xFFFFE800  }
0x233: {  	_ =	swait.ge [sflag:s25], $0x6000  }
0x234: {  	s30 =	sshll.u32 s28, $0x1;
	s31 =	simm.s32 $0x3200;
	[sflag:s25] =	ssyncset.done $0x0  }
0x235: {  	s13 =	simm.s32 $0xC300;
	s0 =	simm.s32 $0x18240;
	[sflag:s25] =	ssyncadd.s32 $0xFFFFA000  }
.LBB2_11:
0x236: {  	v2 =	vld [tilespmem:s31+$0xFFFFD070]  }
0x237: {  	v4 =	vld [tilespmem:s31+$0xFFFFD000]  }
0x238: {  	v5 =	vld [tilespmem:s0+$0x30]  }
0x239: {  	v3 =	vld [tilespmem:s31+$0xFFFFD010]  }
0x23a: {  	v6 =	vld [tilespmem:s31+$0xFFFFD020]  }
0x23b: {  	v7 =	vld [tilespmem:s31+$0xFFFFD030]  }
0x23c: {  	v8 =	vld [tilespmem:s31+$0xFFFFD040];
	v2 =	vmul.f32 $2.771281240e+01, v2  }
0x23d: {  	v9 =	vld [tilespmem:s31+$0xFFFFD050]  }
0x23e: {  	v15 =	vld [tilespmem:s0+$0xFFFFFFD0];
	v2 =	vadd.f32 v2, v5  }
0x23f: {  	v10 =	vld [tilespmem:s31+$0xFFFFD060]  }
0x240: {  	v13 =	vld [tilespmem:s0+$0xFFFFFFE0];
	[tilespmem:s13+$0xFFFFFF70] =	vst v2  }
0x241: {  	v2 =	vmul.f32 $2.771281240e+01, v3;
	v14 =	vld [tilespmem:s31+$0xFFFFE870]  }
0x242: {  	v12 =	vld [tilespmem:s0+$0xFFFFFFF0]  }
0x243: {  	v11 =	vld [tilespmem:s0+$0x0];
	v6 =	vmul.f32 $2.771281240e+01, v6;
	v16 =	vadd.f32 v2, v15  }
0x244: {  	v3 =	vld [tilespmem:s0+$0x10]  }
0x245: {  	v6 =	vadd.f32 v6, v13;
	v2 =	vld [tilespmem:s0+$0x20];
	[tilespmem:s13+$0xFFFFFF10] =	vst v16  }
0x246: {  	v7 =	vmul.f32 $2.771281240e+01, v7;
	v16 =	vld [tilespmem:s31+$0xFFFFE810];
	v17 =	vmul.f32 $2.771281240e+01, v14  }
0x247: {  	[tilespmem:s13+$0xFFFFFF20] =	vst v6;
	v14 =	vld [tilespmem:s0+$0xFFFFFFC0]  }
0x248: {  	v7 =	vadd.f32 v7, v12;
	v6 =	vmul.f32 $2.771281240e+01, v8;
	v8 =	vadd.f32 v17, v5;
	v17 =	vld [tilespmem:s31+$0xFFFFE820]  }
0x249: {  	v9 =	vmul.f32 $2.771281240e+01, v9  }
0x24a: {  	s11 =	sadd.s32 $0x400, s31;
	v4 =	vmul.f32 $2.771281240e+01, v4;
	[tilespmem:s13+$0xFFFFFF30] =	vst v7;
	v6 =	vadd.f32 v6, v11  }
0x24b: {  	v20 =	vld [tilespmem:s11+$0xFFFFD000];
	v9 =	vadd.f32 v9, v3;
	[tilespmem:s13+$0xFFFFFFF0] =	vst v8;
	v8 =	vmul.f32 $2.771281240e+01, v10  }
0x24c: {  	[tilespmem:s13+$0xFFFFFF40] =	vst v6;
	v10 =	vld [tilespmem:s31+$0xFFFFE830];
	v6 =	vmul.f32 $2.771281240e+01, v16;
	v4 =	vadd.f32 v4, v14  }
0x24d: {  	[tilespmem:s13+$0xFFFFFF50] =	vst v9;
	v16 =	vld [tilespmem:s31+$0xFFFFE840];
	v8 =	vadd.f32 v8, v2;
	v9 =	vmul.f32 $2.771281240e+01, v17  }
0x24e: {  	v6 =	vadd.f32 v6, v15;
	[tilespmem:s13+$0xFFFFFF00] =	vst v4;
	v4 =	vld [tilespmem:s31+$0xFFFFE850]  }
0x24f: {  	v7 =	vld [tilespmem:s31+$0x70];
	[tilespmem:s13+$0xFFFFFF60] =	vst v8;
	v8 =	vadd.f32 v9, v13  }
0x250: {  	s12 =	sadd.s32 $0x80, s0;
	[tilespmem:s13+$0xFFFFFF90] =	vst v6;
	v9 =	vld [tilespmem:s31+$0xFFFFE860]  }
0x251: {  	v21 =	vld [tilespmem:s12+$0x30];
	v6 =	vmul.f32 $2.771281240e+01, v10;
	[tilespmem:s13+$0xFFFFFFA0] =	vst v8  }
0x252: {  	v8 =	vmul.f32 $2.771281240e+01, v16;
	v16 =	vld [tilespmem:s31+$0x20]  }
0x253: {  	v22 =	vld [tilespmem:s11+$0xFFFFD010];
	v6 =	vadd.f32 v6, v12;
	v4 =	vmul.f32 $2.771281240e+01, v4  }
0x254: {  	v23 =	vld [tilespmem:s11+$0xFFFFD020];
	v7 =	vmul.f32 $2.771281240e+01, v7  }
0x255: {  	v17 =	vld [tilespmem:s31+$0xFFFFE800];
	[tilespmem:s13+$0xFFFFFFB0] =	vst v6;
	v4 =	vadd.f32 v4, v3;
	v6 =	vmul.f32 $2.771281240e+01, v9  }
0x256: {  	v24 =	vld [tilespmem:s11+$0xFFFFD030];
	v7 =	vadd.f32 v7, v5  }
0x257: {  	v10 =	vld [tilespmem:s31+$0x10];
	[tilespmem:s13+$0xFFFFFFD0] =	vst v4;
	v4 =	vadd.f32 v6, v2;
	v6 =	vmul.f32 $2.771281240e+01, v16  }
0x258: {  	v25 =	vld [tilespmem:s11+$0xFFFFD040];
	[tilespmem:s13+$0x70] =	vst v7  }
0x259: {  	v26 =	vld [tilespmem:s11+$0xFFFFD060];
	[tilespmem:s13+$0xFFFFFFE0] =	vst v4;
	v4 =	vadd.f32 v6, v13  }
0x25a: {  	v17 =	vmul.f32 $2.771281240e+01, v17;
	v8 =	vadd.f32 v8, v11;
	v7 =	vld [tilespmem:s31+$0x1870]  }
0x25b: {  	[tilespmem:s13+$0x20] =	vst v4;
	v4 =	vld [tilespmem:s11+$0xFFFFD070]  }
0x25c: {  	v9 =	vadd.f32 v17, v14;
	v17 =	vld [tilespmem:s31+$0x30];
	[tilespmem:s13+$0xFFFFFFC0] =	vst v8;
	v8 =	vmul.f32 $2.771281240e+01, v10  }
0x25d: {  	v10 =	vld [tilespmem:s31+$0x40]  }
0x25e: {  	[tilespmem:s13+$0xFFFFFF80] =	vst v9;
	v9 =	vld [tilespmem:s31+$0x50];
	v8 =	vadd.f32 v8, v15  }
0x25f: {  	v16 =	vld [tilespmem:s31+$0x0];
	v7 =	vmul.f32 $2.771281240e+01, v7  }
0x260: {  	v6 =	vld [tilespmem:s31+$0x60];
	[tilespmem:s13+$0x10] =	vst v8;
	v4 =	vmul.f32 $2.771281240e+01, v4  }
0x261: {  	v18 =	vld [tilespmem:s31+$0x1810];
	v8 =	vmul.f32 $2.771281240e+01, v17;
	v5 =	vadd.f32 v7, v5  }
0x262: {  	v17 =	vld [tilespmem:s11+$0xFFFFD050];
	v10 =	vmul.f32 $2.771281240e+01, v10;
	v4 =	vadd.f32 v4, v21  }
0x263: {  	s7 =	sadd.s32 $0x200, s13;
	v7 =	vadd.f32 v8, v12;
	v9 =	vmul.f32 $2.771281240e+01, v9;
	v8 =	vld [tilespmem:s12+$0xFFFFFFD0];
	[tilespmem:s13+$0xF0] =	vst v5  }
0x264: {  	v19 =	vld [tilespmem:s31+$0x1820];
	v10 =	vadd.f32 v10, v11;
	[tilespmem:s7+$0xFFFFFF70] =	vst v4  }
0x265: {  	[tilespmem:s13+$0x30] =	vst v7;
	v5 =	vadd.f32 v9, v3;
	v6 =	vmul.f32 $2.771281240e+01, v6;
	v4 =	vmul.f32 $2.771281240e+01, v16;
	v16 =	vld [tilespmem:s11+$0xFFFFE870]  }
0x266: {  	v7 =	vld [tilespmem:s12+$0xFFFFFFE0];
	[tilespmem:s13+$0x40] =	vst v10;
	v10 =	vmul.f32 $2.771281240e+01, v22  }
0x267: {  	v18 =	vmul.f32 $2.771281240e+01, v18;
	[tilespmem:s13+$0x50] =	vst v5;
	v6 =	vadd.f32 v6, v2;
	v5 =	vld [tilespmem:s12+$0x0]  }
0x268: {  	v57 =	vadd.f32 v10, v8;
	v9 =	vadd.f32 v4, v14;
	v4 =	vld [tilespmem:s12+$0xFFFFFFF0]  }
0x269: {  	v56 =	vmul.f32 $2.771281240e+01, v23;
	v10 =	vld [tilespmem:s12+$0x10];
	v15 =	vadd.f32 v18, v15;
	[tilespmem:s13+$0x60] =	vst v6  }
0x26a: {  	v6 =	vld [tilespmem:s12+$0xFFFFFFC0];
	[tilespmem:s7+$0xFFFFFF10] =	vst v57;
	v16 =	vmul.f32 $2.771281240e+01, v16  }
0x26b: {  	v18 =	vmul.f32 $2.771281240e+01, v24;
	v22 =	vadd.f32 v56, v7;
	[tilespmem:s13+$0x90] =	vst v15;
	v23 =	vld [tilespmem:s11+$0xFFFFE810]  }
0x26c: {  	v15 =	vmul.f32 $2.771281240e+01, v25;
	[tilespmem:s13+$0x0] =	vst v9;
	v9 =	vld [tilespmem:s12+$0x20];
	v16 =	vadd.f32 v16, v21  }
0x26d: {  	v17 =	vmul.f32 $2.771281240e+01, v17;
	[tilespmem:s7+$0xFFFFFF20] =	vst v22;
	v58 =	vld [tilespmem:s31+$0x1800];
	v18 =	vadd.f32 v18, v4  }
0x26e: {  	v20 =	vmul.f32 $2.771281240e+01, v20;
	v15 =	vadd.f32 v15, v5;
	[tilespmem:s7+$0xFFFFFFF0] =	vst v16;
	v16 =	vld [tilespmem:s11+$0xFFFFE820]  }
0x26f: {  	v59 =	vmul.f32 $2.771281240e+01, v26;
	v17 =	vadd.f32 v17, v10;
	[tilespmem:s7+$0xFFFFFF30] =	vst v18;
	v18 =	vld [tilespmem:s11+$0x70]  }
0x270: {  	v19 =	vmul.f32 $2.771281240e+01, v19;
	v20 =	vadd.f32 v20, v6;
	[tilespmem:s7+$0xFFFFFF40] =	vst v15;
	v15 =	vld [tilespmem:s11+$0xFFFFE830]  }
0x271: {  	[tilespmem:s7+$0xFFFFFF50] =	vst v17;
	v17 =	vld [tilespmem:s11+$0xFFFFE840];
	v23 =	vmul.f32 $2.771281240e+01, v23;
	v24 =	vadd.f32 v59, v9  }
0x272: {  	v13 =	vadd.f32 v19, v13;
	[tilespmem:s7+$0xFFFFFF00] =	vst v20;
	v19 =	vld [tilespmem:s11+$0xFFFFE850];
	v20 =	vmul.f32 $2.771281240e+01, v58  }
0x273: {  	v60 =	vld [tilespmem:s11+$0xFFFFE800];
	v23 =	vadd.f32 v23, v8;
	[tilespmem:s7+$0xFFFFFF60] =	vst v24;
	v16 =	vmul.f32 $2.771281240e+01, v16  }
0x274: {  	[tilespmem:s13+$0xA0] =	vst v13;
	v13 =	vld [tilespmem:s11+$0xFFFFE860];
	v14 =	vadd.f32 v20, v14;
	v18 =	vmul.f32 $2.771281240e+01, v18  }
0x275: {  	[tilespmem:s7+$0xFFFFFF90] =	vst v23;
	v20 =	vld [tilespmem:s31+$0x1830];
	v15 =	vmul.f32 $2.771281240e+01, v15;
	v16 =	vadd.f32 v16, v7  }
0x276: {  	v17 =	vmul.f32 $2.771281240e+01, v17;
	v23 =	vld [tilespmem:s11+$0x10];
	[tilespmem:s13+$0x80] =	vst v14;
	v18 =	vadd.f32 v18, v21  }
0x277: {  	v14 =	vadd.f32 v15, v4;
	v15 =	vmul.f32 $2.771281240e+01, v19;
	[tilespmem:s7+$0xFFFFFFA0] =	vst v16;
	v16 =	vld [tilespmem:s31+$0x1840]  }
0x278: {  	v17 =	vadd.f32 v17, v5;
	v19 =	vmul.f32 $2.771281240e+01, v60;
	v61 =	vld [tilespmem:s11+$0x20];
	[tilespmem:s7+$0x70] =	vst v18  }
0x279: {  	v13 =	vmul.f32 $2.771281240e+01, v13;
	[tilespmem:s7+$0xFFFFFFB0] =	vst v14;
	v14 =	vadd.f32 v15, v10;
	v15 =	vld [tilespmem:s11+$0x1870]  }
0x27a: {  	[tilespmem:s7+$0xFFFFFFC0] =	vst v17;
	v17 =	vmul.f32 $2.771281240e+01, v20;
	v18 =	vadd.f32 v19, v6;
	v19 =	vld [tilespmem:s11+$0x30]  }
0x27b: {  	v62 =	vld [tilespmem:s11+$0x40];
	v20 =	vmul.f32 $2.771281240e+01, v23;
	v13 =	vadd.f32 v13, v9;
	[tilespmem:s7+$0xFFFFFFD0] =	vst v14  }
0x27c: {  	v17 =	vadd.f32 v17, v12;
	[tilespmem:s7+$0xFFFFFF80] =	vst v18;
	v14 =	vld [tilespmem:s11+$0x50];
	v16 =	vmul.f32 $2.771281240e+01, v16  }
0x27d: {  	v20 =	vadd.f32 v20, v8;
	[tilespmem:s7+$0xFFFFFFE0] =	vst v13;
	v18 =	vld [tilespmem:s11+$0x0];
	v22 =	vmul.f32 $2.771281240e+01, v61  }
0x27e: {  	[tilespmem:s13+$0xB0] =	vst v17;
	v12 =	vld [tilespmem:s11+$0x60];
	v63 =	vmul.f32 $2.771281240e+01, v15;
	v11 =	vadd.f32 v16, v11  }
0x27f: {  	[tilespmem:s7+$0x10] =	vst v20;
	v17 =	vmul.f32 $2.771281240e+01, v19;
	v15 =	vld [tilespmem:s31+$0x1850];
	v16 =	vadd.f32 v22, v7  }
0x280: {  	v20 =	vmul.f32 $2.771281240e+01, v62;
	v13 =	vld [tilespmem:s11+$0x1810];
	v21 =	vadd.f32 v63, v21;
	[tilespmem:s13+$0xC0] =	vst v11  }
0x281: {  	v11 =	vadd.f32 v17, v4;
	v17 =	vmul.f32 $2.771281240e+01, v14;
	[tilespmem:s7+$0x20] =	vst v16;
	v16 =	vld [tilespmem:s31+$0x1860]  }
0x282: {  	s14 =	simm.s32 $0x8;
	s2 =	smov.u32 s13;
	s15 =	sadd.s32 $0x400, s11;
	v19 =	vmul.f32 $2.771281240e+01, v18;
	v18 =	vadd.f32 v20, v5;
	v14 =	vld [tilespmem:s11+$0x1820];
	[tilespmem:s7+$0xF0] =	vst v21  }
.LBB2_12:
0x283: {  	v20 =	vld [tilespmem:s15+$0xFFFFD070];
	s14 =	sadd.s32 $0x8, s14;
	[tilespmem:s7+$0x30] =	vst v11;
	v17 =	vadd.f32 v17, v10;
	v12 =	vmul.f32 $2.771281240e+01, v12  }
0x284: {  	s12 =	sadd.s32 $0x80, s12;
	v21 =	vld [tilespmem:s15+$0xFFFFD000];
	p0 =	slt.u32 s14, $0x28;
	v19 =	vadd.f32 v19, v6;
	[tilespmem:s7+$0x40] =	vst v18;
	v15 =	vmul.f32 $2.771281240e+01, v15  }
0x285: {  	v11 =	vld [tilespmem:s12+$0x30];
	v13 =	vmul.f32 $2.771281240e+01, v13;
	[tilespmem:s7+$0x50] =	vst v17;
	v12 =	vadd.f32 v12, v9  }
0x286: {  	v17 =	vld [tilespmem:s15+$0xFFFFD010];
	[tilespmem:s7+$0x0] =	vst v19;
	v15 =	vadd.f32 v15, v3;
	v16 =	vmul.f32 $2.771281240e+01, v16;
	v3 =	vmov v10  }
0x287: {  	v10 =	vld [tilespmem:s15+$0xFFFFD020];
	v8 =	vadd.f32 v13, v8;
	v13 =	vmul.f32 $2.771281240e+01, v14;
	[tilespmem:s7+$0x60] =	vst v12  }
0x288: {  	v12 =	vld [tilespmem:s15+$0xFFFFD030];
	v14 =	vmul.f32 $2.771281240e+01, v20;
	[tilespmem:s2+$0xD0] =	vst v15;
	v15 =	vadd.f32 v16, v2;
	v2 =	vmov v9  }
0x289: {  	v16 =	vmul.f32 $2.771281240e+01, v21;
	v9 =	vld [tilespmem:s15+$0xFFFFD040];
	[tilespmem:s7+$0x90] =	vst v8;
	v7 =	vadd.f32 v13, v7  }
0x28a: {  	v13 =	vld [tilespmem:s15+$0xFFFFD050];
	v14 =	vadd.f32 v14, v11;
	[tilespmem:s2+$0xE0] =	vst v15;
	s2 =	smov.u32 s7  }
0x28b: {  	s7 =	sadd.s32 $0x200, s7;
	v15 =	vmul.f32 $2.771281240e+01, v17;
	v17 =	vld [tilespmem:s15+$0xFFFFD060];
	[tilespmem:s2+$0xA0] =	vst v7  }
0x28c: {  	v8 =	vld [tilespmem:s12+$0xFFFFFFD0];
	v18 =	vmul.f32 $2.771281240e+01, v10;
	[tilespmem:s7+$0xFFFFFF70] =	vst v14  }
0x28d: {  	v12 =	vmul.f32 $2.771281240e+01, v12;
	v14 =	vld [tilespmem:s15+$0xFFFFE870]  }
0x28e: {  	v7 =	vld [tilespmem:s12+$0xFFFFFFE0];
	v19 =	vmul.f32 $2.771281240e+01, v9  }
0x28f: {  	v20 =	vld [tilespmem:s12+$0xFFFFFFF0];
	v13 =	vmul.f32 $2.771281240e+01, v13  }
0x290: {  	v21 =	vld [tilespmem:s12+$0x0];
	v17 =	vmul.f32 $2.771281240e+01, v17  }
0x291: {  	v15 =	vadd.f32 v15, v8;
	v10 =	vld [tilespmem:s12+$0x10]  }
0x292: {  	v9 =	vld [tilespmem:s12+$0x20];
	v14 =	vmul.f32 $2.771281240e+01, v14  }
0x293: {  	v22 =	vld [tilespmem:s12+$0xFFFFFFC0];
	[tilespmem:s7+$0xFFFFFF10] =	vst v15;
	v15 =	vadd.f32 v18, v7  }
0x294: {  	v18 =	vld [tilespmem:s15+$0xFFFFE810];
	v12 =	vadd.f32 v12, v20;
	v14 =	vadd.f32 v14, v11  }
0x295: {  	[tilespmem:s7+$0xFFFFFF20] =	vst v15;
	v15 =	vadd.f32 v19, v21;
	v19 =	vld [tilespmem:s11+$0x1800]  }
0x296: {  	v23 =	vld [tilespmem:s15+$0xFFFFE820];
	v13 =	vadd.f32 v13, v10;
	[tilespmem:s7+$0xFFFFFFF0] =	vst v14  }
0x297: {  	[tilespmem:s7+$0xFFFFFF30] =	vst v12;
	v12 =	vadd.f32 v17, v9;
	v14 =	vld [tilespmem:s15+$0x70]  }
0x298: {  	v16 =	vadd.f32 v16, v22;
	v17 =	vld [tilespmem:s15+$0xFFFFE830];
	[tilespmem:s7+$0xFFFFFF40] =	vst v15  }
0x299: {  	v15 =	vmul.f32 $2.771281240e+01, v18;
	v18 =	vld [tilespmem:s15+$0xFFFFE840];
	[tilespmem:s7+$0xFFFFFF50] =	vst v13  }
0x29a: {  	[tilespmem:s7+$0xFFFFFF00] =	vst v16;
	v13 =	vld [tilespmem:s15+$0xFFFFE850];
	v16 =	vmul.f32 $2.771281240e+01, v19  }
0x29b: {  	v19 =	vld [tilespmem:s15+$0xFFFFE800];
	v15 =	vadd.f32 v15, v8;
	v23 =	vmul.f32 $2.771281240e+01, v23;
	[tilespmem:s7+$0xFFFFFF60] =	vst v12  }
0x29c: {  	v12 =	vld [tilespmem:s15+$0xFFFFE860];
	v14 =	vmul.f32 $2.771281240e+01, v14;
	v16 =	vadd.f32 v16, v6;
	v6 =	vmov v22  }
0x29d: {  	[tilespmem:s7+$0xFFFFFF90] =	vst v15;
	v15 =	vadd.f32 v23, v7;
	v17 =	vmul.f32 $2.771281240e+01, v17;
	v22 =	vld [tilespmem:s11+$0x1830]  }
0x29e: {  	v23 =	vld [tilespmem:s15+$0x10];
	v18 =	vmul.f32 $2.771281240e+01, v18;
	v14 =	vadd.f32 v14, v11;
	[tilespmem:s2+$0x80] =	vst v16  }
0x29f: {  	[tilespmem:s7+$0xFFFFFFA0] =	vst v15;
	v15 =	vadd.f32 v17, v20;
	v13 =	vmul.f32 $2.771281240e+01, v13;
	v16 =	vld [tilespmem:s11+$0x1840]  }
0x2a0: {  	v17 =	vmul.f32 $2.771281240e+01, v19;
	v19 =	vld [tilespmem:s15+$0x20];
	v18 =	vadd.f32 v18, v21;
	[tilespmem:s7+$0x70] =	vst v14  }
0x2a1: {  	[tilespmem:s7+$0xFFFFFFB0] =	vst v15;
	v13 =	vadd.f32 v13, v10;
	v12 =	vmul.f32 $2.771281240e+01, v12;
	v14 =	vld [tilespmem:s15+$0x1870]  }
0x2a2: {  	v15 =	vadd.f32 v17, v6;
	v17 =	vld [tilespmem:s15+$0x30];
	[tilespmem:s7+$0xFFFFFFC0] =	vst v18;
	v18 =	vmul.f32 $2.771281240e+01, v22  }
0x2a3: {  	v22 =	vmul.f32 $2.771281240e+01, v23;
	v23 =	vld [tilespmem:s15+$0x40];
	[tilespmem:s7+$0xFFFFFFD0] =	vst v13;
	v12 =	vadd.f32 v12, v9  }
0x2a4: {  	[tilespmem:s7+$0xFFFFFF80] =	vst v15;
	v24 =	vld [tilespmem:s15+$0x50];
	v13 =	vadd.f32 v18, v4;
	v15 =	vmul.f32 $2.771281240e+01, v16;
	v4 =	vmov v20  }
0x2a5: {  	v18 =	vld [tilespmem:s15+$0x0];
	v16 =	vadd.f32 v22, v8;
	v19 =	vmul.f32 $2.771281240e+01, v19;
	[tilespmem:s7+$0xFFFFFFE0] =	vst v12  }
.Ltmp4:
0x2a6: {  	v12 =	vld [tilespmem:s15+$0x60];
	v14 =	vmul.f32 $2.771281240e+01, v14;
	[tilespmem:s2+$0xB0] =	vst v13;
	v20 =	vadd.f32 v15, v5;
	v5 =	vmov v21;
	(pc) =	sbr.rel @p0 .LBB2_12-.Ltmp4, $4  }
0x2a7: {  	[tilespmem:s7+$0x10] =	vst v16;
	v16 =	vadd.f32 v19, v7;
	v17 =	vmul.f32 $2.771281240e+01, v17;
	v15 =	vld [tilespmem:s11+$0x1850]  }
0x2a8: {  	v13 =	vld [tilespmem:s15+$0x1810];
	v21 =	vmul.f32 $2.771281240e+01, v23;
	v22 =	vadd.f32 v14, v11;
	[tilespmem:s2+$0xC0] =	vst v20  }
0x2a9: {  	[tilespmem:s7+$0x20] =	vst v16;
	v11 =	vadd.f32 v17, v4;
	v17 =	vmul.f32 $2.771281240e+01, v24;
	v16 =	vld [tilespmem:s11+$0x1860];
	s11 =	smov.u32 s15  }
0x2aa: {  	s15 =	sadd.s32 $0x400, s15;
	v19 =	vmul.f32 $2.771281240e+01, v18;
	v14 =	vld [tilespmem:s11+$0x1820];
	v18 =	vadd.f32 v21, v5;
	[tilespmem:s7+$0xF0] =	vst v22  }
0x2ab: {  	_ = 	snop  }
0x2ac: {  	v19 =	vadd.f32 v19, v6;
	_ =	sdelay $0x1  }
0x2ad: {  	v12 =	vmul.f32 $2.771281240e+01, v12;
	[tilespmem:s7+$0x0] =	vst v19  }
0x2ae: {  	[tilespmem:s7+$0x30] =	vst v11;
	v53 =	vadd.f32 v17, v10;
	v54 =	vld [tilespmem:s11+$0x1800]  }
0x2af: {  	[tilespmem:s7+$0x40] =	vst v18;
	v15 =	vmul.f32 $2.771281240e+01, v15;
	v55 =	vld [tilespmem:s11+$0x1830];
	v12 =	vadd.f32 v12, v9  }
0x2b0: {  	v13 =	vmul.f32 $2.771281240e+01, v13;
	[tilespmem:s7+$0x50] =	vst v53;
	v56 =	vld [tilespmem:s11+$0x1840]  }
0x2b1: {  	v3 =	vadd.f32 v15, v3;
	v57 =	vmul.f32 $2.771281240e+01, v16;
	v58 =	vld [tilespmem:s11+$0x1850];
	[tilespmem:s7+$0x60] =	vst v12  }
0x2b2: {  	v8 =	vadd.f32 v13, v8;
	v59 =	vmul.f32 $2.771281240e+01, v14;
	v60 =	vld [tilespmem:s11+$0x1860]  }
0x2b3: {  	[tilespmem:s2+$0xD0] =	vst v3;
	v2 =	vadd.f32 v57, v2;
	v3 =	vmul.f32 $2.771281240e+01, v54  }
0x2b4: {  	[tilespmem:s7+$0x90] =	vst v8;
	v7 =	vadd.f32 v59, v7;
	v61 =	vmul.f32 $2.771281240e+01, v55  }
0x2b5: {  	s21 =	sadd.s32 $0x1, s21;
	[tilespmem:s2+$0xE0] =	vst v2;
	v2 =	vadd.f32 v3, v6;
	v3 =	vmul.f32 $2.771281240e+01, v56  }
0x2b6: {  	p0 =	sne.s32 s21, $0x8;
	[tilespmem:s7+$0xA0] =	vst v7;
	v4 =	vadd.f32 v61, v4;
	v62 =	vmul.f32 $2.771281240e+01, v58  }
.Ltmp5:
0x2b7: {  	[tilespmem:s7+$0x80] =	vst v2;
	v2 =	vadd.f32 v3, v5;
	v3 =	vmul.f32 $2.771281240e+01, v60;
	(pc) =	sbr.rel @p0 .LBB2_11-.Ltmp5, $4  }
0x2b8: {  	[tilespmem:s7+$0xB0] =	vst v4;
	v63 =	vadd.f32 v62, v10  }
0x2b9: {  	[tilespmem:s7+$0xC0] =	vst v2;
	v2 =	vadd.f32 v3, v9  }
0x2ba: {  	[tilespmem:s7+$0xD0] =	vst v63  }
0x2bb: {  	s31 =	sadd.s32 $0x80, s31;
	s0 =	sadd.s32 $0x300, s0;
	s13 =	sadd.s32 $0xC00, s13;
	[tilespmem:s7+$0xE0] =	vst v2  }
0x2bc: {  	s0 =	sshll.u32 s28, $0x6  }
0x2bd: {  	p0 =	seq.s32 s28, $0x7;
	s0 =	sadd.s32 s6, s0  }
.Ltmp6:
0x2be: {  	s0 =	sshrl.u32 s0, $0x2;
	(pc) =	sbr.rel @p0 .LBB2_16-.Ltmp6, $3  }
0x2bf: {  	s0 =	smul.u32 $0x180, s0;
	_ =	sdelay $0x1  }
0x2c0: {  	s0 =	sadd.s32 s4, s0  }
0x2c1: {  	[hbm4b:s0+s5] =	stream.linear.scatter [tilespmem:s20], [sflag:$0x5], $0x6000, $0x38;
	[tilespmem:$0x1B200] =	vst v63  }
0x2c2: {  	s0 =	sadd.s32 $0x2, s30  }
0x2c3: {  	s2 =	sshll.u32 s0, $0x5  }
0x2c4: {  	s2 =	sadd.s32 s6, s2  }
0x2c5: {  	s2 =	sshrl.u32 s2, $0x2  }
0x2c6: {  	s2 =	smul.u32 $0x60, s2;
	_ =	sdelay $0x1  }
0x2c7: {  	s7 =	simm.s32 $0x18200;
	s0 =	sshll.u32 s0, $0x3;
	s2 =	sadd.s32 s3, s2  }
0x2c8: {  	[tilespmem:s7], [sflag:$0x3] =	stream.linear.gather [hbm4b:s2+s5], $0x1800, $0x38;
	[tilespmem:$0x1B200] =	vst v63  }
0x2c9: {  	v2 =	vld.msk [tilespmem:s0+$0x0], $0xff;
	_ =	sdelay $0x4  }
0x2ca: {  	v3 =	vshrl.u32 v2, $0x3  }
0x2cb: {  	v3 =	vmul.u32 $0x30, v3  }
0x2cc: {  	v2 =	vand.u32 $0x7, v2  }
0x2cd: {  	v2 =	vor.u32 v2, v3  }
0x2ce: {  	v2 =	vperm.xlane v2, v0;
	_ =	sdelay $0x1  }
0x2cf: {  	v2 =	vadd.s32 v1, v2;
	_ =	sdelay $0x3  }
0x2d0: {  	s15 =	simm.s32 $0x200  }
0x2d1: {  	[tilespmem:s15], [sflag:$0x1] =	stream.indirect_vreg.gather [hbm4b:s1+s5], $0x80, v2, vm0, $0xb8;
	[tilespmem:$0x1B200] =	vst v63  }
0x2d2: {  	s21 =	simm.s32 $0xA00  }
0x2d3: {  	[tilespmem:s21], [sflag:$0x1] =	stream.indirect_vreg.gather [hbm4b:s9+s5], $0x80, v2, vm0, $0xb8;
	[tilespmem:$0x1B200] =	vst v63  }
0x2d4: {  	s30 =	simm.s32 $0x1200;
	s0 =	sand.u32 $0xF0, s0  }
0x2d5: {  	[tilespmem:s30], [sflag:$0x1] =	stream.indirect_vreg.gather [hbm4b:s10+s5], $0x80, v2, vm0, $0xb8;
	[tilespmem:$0x1B200] =	vst v63  }
0x2d6: {  	v2 =	vld.msk [tilespmem:s0+$0x80], $0xff;
	_ =	sdelay $0x4  }
0x2d7: {  	v3 =	vshrl.u32 v2, $0x3  }
0x2d8: {  	v3 =	vmul.u32 $0x30, v3  }
0x2d9: {  	v2 =	vand.u32 $0x7, v2  }
0x2da: {  	v2 =	vor.u32 v2, v3  }
0x2db: {  	v2 =	vperm.xlane v2, v0;
	_ =	sdelay $0x1  }
0x2dc: {  	v2 =	vadd.s32 v1, v2;
	_ =	sdelay $0x3  }
0x2dd: {  	s31 =	simm.s32 $0x1A00  }
0x2de: {  	[tilespmem:s31], [sflag:$0x1] =	stream.indirect_vreg.gather [hbm4b:s1+s5], $0x80, v2, vm0, $0xb8;
	[tilespmem:$0x1B200] =	vst v63  }
0x2df: {  	s7 =	simm.s32 $0x2200  }
0x2e0: {  	[tilespmem:s7], [sflag:$0x1] =	stream.indirect_vreg.gather [hbm4b:s9+s5], $0x80, v2, vm0, $0xb8;
	[tilespmem:$0x1B200] =	vst v63  }
0x2e1: {  	s11 =	simm.s32 $0x2A00;
	s12 =	sor.u32 $0x100, s0  }
0x2e2: {  	[tilespmem:s11], [sflag:$0x1] =	stream.indirect_vreg.gather [hbm4b:s10+s5], $0x80, v2, vm0, $0xb8;
	[tilespmem:$0x1B200] =	vst v63  }
0x2e3: {  	v2 =	vld.msk [tilespmem:s12+$0x0], $0xff;
	_ =	sdelay $0x4  }
0x2e4: {  	v3 =	vshrl.u32 v2, $0x3  }
0x2e5: {  	v3 =	vmul.u32 $0x30, v3  }
0x2e6: {  	v2 =	vand.u32 $0x7, v2  }
0x2e7: {  	v2 =	vor.u32 v2, v3  }
0x2e8: {  	v2 =	vperm.xlane v2, v0;
	_ =	sdelay $0x1  }
0x2e9: {  	v2 =	vadd.s32 v1, v2;
	_ =	sdelay $0x3  }
0x2ea: {  	s13 =	simm.s32 $0x3200  }
0x2eb: {  	[tilespmem:s13], [sflag:$0x1] =	stream.indirect_vreg.gather [hbm4b:s1+s5], $0x80, v2, vm0, $0xb8;
	[tilespmem:$0x1B200] =	vst v63  }
0x2ec: {  	s14 =	simm.s32 $0x3A00  }
0x2ed: {  	[tilespmem:s14], [sflag:$0x1] =	stream.indirect_vreg.gather [hbm4b:s9+s5], $0x80, v2, vm0, $0xb8;
	[tilespmem:$0x1B200] =	vst v63  }
0x2ee: {  	s15 =	simm.s32 $0x4200  }
0x2ef: {  	[tilespmem:s15], [sflag:$0x1] =	stream.indirect_vreg.gather [hbm4b:s10+s5], $0x80, v2, vm0, $0xb8;
	[tilespmem:$0x1B200] =	vst v63  }
0x2f0: {  	v2 =	vld.msk [tilespmem:s0+$0x180], $0xff;
	_ =	sdelay $0x4  }
0x2f1: {  	v3 =	vshrl.u32 v2, $0x3  }
0x2f2: {  	v3 =	vmul.u32 $0x30, v3  }
0x2f3: {  	v2 =	vand.u32 $0x7, v2  }
0x2f4: {  	v2 =	vor.u32 v2, v3  }
0x2f5: {  	v2 =	vperm.xlane v2, v0;
	_ =	sdelay $0x1  }
0x2f6: {  	v2 =	vadd.s32 v1, v2;
	_ =	sdelay $0x3  }
0x2f7: {  	s21 =	simm.s32 $0x4A00  }
0x2f8: {  	[tilespmem:s21], [sflag:$0x1] =	stream.indirect_vreg.gather [hbm4b:s1+s5], $0x80, v2, vm0, $0xb8;
	[tilespmem:$0x1B200] =	vst v63  }
0x2f9: {  	s30 =	simm.s32 $0x5200  }
0x2fa: {  	[tilespmem:s30], [sflag:$0x1] =	stream.indirect_vreg.gather [hbm4b:s9+s5], $0x80, v2, vm0, $0xb8;
	[tilespmem:$0x1B200] =	vst v63  }
0x2fb: {  	s31 =	simm.s32 $0x5A00  }
0x2fc: {  	[tilespmem:s31], [sflag:$0x1] =	stream.indirect_vreg.gather [hbm4b:s10+s5], $0x80, v2, vm0, $0xb8;
	[tilespmem:$0x1B200] =	vst v63  }
.LBB2_16:
0x2fd: {  	_ =	swait.ge [sflag:s22], $0x1800  }
0x2fe: {  	[sflag:s22] =	ssyncset.done $0x0  }
0x2ff: {  	[sflag:s22] =	ssyncadd.s32 $0xFFFFE800  }
0x300: {  	_ =	swait.ge [sflag:s22], $0x1800  }
0x301: {  	[sflag:s22] =	ssyncset.done $0x0  }
0x302: {  	[sflag:s22] =	ssyncadd.s32 $0xFFFFE800  }
0x303: {  	_ =	swait.ge [sflag:s22], $0x1800  }
0x304: {  	[sflag:s22] =	ssyncset.done $0x0  }
0x305: {  	[sflag:s22] =	ssyncadd.s32 $0xFFFFE800  }
0x306: {  	_ =	swait.ge [sflag:s22], $0x1800  }
0x307: {  	[sflag:s22] =	ssyncset.done $0x0  }
0x308: {  	[sflag:s22] =	ssyncadd.s32 $0xFFFFE800  }
0x309: {  	_ =	swait.ge [sflag:s23], $0x1800  }
0x30a: {  	[sflag:s23] =	ssyncset.done $0x0  }
0x30b: {  	[sflag:s23] =	ssyncadd.s32 $0xFFFFE800  }
0x30c: {  	_ =	swait.ge [sflag:s26], $0x6000  }
0x30d: {  	s21 =	simm.s32 $0x0;
	s30 =	simm.s32 $0x9200;
	[sflag:s26] =	ssyncset.done $0x0  }
0x30e: {  	s0 =	simm.s32 $0x19A40;
	s2 =	simm.s32 $0x12300;
	[sflag:s26] =	ssyncadd.s32 $0xFFFFA000  }
.LBB2_17:
0x30f: {  	v2 =	vld [tilespmem:s30+$0xFFFFD070]  }
0x310: {  	v4 =	vld [tilespmem:s30+$0xFFFFD000]  }
0x311: {  	v5 =	vld [tilespmem:s0+$0x30]  }
0x312: {  	v3 =	vld [tilespmem:s30+$0xFFFFD010]  }
0x313: {  	v6 =	vld [tilespmem:s30+$0xFFFFD020]  }
0x314: {  	v7 =	vld [tilespmem:s30+$0xFFFFD030]  }
0x315: {  	v8 =	vld [tilespmem:s30+$0xFFFFD040];
	v2 =	vmul.f32 $2.771281240e+01, v2  }
0x316: {  	v9 =	vld [tilespmem:s30+$0xFFFFD050]  }
0x317: {  	v15 =	vld [tilespmem:s0+$0xFFFFFFD0];
	v2 =	vadd.f32 v2, v5  }
0x318: {  	v10 =	vld [tilespmem:s30+$0xFFFFD060]  }
0x319: {  	v13 =	vld [tilespmem:s0+$0xFFFFFFE0];
	[tilespmem:s2+$0xFFFFFF70] =	vst v2  }
0x31a: {  	v2 =	vmul.f32 $2.771281240e+01, v3;
	v14 =	vld [tilespmem:s30+$0xFFFFE870]  }
0x31b: {  	v12 =	vld [tilespmem:s0+$0xFFFFFFF0]  }
0x31c: {  	v11 =	vld [tilespmem:s0+$0x0];
	v6 =	vmul.f32 $2.771281240e+01, v6;
	v16 =	vadd.f32 v2, v15  }
0x31d: {  	v3 =	vld [tilespmem:s0+$0x10]  }
0x31e: {  	v6 =	vadd.f32 v6, v13;
	v2 =	vld [tilespmem:s0+$0x20];
	[tilespmem:s2+$0xFFFFFF10] =	vst v16  }
0x31f: {  	v7 =	vmul.f32 $2.771281240e+01, v7;
	v16 =	vld [tilespmem:s30+$0xFFFFE810];
	v17 =	vmul.f32 $2.771281240e+01, v14  }
0x320: {  	[tilespmem:s2+$0xFFFFFF20] =	vst v6;
	v14 =	vld [tilespmem:s0+$0xFFFFFFC0]  }
0x321: {  	v7 =	vadd.f32 v7, v12;
	v6 =	vmul.f32 $2.771281240e+01, v8;
	v8 =	vadd.f32 v17, v5;
	v17 =	vld [tilespmem:s30+$0xFFFFE820]  }
0x322: {  	v9 =	vmul.f32 $2.771281240e+01, v9  }
0x323: {  	s11 =	sadd.s32 $0x400, s30;
	v4 =	vmul.f32 $2.771281240e+01, v4;
	[tilespmem:s2+$0xFFFFFF30] =	vst v7;
	v6 =	vadd.f32 v6, v11  }
0x324: {  	v20 =	vld [tilespmem:s11+$0xFFFFD000];
	v9 =	vadd.f32 v9, v3;
	[tilespmem:s2+$0xFFFFFFF0] =	vst v8;
	v8 =	vmul.f32 $2.771281240e+01, v10  }
0x325: {  	[tilespmem:s2+$0xFFFFFF40] =	vst v6;
	v10 =	vld [tilespmem:s30+$0xFFFFE830];
	v6 =	vmul.f32 $2.771281240e+01, v16;
	v4 =	vadd.f32 v4, v14  }
0x326: {  	[tilespmem:s2+$0xFFFFFF50] =	vst v9;
	v16 =	vld [tilespmem:s30+$0xFFFFE840];
	v8 =	vadd.f32 v8, v2;
	v9 =	vmul.f32 $2.771281240e+01, v17  }
0x327: {  	v6 =	vadd.f32 v6, v15;
	[tilespmem:s2+$0xFFFFFF00] =	vst v4;
	v4 =	vld [tilespmem:s30+$0xFFFFE850]  }
0x328: {  	v7 =	vld [tilespmem:s30+$0x70];
	[tilespmem:s2+$0xFFFFFF60] =	vst v8;
	v8 =	vadd.f32 v9, v13  }
0x329: {  	s12 =	sadd.s32 $0x80, s0;
	[tilespmem:s2+$0xFFFFFF90] =	vst v6;
	v9 =	vld [tilespmem:s30+$0xFFFFE860]  }
0x32a: {  	v21 =	vld [tilespmem:s12+$0x30];
	v6 =	vmul.f32 $2.771281240e+01, v10;
	[tilespmem:s2+$0xFFFFFFA0] =	vst v8  }
0x32b: {  	v8 =	vmul.f32 $2.771281240e+01, v16;
	v16 =	vld [tilespmem:s30+$0x20]  }
0x32c: {  	v22 =	vld [tilespmem:s11+$0xFFFFD010];
	v6 =	vadd.f32 v6, v12;
	v4 =	vmul.f32 $2.771281240e+01, v4  }
0x32d: {  	v23 =	vld [tilespmem:s11+$0xFFFFD020];
	v7 =	vmul.f32 $2.771281240e+01, v7  }
0x32e: {  	v17 =	vld [tilespmem:s30+$0xFFFFE800];
	[tilespmem:s2+$0xFFFFFFB0] =	vst v6;
	v4 =	vadd.f32 v4, v3;
	v6 =	vmul.f32 $2.771281240e+01, v9  }
0x32f: {  	v24 =	vld [tilespmem:s11+$0xFFFFD030];
	v7 =	vadd.f32 v7, v5  }
0x330: {  	v10 =	vld [tilespmem:s30+$0x10];
	[tilespmem:s2+$0xFFFFFFD0] =	vst v4;
	v4 =	vadd.f32 v6, v2;
	v6 =	vmul.f32 $2.771281240e+01, v16  }
0x331: {  	v25 =	vld [tilespmem:s11+$0xFFFFD040];
	[tilespmem:s2+$0x70] =	vst v7  }
0x332: {  	v26 =	vld [tilespmem:s11+$0xFFFFD060];
	[tilespmem:s2+$0xFFFFFFE0] =	vst v4;
	v4 =	vadd.f32 v6, v13  }
0x333: {  	v17 =	vmul.f32 $2.771281240e+01, v17;
	v8 =	vadd.f32 v8, v11;
	v7 =	vld [tilespmem:s30+$0x1870]  }
0x334: {  	[tilespmem:s2+$0x20] =	vst v4;
	v4 =	vld [tilespmem:s11+$0xFFFFD070]  }
0x335: {  	v9 =	vadd.f32 v17, v14;
	v17 =	vld [tilespmem:s30+$0x30];
	[tilespmem:s2+$0xFFFFFFC0] =	vst v8;
	v8 =	vmul.f32 $2.771281240e+01, v10  }
0x336: {  	v10 =	vld [tilespmem:s30+$0x40]  }
0x337: {  	[tilespmem:s2+$0xFFFFFF80] =	vst v9;
	v9 =	vld [tilespmem:s30+$0x50];
	v8 =	vadd.f32 v8, v15  }
0x338: {  	v16 =	vld [tilespmem:s30+$0x0];
	v7 =	vmul.f32 $2.771281240e+01, v7  }
0x339: {  	v6 =	vld [tilespmem:s30+$0x60];
	[tilespmem:s2+$0x10] =	vst v8;
	v4 =	vmul.f32 $2.771281240e+01, v4  }
0x33a: {  	v18 =	vld [tilespmem:s30+$0x1810];
	v8 =	vmul.f32 $2.771281240e+01, v17;
	v5 =	vadd.f32 v7, v5  }
0x33b: {  	v17 =	vld [tilespmem:s11+$0xFFFFD050];
	v10 =	vmul.f32 $2.771281240e+01, v10;
	v4 =	vadd.f32 v4, v21  }
0x33c: {  	s7 =	sadd.s32 $0x200, s2;
	v7 =	vadd.f32 v8, v12;
	v9 =	vmul.f32 $2.771281240e+01, v9;
	v8 =	vld [tilespmem:s12+$0xFFFFFFD0];
	[tilespmem:s2+$0xF0] =	vst v5  }
0x33d: {  	v19 =	vld [tilespmem:s30+$0x1820];
	v10 =	vadd.f32 v10, v11;
	[tilespmem:s7+$0xFFFFFF70] =	vst v4  }
0x33e: {  	[tilespmem:s2+$0x30] =	vst v7;
	v5 =	vadd.f32 v9, v3;
	v6 =	vmul.f32 $2.771281240e+01, v6;
	v4 =	vmul.f32 $2.771281240e+01, v16;
	v16 =	vld [tilespmem:s11+$0xFFFFE870]  }
0x33f: {  	v7 =	vld [tilespmem:s12+$0xFFFFFFE0];
	[tilespmem:s2+$0x40] =	vst v10;
	v10 =	vmul.f32 $2.771281240e+01, v22  }
0x340: {  	v18 =	vmul.f32 $2.771281240e+01, v18;
	[tilespmem:s2+$0x50] =	vst v5;
	v6 =	vadd.f32 v6, v2;
	v5 =	vld [tilespmem:s12+$0x0]  }
0x341: {  	v57 =	vadd.f32 v10, v8;
	v9 =	vadd.f32 v4, v14;
	v4 =	vld [tilespmem:s12+$0xFFFFFFF0]  }
0x342: {  	v56 =	vmul.f32 $2.771281240e+01, v23;
	v10 =	vld [tilespmem:s12+$0x10];
	v15 =	vadd.f32 v18, v15;
	[tilespmem:s2+$0x60] =	vst v6  }
0x343: {  	v6 =	vld [tilespmem:s12+$0xFFFFFFC0];
	[tilespmem:s7+$0xFFFFFF10] =	vst v57;
	v16 =	vmul.f32 $2.771281240e+01, v16  }
0x344: {  	v18 =	vmul.f32 $2.771281240e+01, v24;
	v22 =	vadd.f32 v56, v7;
	[tilespmem:s2+$0x90] =	vst v15;
	v23 =	vld [tilespmem:s11+$0xFFFFE810]  }
0x345: {  	v15 =	vmul.f32 $2.771281240e+01, v25;
	[tilespmem:s2+$0x0] =	vst v9;
	v9 =	vld [tilespmem:s12+$0x20];
	v16 =	vadd.f32 v16, v21  }
0x346: {  	v17 =	vmul.f32 $2.771281240e+01, v17;
	[tilespmem:s7+$0xFFFFFF20] =	vst v22;
	v58 =	vld [tilespmem:s30+$0x1800];
	v18 =	vadd.f32 v18, v4  }
0x347: {  	v20 =	vmul.f32 $2.771281240e+01, v20;
	v15 =	vadd.f32 v15, v5;
	[tilespmem:s7+$0xFFFFFFF0] =	vst v16;
	v16 =	vld [tilespmem:s11+$0xFFFFE820]  }
0x348: {  	v59 =	vmul.f32 $2.771281240e+01, v26;
	v17 =	vadd.f32 v17, v10;
	[tilespmem:s7+$0xFFFFFF30] =	vst v18;
	v18 =	vld [tilespmem:s11+$0x70]  }
0x349: {  	v19 =	vmul.f32 $2.771281240e+01, v19;
	v20 =	vadd.f32 v20, v6;
	[tilespmem:s7+$0xFFFFFF40] =	vst v15;
	v15 =	vld [tilespmem:s11+$0xFFFFE830]  }
0x34a: {  	[tilespmem:s7+$0xFFFFFF50] =	vst v17;
	v17 =	vld [tilespmem:s11+$0xFFFFE840];
	v23 =	vmul.f32 $2.771281240e+01, v23;
	v24 =	vadd.f32 v59, v9  }
0x34b: {  	v13 =	vadd.f32 v19, v13;
	[tilespmem:s7+$0xFFFFFF00] =	vst v20;
	v19 =	vld [tilespmem:s11+$0xFFFFE850];
	v20 =	vmul.f32 $2.771281240e+01, v58  }
0x34c: {  	v60 =	vld [tilespmem:s11+$0xFFFFE800];
	v23 =	vadd.f32 v23, v8;
	[tilespmem:s7+$0xFFFFFF60] =	vst v24;
	v16 =	vmul.f32 $2.771281240e+01, v16  }
0x34d: {  	[tilespmem:s2+$0xA0] =	vst v13;
	v13 =	vld [tilespmem:s11+$0xFFFFE860];
	v14 =	vadd.f32 v20, v14;
	v18 =	vmul.f32 $2.771281240e+01, v18  }
0x34e: {  	[tilespmem:s7+$0xFFFFFF90] =	vst v23;
	v20 =	vld [tilespmem:s30+$0x1830];
	v15 =	vmul.f32 $2.771281240e+01, v15;
	v16 =	vadd.f32 v16, v7  }
0x34f: {  	v17 =	vmul.f32 $2.771281240e+01, v17;
	v23 =	vld [tilespmem:s11+$0x10];
	[tilespmem:s2+$0x80] =	vst v14;
	v18 =	vadd.f32 v18, v21  }
0x350: {  	v14 =	vadd.f32 v15, v4;
	v15 =	vmul.f32 $2.771281240e+01, v19;
	[tilespmem:s7+$0xFFFFFFA0] =	vst v16;
	v16 =	vld [tilespmem:s30+$0x1840]  }
0x351: {  	v17 =	vadd.f32 v17, v5;
	v19 =	vmul.f32 $2.771281240e+01, v60;
	v61 =	vld [tilespmem:s11+$0x20];
	[tilespmem:s7+$0x70] =	vst v18  }
0x352: {  	v13 =	vmul.f32 $2.771281240e+01, v13;
	[tilespmem:s7+$0xFFFFFFB0] =	vst v14;
	v14 =	vadd.f32 v15, v10;
	v15 =	vld [tilespmem:s11+$0x1870]  }
0x353: {  	[tilespmem:s7+$0xFFFFFFC0] =	vst v17;
	v17 =	vmul.f32 $2.771281240e+01, v20;
	v18 =	vadd.f32 v19, v6;
	v19 =	vld [tilespmem:s11+$0x30]  }
0x354: {  	v62 =	vld [tilespmem:s11+$0x40];
	v20 =	vmul.f32 $2.771281240e+01, v23;
	v13 =	vadd.f32 v13, v9;
	[tilespmem:s7+$0xFFFFFFD0] =	vst v14  }
0x355: {  	v17 =	vadd.f32 v17, v12;
	[tilespmem:s7+$0xFFFFFF80] =	vst v18;
	v14 =	vld [tilespmem:s11+$0x50];
	v16 =	vmul.f32 $2.771281240e+01, v16  }
0x356: {  	v20 =	vadd.f32 v20, v8;
	[tilespmem:s7+$0xFFFFFFE0] =	vst v13;
	v18 =	vld [tilespmem:s11+$0x0];
	v22 =	vmul.f32 $2.771281240e+01, v61  }
0x357: {  	[tilespmem:s2+$0xB0] =	vst v17;
	v12 =	vld [tilespmem:s11+$0x60];
	v63 =	vmul.f32 $2.771281240e+01, v15;
	v11 =	vadd.f32 v16, v11  }
0x358: {  	[tilespmem:s7+$0x10] =	vst v20;
	v17 =	vmul.f32 $2.771281240e+01, v19;
	v15 =	vld [tilespmem:s30+$0x1850];
	v16 =	vadd.f32 v22, v7  }
0x359: {  	v20 =	vmul.f32 $2.771281240e+01, v62;
	v13 =	vld [tilespmem:s11+$0x1810];
	v21 =	vadd.f32 v63, v21;
	[tilespmem:s2+$0xC0] =	vst v11  }
0x35a: {  	v11 =	vadd.f32 v17, v4;
	v17 =	vmul.f32 $2.771281240e+01, v14;
	[tilespmem:s7+$0x20] =	vst v16;
	v16 =	vld [tilespmem:s30+$0x1860]  }
0x35b: {  	s14 =	simm.s32 $0x8;
	s13 =	smov.u32 s2;
	s15 =	sadd.s32 $0x400, s11;
	v19 =	vmul.f32 $2.771281240e+01, v18;
	v18 =	vadd.f32 v20, v5;
	v14 =	vld [tilespmem:s11+$0x1820];
	[tilespmem:s7+$0xF0] =	vst v21  }
.LBB2_18:
0x35c: {  	v20 =	vld [tilespmem:s15+$0xFFFFD070];
	s14 =	sadd.s32 $0x8, s14;
	[tilespmem:s7+$0x30] =	vst v11;
	v17 =	vadd.f32 v17, v10;
	v12 =	vmul.f32 $2.771281240e+01, v12  }
0x35d: {  	s12 =	sadd.s32 $0x80, s12;
	v21 =	vld [tilespmem:s15+$0xFFFFD000];
	p0 =	slt.u32 s14, $0x28;
	v19 =	vadd.f32 v19, v6;
	[tilespmem:s7+$0x40] =	vst v18;
	v15 =	vmul.f32 $2.771281240e+01, v15  }
0x35e: {  	v11 =	vld [tilespmem:s12+$0x30];
	v13 =	vmul.f32 $2.771281240e+01, v13;
	[tilespmem:s7+$0x50] =	vst v17;
	v12 =	vadd.f32 v12, v9  }
0x35f: {  	v17 =	vld [tilespmem:s15+$0xFFFFD010];
	[tilespmem:s7+$0x0] =	vst v19;
	v15 =	vadd.f32 v15, v3;
	v16 =	vmul.f32 $2.771281240e+01, v16;
	v3 =	vmov v10  }
0x360: {  	v10 =	vld [tilespmem:s15+$0xFFFFD020];
	v8 =	vadd.f32 v13, v8;
	v13 =	vmul.f32 $2.771281240e+01, v14;
	[tilespmem:s7+$0x60] =	vst v12  }
0x361: {  	v12 =	vld [tilespmem:s15+$0xFFFFD030];
	v14 =	vmul.f32 $2.771281240e+01, v20;
	[tilespmem:s13+$0xD0] =	vst v15;
	v15 =	vadd.f32 v16, v2;
	v2 =	vmov v9  }
0x362: {  	v16 =	vmul.f32 $2.771281240e+01, v21;
	v9 =	vld [tilespmem:s15+$0xFFFFD040];
	[tilespmem:s7+$0x90] =	vst v8;
	v7 =	vadd.f32 v13, v7  }
0x363: {  	v13 =	vld [tilespmem:s15+$0xFFFFD050];
	v14 =	vadd.f32 v14, v11;
	[tilespmem:s13+$0xE0] =	vst v15;
	s13 =	smov.u32 s7  }
0x364: {  	s7 =	sadd.s32 $0x200, s7;
	v15 =	vmul.f32 $2.771281240e+01, v17;
	v17 =	vld [tilespmem:s15+$0xFFFFD060];
	[tilespmem:s13+$0xA0] =	vst v7  }
0x365: {  	v8 =	vld [tilespmem:s12+$0xFFFFFFD0];
	v18 =	vmul.f32 $2.771281240e+01, v10;
	[tilespmem:s7+$0xFFFFFF70] =	vst v14  }
0x366: {  	v12 =	vmul.f32 $2.771281240e+01, v12;
	v14 =	vld [tilespmem:s15+$0xFFFFE870]  }
0x367: {  	v7 =	vld [tilespmem:s12+$0xFFFFFFE0];
	v19 =	vmul.f32 $2.771281240e+01, v9  }
0x368: {  	v20 =	vld [tilespmem:s12+$0xFFFFFFF0];
	v13 =	vmul.f32 $2.771281240e+01, v13  }
0x369: {  	v21 =	vld [tilespmem:s12+$0x0];
	v17 =	vmul.f32 $2.771281240e+01, v17  }
0x36a: {  	v15 =	vadd.f32 v15, v8;
	v10 =	vld [tilespmem:s12+$0x10]  }
0x36b: {  	v9 =	vld [tilespmem:s12+$0x20];
	v14 =	vmul.f32 $2.771281240e+01, v14  }
0x36c: {  	v22 =	vld [tilespmem:s12+$0xFFFFFFC0];
	[tilespmem:s7+$0xFFFFFF10] =	vst v15;
	v15 =	vadd.f32 v18, v7  }
0x36d: {  	v18 =	vld [tilespmem:s15+$0xFFFFE810];
	v12 =	vadd.f32 v12, v20;
	v14 =	vadd.f32 v14, v11  }
0x36e: {  	[tilespmem:s7+$0xFFFFFF20] =	vst v15;
	v15 =	vadd.f32 v19, v21;
	v19 =	vld [tilespmem:s11+$0x1800]  }
0x36f: {  	v23 =	vld [tilespmem:s15+$0xFFFFE820];
	v13 =	vadd.f32 v13, v10;
	[tilespmem:s7+$0xFFFFFFF0] =	vst v14  }
0x370: {  	[tilespmem:s7+$0xFFFFFF30] =	vst v12;
	v12 =	vadd.f32 v17, v9;
	v14 =	vld [tilespmem:s15+$0x70]  }
0x371: {  	v16 =	vadd.f32 v16, v22;
	v17 =	vld [tilespmem:s15+$0xFFFFE830];
	[tilespmem:s7+$0xFFFFFF40] =	vst v15  }
0x372: {  	v15 =	vmul.f32 $2.771281240e+01, v18;
	v18 =	vld [tilespmem:s15+$0xFFFFE840];
	[tilespmem:s7+$0xFFFFFF50] =	vst v13  }
0x373: {  	[tilespmem:s7+$0xFFFFFF00] =	vst v16;
	v13 =	vld [tilespmem:s15+$0xFFFFE850];
	v16 =	vmul.f32 $2.771281240e+01, v19  }
0x374: {  	v19 =	vld [tilespmem:s15+$0xFFFFE800];
	v15 =	vadd.f32 v15, v8;
	v23 =	vmul.f32 $2.771281240e+01, v23;
	[tilespmem:s7+$0xFFFFFF60] =	vst v12  }
0x375: {  	v12 =	vld [tilespmem:s15+$0xFFFFE860];
	v14 =	vmul.f32 $2.771281240e+01, v14;
	v16 =	vadd.f32 v16, v6;
	v6 =	vmov v22  }
0x376: {  	[tilespmem:s7+$0xFFFFFF90] =	vst v15;
	v15 =	vadd.f32 v23, v7;
	v17 =	vmul.f32 $2.771281240e+01, v17;
	v22 =	vld [tilespmem:s11+$0x1830]  }
0x377: {  	v23 =	vld [tilespmem:s15+$0x10];
	v18 =	vmul.f32 $2.771281240e+01, v18;
	v14 =	vadd.f32 v14, v11;
	[tilespmem:s13+$0x80] =	vst v16  }
0x378: {  	[tilespmem:s7+$0xFFFFFFA0] =	vst v15;
	v15 =	vadd.f32 v17, v20;
	v13 =	vmul.f32 $2.771281240e+01, v13;
	v16 =	vld [tilespmem:s11+$0x1840]  }
0x379: {  	v17 =	vmul.f32 $2.771281240e+01, v19;
	v19 =	vld [tilespmem:s15+$0x20];
	v18 =	vadd.f32 v18, v21;
	[tilespmem:s7+$0x70] =	vst v14  }
0x37a: {  	[tilespmem:s7+$0xFFFFFFB0] =	vst v15;
	v13 =	vadd.f32 v13, v10;
	v12 =	vmul.f32 $2.771281240e+01, v12;
	v14 =	vld [tilespmem:s15+$0x1870]  }
0x37b: {  	v15 =	vadd.f32 v17, v6;
	v17 =	vld [tilespmem:s15+$0x30];
	[tilespmem:s7+$0xFFFFFFC0] =	vst v18;
	v18 =	vmul.f32 $2.771281240e+01, v22  }
0x37c: {  	v22 =	vmul.f32 $2.771281240e+01, v23;
	v23 =	vld [tilespmem:s15+$0x40];
	[tilespmem:s7+$0xFFFFFFD0] =	vst v13;
	v12 =	vadd.f32 v12, v9  }
0x37d: {  	[tilespmem:s7+$0xFFFFFF80] =	vst v15;
	v24 =	vld [tilespmem:s15+$0x50];
	v13 =	vadd.f32 v18, v4;
	v15 =	vmul.f32 $2.771281240e+01, v16;
	v4 =	vmov v20  }
0x37e: {  	v18 =	vld [tilespmem:s15+$0x0];
	v16 =	vadd.f32 v22, v8;
	v19 =	vmul.f32 $2.771281240e+01, v19;
	[tilespmem:s7+$0xFFFFFFE0] =	vst v12  }
.Ltmp7:
0x37f: {  	v12 =	vld [tilespmem:s15+$0x60];
	v14 =	vmul.f32 $2.771281240e+01, v14;
	[tilespmem:s13+$0xB0] =	vst v13;
	v20 =	vadd.f32 v15, v5;
	v5 =	vmov v21;
	(pc) =	sbr.rel @p0 .LBB2_18-.Ltmp7, $4  }
0x380: {  	[tilespmem:s7+$0x10] =	vst v16;
	v16 =	vadd.f32 v19, v7;
	v17 =	vmul.f32 $2.771281240e+01, v17;
	v15 =	vld [tilespmem:s11+$0x1850]  }
0x381: {  	v13 =	vld [tilespmem:s15+$0x1810];
	v21 =	vmul.f32 $2.771281240e+01, v23;
	v22 =	vadd.f32 v14, v11;
	[tilespmem:s13+$0xC0] =	vst v20  }
0x382: {  	[tilespmem:s7+$0x20] =	vst v16;
	v11 =	vadd.f32 v17, v4;
	v17 =	vmul.f32 $2.771281240e+01, v24;
	v16 =	vld [tilespmem:s11+$0x1860];
	s11 =	smov.u32 s15  }
0x383: {  	s15 =	sadd.s32 $0x400, s15;
	v19 =	vmul.f32 $2.771281240e+01, v18;
	v14 =	vld [tilespmem:s11+$0x1820];
	v18 =	vadd.f32 v21, v5;
	[tilespmem:s7+$0xF0] =	vst v22  }
0x384: {  	_ = 	snop  }
0x385: {  	v19 =	vadd.f32 v19, v6;
	_ =	sdelay $0x1  }
0x386: {  	v12 =	vmul.f32 $2.771281240e+01, v12;
	[tilespmem:s7+$0x0] =	vst v19  }
0x387: {  	[tilespmem:s7+$0x30] =	vst v11;
	v53 =	vadd.f32 v17, v10;
	v54 =	vld [tilespmem:s11+$0x1800]  }
0x388: {  	[tilespmem:s7+$0x40] =	vst v18;
	v15 =	vmul.f32 $2.771281240e+01, v15;
	v55 =	vld [tilespmem:s11+$0x1830];
	v12 =	vadd.f32 v12, v9  }
0x389: {  	v13 =	vmul.f32 $2.771281240e+01, v13;
	[tilespmem:s7+$0x50] =	vst v53;
	v56 =	vld [tilespmem:s11+$0x1840]  }
0x38a: {  	v3 =	vadd.f32 v15, v3;
	v57 =	vmul.f32 $2.771281240e+01, v16;
	v58 =	vld [tilespmem:s11+$0x1850];
	[tilespmem:s7+$0x60] =	vst v12  }
0x38b: {  	v8 =	vadd.f32 v13, v8;
	v59 =	vmul.f32 $2.771281240e+01, v14;
	v60 =	vld [tilespmem:s11+$0x1860]  }
0x38c: {  	[tilespmem:s13+$0xD0] =	vst v3;
	v2 =	vadd.f32 v57, v2;
	v3 =	vmul.f32 $2.771281240e+01, v54  }
0x38d: {  	[tilespmem:s7+$0x90] =	vst v8;
	v7 =	vadd.f32 v59, v7;
	v61 =	vmul.f32 $2.771281240e+01, v55  }
0x38e: {  	s21 =	sadd.s32 $0x1, s21;
	[tilespmem:s13+$0xE0] =	vst v2;
	v2 =	vadd.f32 v3, v6;
	v3 =	vmul.f32 $2.771281240e+01, v56  }
0x38f: {  	p0 =	sne.s32 s21, $0x8;
	[tilespmem:s7+$0xA0] =	vst v7;
	v4 =	vadd.f32 v61, v4;
	v62 =	vmul.f32 $2.771281240e+01, v58  }
.Ltmp8:
0x390: {  	[tilespmem:s7+$0x80] =	vst v2;
	v2 =	vadd.f32 v3, v5;
	v3 =	vmul.f32 $2.771281240e+01, v60;
	(pc) =	sbr.rel @p0 .LBB2_17-.Ltmp8, $4  }
0x391: {  	[tilespmem:s7+$0xB0] =	vst v4;
	v63 =	vadd.f32 v62, v10  }
0x392: {  	[tilespmem:s7+$0xC0] =	vst v2;
	v2 =	vadd.f32 v3, v9  }
0x393: {  	[tilespmem:s7+$0xD0] =	vst v63  }
0x394: {  	s30 =	sadd.s32 $0x80, s30;
	s0 =	sadd.s32 $0x300, s0;
	s2 =	sadd.s32 $0xC00, s2;
	[tilespmem:s7+$0xE0] =	vst v2  }
0x395: {  	s28 =	sadd.s32 $0x1, s28  }
0x396: {  	p0 =	sne.s32 s28, $0x8  }
.Ltmp9:
0x397: {  	_ = 	snop;
	(pc) =	sbr.rel @p0 .LBB2_10-.Ltmp9, $3  }
0x398: {  	s0 =	smul.u32 $0x180, s29;
	_ =	sdelay $0x1  }
0x399: {  	s0 =	sadd.s32 s4, s0  }
0x39a: {  	[hbm4b:s0+s5] =	stream.linear.scatter [tilespmem:s24], [sflag:$0x6], $0x6000, $0x38;
	[tilespmem:$0x1B200] =	vst v63  }
0x39b: {  	_ =	swait.ge [sflag:s25], $0x6000  }
0x39c: {  	[sflag:s25] =	ssyncset.done $0x0  }
0x39d: {  	[sflag:s25] =	ssyncadd.s32 $0xFFFFA000  }
0x39e: {  	_ =	swait.ge [sflag:s26], $0x6000  }
0x39f: {  	s2 =	rddreg [dreg:$0xc]  }
0x3a0: {  	s0 =	rddreg [dreg:$0xb];
	s2 =	sadd.s32 $0x1, s2  }
0x3a1: {  	p0 =	sne.s32 s2, s0  }
.Ltmp10:
0x3a2: {  	_ = 	snop;
	(pc) =	sbr.rel @p0 .LBB2_1-.Ltmp10, $3  }
0x3a3: {  	_ =	sdelay $0x1  }
0x3a4: {  	[sflag:s26] =	ssyncset.done $0x0  }
0x3a5: {  	[sflag:s26] =	ssyncadd.s32 $0xFFFFA000  }
0x3a6: {  	_ =	sfence.sel $0x180000  }
0x3a7: {  	[bflag:$0x0] =	sbarrier.arrive $0xFFFF  }
0x3a8: {  	_ =	strace $0x90000047  }
0x3a9: {  	s0 =	stileid.u32;
	[bflag:$0x2] =	sbarrier.arrive $0xFFFF  }
0x3aa: {  	p0 =	sne.s32 s0, $0x0;
	s0 =	rddreg [dreg:$0x4]  }
0x3ab: {  	s0 =	sadd.s32 @!p0 $0x100000, s0  }
0x3ac: {  	[sflag:s0] =	ssyncadd.tile.s32 @!p0 $0x1;
	_ =	shalt  }
.Lfunc_end2:
_tile_overlayer_lowered:
.L_overlay_start_2:
0x3ad: {  	(tag) =	ssettag $0x2  }
0x3ae: {  	s0 =	rddreg [dreg:$0x0];
	s2 =	stileid.u32  }
0x3af: {  	s1 =	rddreg [dreg:$0x1];
	p0 =	sne.s32 s2, $0x0  }
0x3b0: {  	s3 =	rddreg [dreg:$0x2];
	[bflag:$0x3] =	sbarrier.arrive $0xFFFF;
	s2 =	simm.s32 @!p0 $0x1C07  }
0x3b1: {  	[timem:s3], [sflag:s2] =	dma.local @!p0 [hbm:s0], s1  }
0x3b2: {  	s0 =	simm.s32 @!p0 $0x7  }
0x3b3: {  	_ =	swait.ge @!p0 [sflag:s0], s1  }
0x3b4: {  	s1 =	ssub.s32 @!p0 $0x0, s1;
	[sflag:s0] =	ssyncset.done @!p0 $0x0  }
0x3b5: {  	[sflag:s0] =	ssyncadd.s32 @!p0 s1  }
0x3b6: {  	[bflag:$0x3] =	sbarrier.arrive $0xFFFF  }
0x3b7: {  	_ =	shalt  }

</sc_bundles>
